<compile_context>
chip_gen: v7x
topology: tpu7x:2x2x1
jax: 0.10.2.dev20260603
libtpu: 0.0.44.dev20260713+nightly
codegen_flags: <defaults>
</compile_context>

<pallas_src>
import functools

import jax
import jax.numpy as jnp
from jax import lax
from jax.experimental import pallas as pl
from jax.experimental.pallas import tpu as pltpu
from jax.experimental.pallas import tpu_sc as plsc

N = 10000
E = 320000
IN_DIM = 128
HID = 64

NC = 2
NS = 16
NPAD = 10240
RPT = NPAD // NS
EB = 112
EPAD = 322560
F0 = 215040
W = 128

RB = 512
NRB = (N + RB - 1) // RB

f32 = jnp.float32



def _make_sc_agg(col_split):
  mesh = plsc.VectorSubcoreMesh(core_axis_name="c", subcore_axis_name="s")
  if col_split:
    eps = EPAD // NS
    nblk = eps // EB
  else:
    eps0 = F0 // NS
    eps1 = (EPAD - F0) // NS
    nblk0 = eps0 // EB
    nblk1 = eps1 // EB

  @functools.partial(
      pl.kernel,
      out_type=jax.ShapeDtypeStruct((NC, NPAD, W), f32),
      mesh=mesh,
      scratch_types=[
          pltpu.VMEM((EB,), jnp.int32),
          pltpu.VMEM((EB,), jnp.int32),
          pltpu.VMEM((EB,), jnp.int32),
          pltpu.VMEM((EB,), jnp.int32),
          pltpu.VMEM((EB, W), f32),
          pltpu.VMEM((EB, W), f32),
          pltpu.VMEM_SHARED((NPAD, W), f32),
          pltpu.SemaphoreType.DMA,
          pltpu.SemaphoreType.DMA,
      ],
  )
  def agg(hp_hbm, src_hbm, dst_hbm, zeros_hbm, out_hbm,
          src0_v, src1_v, dst0_v, dst1_v, buf0_v, buf1_v, acc,
          gsem0, gsem1):
    c = lax.axis_index("c")
    s = lax.axis_index("s")
    pltpu.sync_copy(zeros_hbm, acc.at[pl.ds(s * RPT, RPT)])
    plsc.subcore_barrier()

    def offs(k):
      if col_split:
        base = s * eps + k * EB
        src_off = c * EPAD + base
      else:
        base = jnp.where(c == 0, s * eps0 + k * EB,
                         F0 + s * eps1 + k * EB)
        src_off = base
      return src_off, base

    def load_fire(k, src_v, dst_v, buf_v, sem):
      src_off, base = offs(k)
      pltpu.sync_copy(src_hbm.at[pl.ds(src_off, EB)], src_v)
      pltpu.sync_copy(dst_hbm.at[pl.ds(base, EB)], dst_v)
      pltpu.async_copy(hp_hbm.at[src_v], buf_v, sem)

    load_fire(0, src0_v, dst0_v, buf0_v, gsem0)

    def body(g, carry):
      load_fire(2 * g + 1, src1_v, dst1_v, buf1_v, gsem1)
      pltpu.make_async_copy(hp_hbm.at[pl.ds(0, EB)], buf0_v, gsem0).wait()
      pltpu.sync_copy(buf0_v, acc.at[dst0_v], add=True)
      load_fire(2 * g + 2, src0_v, dst0_v, buf0_v, gsem0)
      pltpu.make_async_copy(hp_hbm.at[pl.ds(0, EB)], buf1_v, gsem1).wait()
      pltpu.sync_copy(buf1_v, acc.at[dst1_v], add=True)
      return carry

    ngrp = (nblk // 2) if col_split else jnp.where(c == 0, nblk0 // 2,
                                                  nblk1 // 2)
    lax.fori_loop(0, ngrp, body, 0)
    pltpu.make_async_copy(hp_hbm.at[pl.ds(0, EB)], buf0_v, gsem0).wait()
    plsc.subcore_barrier()
    pltpu.sync_copy(acc.at[pl.ds(s * RPT, RPT)],
                    out_hbm.at[c, pl.ds(s * RPT, RPT)])

  return agg


def _make_sc_deg():
  mesh = plsc.VectorSubcoreMesh(core_axis_name="c", subcore_axis_name="s")
  eps = EPAD // (NC * NS)
  nblk = eps // EB

  @functools.partial(
      pl.kernel,
      out_type=jax.ShapeDtypeStruct((NC, NPAD, W), f32),
      mesh=mesh,
      scratch_types=[
          pltpu.VMEM((EB,), jnp.int32),
          pltpu.VMEM((EB, W), f32),
          pltpu.VMEM_SHARED((NPAD, W), f32),
      ],
  )
  def deg(ones_hbm, dst_hbm, zeros_hbm, out_hbm, dst_v, ones_v, acc):
    c = lax.axis_index("c")
    s = lax.axis_index("s")
    pltpu.sync_copy(zeros_hbm, acc.at[pl.ds(s * RPT, RPT)])
    pltpu.sync_copy(ones_hbm, ones_v)
    plsc.subcore_barrier()

    def body(k, carry):
      base = (c * NS + s) * eps + k * EB
      pltpu.sync_copy(dst_hbm.at[pl.ds(base, EB)], dst_v)
      pltpu.sync_copy(ones_v, acc.at[dst_v], add=True)
      return carry

    lax.fori_loop(0, nblk, body, 0)
    plsc.subcore_barrier()
    pltpu.sync_copy(acc.at[pl.ds(s * RPT, RPT)],
                    out_hbm.at[c, pl.ds(s * RPT, RPT)])

  return deg



def _full(shape):
  return pl.BlockSpec(shape, lambda i: tuple(0 for _ in shape))


def _rows(shape):
  rank = len(shape)
  return pl.BlockSpec(shape, lambda i: (i,) + tuple(0 for _ in range(rank - 1)))


def _halves(shape):
  return pl.BlockSpec(shape, lambda i: (0, i, 0))


def _cat2(ref):
  return jnp.concatenate([ref[0], ref[1]], axis=1)


def _sum2(ref):
  return ref[0] + ref[1]


def _tc_a_body(dp_ref, x_ref, we1_ref, dinv_ref, hp1_ref):
  deg = dp_ref[0, :, 0] + dp_ref[1, :, 0] + 1.0
  dinv = lax.rsqrt(deg)[:, None]
  x = x_ref[...]
  h = jnp.dot(x, we1_ref[...], preferred_element_type=f32)
  q0 = dinv * (1.0 - 2.0 * x[:, 0:1])
  wide = jnp.concatenate(
      [h * dinv, q0, jnp.zeros((RB, W - HID - 1), f32)], axis=1)
  dinv_ref[...] = dinv
  hp1_ref[...] = wide


def _tc_b_body(agg1_ref, hp1_ref, dinv_ref, we1_ref, w2_ref, be1_ref,
               hp2_ref):
  a = _sum2(agg1_ref) + hp1_ref[...]
  dinv = dinv_ref[...]
  pre1 = dinv * a[:, :64] + be1_ref[...][None, :]
  q = dinv * a[:, 64:65]
  h1 = jnp.maximum(pre1, 0.0)
  h1cf = jnp.maximum(pre1 + q * we1_ref[0:1, :], 0.0)
  w2 = w2_ref[...]
  h2 = jnp.concatenate(
      [jnp.dot(h1, w2, preferred_element_type=f32),
       jnp.dot(h1cf, w2[:, :32], preferred_element_type=f32),
       jnp.zeros((RB, 32), f32)], axis=1)
  hp2_ref[...] = dinv * h2


def _tc_c_body(agg2_ref, hp2_ref, dinv_ref, be2_ref, zs_ref, zns_ref,
               hp3_ref):
  a = _sum2(agg2_ref) + hp2_ref[...]
  dinv = dinv_ref[...]
  s2 = dinv * a
  be2 = be2_ref[...]
  z = s2[:, :64] + be2[None, :]
  z_s = z[:, :32]
  z_ns = z[:, 32:]
  z_s_cf = s2[:, 64:96] + be2[None, :32]
  zs_ref[...] = z_s
  zns_ref[...] = z_ns
  hp3_ref[...] = dinv * jnp.concatenate(
      [z_s, z_ns, z_s_cf, jnp.zeros((RB, 32), f32)], axis=1)


def _tc_d_body(agg3_ref, hp3_ref, dinv_ref, wa11_ref, wa21_ref, ws_ref,
               ba11_ref, ba21_ref, bs_ref, hs_ref, hp4_ref):
  v = dinv_ref[...] * (_sum2(agg3_ref) + hp3_ref[...])
  p_zs = v[:, 0:32]
  p_zns = v[:, 32:64]
  p_zscf = v[:, 64:96]
  wa11 = wa11_ref[...]
  ba11 = ba11_ref[...][None, :]
  u1 = jnp.maximum(jnp.dot(p_zs, wa11, preferred_element_type=f32) + ba11,
                   0.0)
  u2 = jnp.maximum(jnp.dot(p_zns, wa21_ref[...], preferred_element_type=f32)
                   + ba21_ref[...][None, :], 0.0)
  u3 = jnp.maximum(jnp.dot(p_zscf, wa11, preferred_element_type=f32) + ba11,
                   0.0)
  hs_ref[...] = (jnp.dot(p_zns, ws_ref[...], preferred_element_type=f32)
                 + bs_ref[...][None, :])
  dinv = dinv_ref[...]
  hp4_ref[0] = dinv * jnp.concatenate([u1, u2], axis=1)
  hp4_ref[1] = dinv * jnp.concatenate([u3, jnp.zeros((RB, 64), f32)], axis=1)


def _tc_e_body(agg4_ref, hp4_ref, dinv_ref, wa12_ref, wa22_ref,
               ba12_ref, ba22_ref, xs_ref, xns_ref, xscf_ref):
  va = dinv_ref[...] * (_cat2(agg4_ref) + _cat2(hp4_ref))
  wa12 = wa12_ref[...]
  ba12 = ba12_ref[...][None, :]
  xs_ref[...] = (jnp.dot(va[:, 0:64], wa12, preferred_element_type=f32)
                 + ba12)
  xns_ref[...] = (jnp.dot(va[:, 64:128], wa22_ref[...],
                          preferred_element_type=f32)
                  + ba22_ref[...][None, :])
  xscf_ref[...] = (jnp.dot(va[:, 128:192], wa12, preferred_element_type=f32)
                   + ba12)


def _tc_f_body(a_ref, b_ref, out_ref):
  out_ref[...] = lax.dot_general(
      a_ref[...], b_ref[...], (((1,), (1,)), ((), ())),
      preferred_element_type=f32)



def kernel(x, W_e1, b_e1, W_e2, b_e2, Wa11, ba11, Wa12, ba12, Wa21, ba21,
           Wa22, ba22, Ws, bs, edge_index):
  pad = jnp.full((EPAD - E,), N, jnp.int32)
  padd = N + 8 + (jnp.arange(EPAD - E, dtype=jnp.int32) % (NPAD - N - 8))
  ext = jnp.full((EB,), N, jnp.int32)
  src = jnp.concatenate([edge_index[0].astype(jnp.int32), pad, ext])
  dst = jnp.concatenate([edge_index[1].astype(jnp.int32), padd, ext + 8])
  src2 = jnp.concatenate([src[:EPAD], src[:EPAD] + NPAD, ext])
  zrows = jnp.zeros((RPT, W), f32)

  agg_es = _make_sc_agg(col_split=False)
  agg_cs = _make_sc_agg(col_split=True)

  degpart = _make_sc_deg()(jnp.ones((EB, W), f32), dst, zrows)

  tc_a = pl.pallas_call(
      _tc_a_body,
      grid=(NRB,),
      in_specs=[_halves((2, RB, W)),
                _rows((RB, IN_DIM)), _full((IN_DIM, HID))],
      out_specs=[_rows((RB, 1)), _rows((RB, W))],
      out_shape=[jax.ShapeDtypeStruct((N, 1), f32),
                 jax.ShapeDtypeStruct((NPAD, W), f32)],
  )
  dinv, hp1 = tc_a(degpart, x, W_e1)

  agg1 = agg_es(hp1, src, dst, zrows)

  tc_b = pl.pallas_call(
      _tc_b_body,
      grid=(NRB,),
      in_specs=[_halves((2, RB, W)), _rows((RB, W)), _rows((RB, 1)),
                _full((IN_DIM, HID)), _full((HID, HID)), _full((HID,))],
      out_specs=[_rows((RB, W))],
      out_shape=[jax.ShapeDtypeStruct((NPAD, W), f32)],
  )
  (hp2,) = tc_b(agg1, hp1, dinv, W_e1, W_e2, b_e1)

  agg2 = agg_es(hp2, src, dst, zrows)

  h = HID // 2
  tc_c = pl.pallas_call(
      _tc_c_body,
      grid=(NRB,),
      in_specs=[_halves((2, RB, W)), _rows((RB, W)), _rows((RB, 1)),
                _full((HID,))],
      out_specs=[_rows((RB, h)), _rows((RB, h)), _rows((RB, W))],
      out_shape=[jax.ShapeDtypeStruct((N, h), f32),
                 jax.ShapeDtypeStruct((N, h), f32),
                 jax.ShapeDtypeStruct((NPAD, W), f32)],
  )
  z_s, z_ns, hp3 = tc_c(agg2, hp2, dinv, b_e2)

  agg3 = agg_es(hp3, src, dst, zrows)

  tc_d = pl.pallas_call(
      _tc_d_body,
      grid=(NRB,),
      in_specs=[_halves((2, RB, W)), _rows((RB, W)), _rows((RB, 1)),
                _full((h, HID)), _full((h, HID)), _full((h, HID)),
                _full((HID,)), _full((HID,)), _full((HID,))],
      out_specs=[_rows((RB, HID)), _halves((2, RB, W))],
      out_shape=[jax.ShapeDtypeStruct((N, HID), f32),
                 jax.ShapeDtypeStruct((2, NPAD, W), f32)],
  )
  hs, hp4 = tc_d(agg3, hp3, dinv, Wa11, Wa21, Ws, ba11, ba21, bs)

  CB = 1280
  tc_f = pl.pallas_call(
      _tc_f_body,
      grid=(NRB, pl.cdiv(N, CB)),
      in_specs=[pl.BlockSpec((RB, HID), lambda i, j: (i, 0)),
                pl.BlockSpec((CB, HID), lambda i, j: (j, 0))],
      out_specs=pl.BlockSpec((RB, CB), lambda i, j: (i, j)),
      out_shape=jax.ShapeDtypeStruct((N, N), f32),
  )
  s_ = tc_f(hs, hs)

  agg4 = agg_cs(hp4.reshape(2 * NPAD, W), src2, dst, zrows)

  tc_e = pl.pallas_call(
      _tc_e_body,
      grid=(NRB,),
      in_specs=[_halves((2, RB, W)), _halves((2, RB, W)), _rows((RB, 1)),
                _full((HID, IN_DIM)), _full((HID, IN_DIM)),
                _full((IN_DIM,)), _full((IN_DIM,))],
      out_specs=[_rows((RB, IN_DIM))] * 3,
      out_shape=[jax.ShapeDtypeStruct((N, IN_DIM), f32)] * 3,
  )
  x_s_hat, x_ns_hat, x_s_cf_hat = tc_e(agg4, hp4, dinv, Wa12, Wa22,
                                       ba12, ba22)

  return (z_s, z_ns, x_s_hat, x_ns_hat, x_s_cf_hat, s_)

# --- scband reference (transcript-rebuilt; emitter-appended) ---
"""Pipeline reference for scband-custom-dominant-7559142441736 (READ-ONLY COPY).

The authoritative reference and input builder live on the scoring server;
editing this copy changes nothing except your own understanding.
"""

import jax, jax.numpy as jnp
import numpy as np

N = 10000
E = 320000
IN_DIM = 128
HID = 64


def gcn_conv(x, src, dst, W, b, n_nodes):
    loop = jnp.arange(n_nodes)
    s = jnp.concatenate([src, loop])
    d = jnp.concatenate([dst, loop])
    deg = jnp.zeros((n_nodes,), jnp.float32).at[d].add(1.0)
    dinv = jax.lax.rsqrt(jnp.maximum(deg, 1.0))
    norm = dinv[s] * dinv[d]
    h = x @ W
    msg = h[s] * norm[:, None]
    out = jnp.zeros((n_nodes, h.shape[1]), h.dtype).at[d].add(msg)
    return out + b


def gcn2(x, src, dst, W1, b1, W2, b2, n):
    h = jax.nn.relu(gcn_conv(x, src, dst, W1, b1, n))
    return gcn_conv(h, src, dst, W2, b2, n)


def setup_inputs(seed: int = 0):
    key = jax.random.key(seed)
    ks = jax.random.split(key, 20)
    x = jax.random.normal(ks[0], (N, IN_DIM), jnp.float32)
    edge_index = jax.random.randint(ks[1], (2, E), 0, N)

    def w(k, fi, fo):
        return (jax.random.normal(k, (fi, fo), jnp.float32) / np.sqrt(fi)).astype(jnp.float32)

    return {
        'x': x,
        'W_e1': w(ks[2], IN_DIM, HID), 'b_e1': jnp.zeros((HID,), jnp.float32),
        'W_e2': w(ks[3], HID, HID), 'b_e2': jnp.zeros((HID,), jnp.float32),
        'Wa11': w(ks[4], HID // 2, HID), 'ba11': jnp.zeros((HID,), jnp.float32),
        'Wa12': w(ks[5], HID, IN_DIM), 'ba12': jnp.zeros((IN_DIM,), jnp.float32),
        'Wa21': w(ks[6], HID // 2, HID), 'ba21': jnp.zeros((HID,), jnp.float32),
        'Wa22': w(ks[7], HID, IN_DIM), 'ba22': jnp.zeros((IN_DIM,), jnp.float32),
        'Ws': w(ks[8], HID // 2, HID), 'bs': jnp.zeros((HID,), jnp.float32),
        'edge_index': edge_index,
    }


def reference(x, W_e1, b_e1, W_e2, b_e2, Wa11, ba11, Wa12, ba12, Wa21, ba21, Wa22, ba22, Ws, bs, edge_index):
    src, dst = edge_index[0], edge_index[1]
    # shared GCN encoder (2 layers, relu between)
    z = gcn2(x, src, dst, W_e1, b_e1, W_e2, b_e2, N)
    # counterfactual: flip sensitive attribute (column 0)
    x_cf = x.at[:, 0].set(1.0 - x[:, 0])
    z_cf = gcn2(x_cf, src, dst, W_e1, b_e1, W_e2, b_e2, N)
    h = HID // 2
    z_s, z_ns = z[:, :h], z[:, h:]
    z_s_cf = z_cf[:, :h]
    # attribute decoders (2-layer GCNs)
    x_s_hat = gcn2(z_s, src, dst, Wa11, ba11, Wa12, ba12, N)
    x_ns_hat = gcn2(z_ns, src, dst, Wa21, ba21, Wa22, ba22, N)
    x_s_cf_hat = gcn2(z_s_cf, src, dst, Wa11, ba11, Wa12, ba12, N)
    # structure decoder: 1-layer GCN then dot product (sigmoid_s=False)
    hs = gcn_conv(z_ns, src, dst, Ws, bs, N)
    s_ = hs @ hs.T
    return (z_s, z_ns, x_s_hat, x_ns_hat, x_s_cf_hat, s_)

if __name__ == "__main__":
    import jax
    _d = setup_inputs()
    print(jax.jit(kernel)(*tuple(_d.values())))

</pallas_src>

<mosaic_0001>
#map = affine_map<(d0, d1) -> (0, 0)>
#map1 = affine_map<(d0, d1) -> (0)>
#map2 = affine_map<(d0, d1) -> (0, 0, 0)>
module attributes {stable_mosaic.version = 14 : i64} {
  func.func @agg(%arg0: i32, %arg1: i32, %arg2: memref<10240x128xf32, #tpu.memory_space<hbm>>, %arg3: memref<322672xi32, #tpu.memory_space<hbm>>, %arg4: memref<322672xi32, #tpu.memory_space<hbm>>, %arg5: memref<640x128xf32, #tpu.memory_space<hbm>>, %arg6: memref<2x10240x128xf32, #tpu.memory_space<hbm>>, %arg7: memref<112xi32, #tpu.memory_space<vmem>>, %arg8: memref<112xi32, #tpu.memory_space<vmem>>, %arg9: memref<112xi32, #tpu.memory_space<vmem>>, %arg10: memref<112xi32, #tpu.memory_space<vmem>>, %arg11: memref<112x128xf32, #tpu.memory_space<vmem>>, %arg12: memref<112x128xf32, #tpu.memory_space<vmem>>, %arg13: memref<10240x128xf32, #tpu.memory_space<vmem_shared>>, %arg14: memref<!tpu.dma_semaphore, #tpu.memory_space<semaphore_mem>>, %arg15: memref<!tpu.dma_semaphore, #tpu.memory_space<semaphore_mem>>) attributes {dimension_semantics = [#tpu.dimension_semantics<core_parallel>, #tpu.dimension_semantics<subcore_parallel>], iteration_bounds = array<i64: 2, 16>, scalar_prefetch = 0 : i64, scratch_operands = 9 : i64, tpu.core_type = #tpu.core_type<sc_vector_subcore>, window_params = [{transform_indices = #map}, {transform_indices = #map1}, {transform_indices = #map1}, {transform_indices = #map}, {transform_indices = #map2}]} {
    %mul3A = arith.constant 640 : i32
    %mul3A_0 = arith.muli %arg1, %mul3A : i32
    "tpu.region"() ({
      %run_scoped3A = tpu.sem_alloc : memref<!tpu.dma_semaphore, #tpu.memory_space<semaphore_mem>>
      %dma_start3A_36 = arith.constant 0 : i32
      %dma_start3A_37 = tpu.memref_slice %arg13[%mul3A_0, %dma_start3A_36] : memref<10240x128xf32, #tpu.memory_space<vmem_shared>> -> memref<640x128xf32, #tpu.memory_space<vmem_shared>>
      tpu.enqueue_dma source(%arg5 : memref<640x128xf32, #tpu.memory_space<hbm>>) target(%dma_start3A_37 : memref<640x128xf32, #tpu.memory_space<vmem_shared>>) target_semaphore(%run_scoped3A : memref<!tpu.dma_semaphore, #tpu.memory_space<semaphore_mem>>)
      %dma_wait3A_38 = arith.constant 0 : i32
      %dma_wait3A_39 = tpu.memref_slice %arg13[%mul3A_0, %dma_wait3A_38] : memref<10240x128xf32, #tpu.memory_space<vmem_shared>> -> memref<640x128xf32, #tpu.memory_space<vmem_shared>>
      tpu.wait_dma2 semaphore(%run_scoped3A : memref<!tpu.dma_semaphore, #tpu.memory_space<semaphore_mem>>) src(%arg5 : memref<640x128xf32, #tpu.memory_space<hbm>>) dst(%dma_wait3A_39 : memref<640x128xf32, #tpu.memory_space<vmem_shared>>)
      tpu.yield
    }) : () -> ()
    %barrier3A = arith.constant 0 : index
    tpu.barrier barrier_id(%barrier3A)
    %eq3A = arith.constant 0 : i32
    %eq3A_1 = arith.cmpi eq, %arg0, %eq3A : i32
    %mul3A_2 = arith.constant 13440 : i32
    %mul3A_3 = arith.muli %arg1, %mul3A_2 : i32
    %add3A = arith.constant 0 : i32
    %add3A_4 = arith.addi %mul3A_3, %add3A : i32
    %mul3A_5 = arith.constant 6720 : i32
    %mul3A_6 = arith.muli %arg1, %mul3A_5 : i32
    %add3A_7 = arith.constant 215040 : i32
    %add3A_8 = arith.addi %add3A_7, %mul3A_6 : i32
    %add3A_9 = arith.constant 0 : i32
    %add3A_10 = arith.addi %add3A_8, %add3A_9 : i32
    %select_n3A = arith.select %eq3A_1, %add3A_4, %add3A_10 : i32
    "tpu.region"() ({
      %run_scoped3A = tpu.sem_alloc : memref<!tpu.dma_semaphore, #tpu.memory_space<semaphore_mem>>
      %dma_start3A_36 = tpu.memref_slice %arg3[%select_n3A] : memref<322672xi32, #tpu.memory_space<hbm>> -> memref<112xi32, #tpu.memory_space<hbm>>
      %dma_start3A_37 = tpu.memref_slice %arg3[%select_n3A] : memref<322672xi32, #tpu.memory_space<hbm>> -> memref<112xi32, #tpu.memory_space<hbm>>
      tpu.enqueue_dma source(%dma_start3A_37 : memref<112xi32, #tpu.memory_space<hbm>>) target(%arg7 : memref<112xi32, #tpu.memory_space<vmem>>) target_semaphore(%run_scoped3A : memref<!tpu.dma_semaphore, #tpu.memory_space<semaphore_mem>>)
      %dma_wait3A_38 = tpu.memref_slice %arg3[%select_n3A] : memref<322672xi32, #tpu.memory_space<hbm>> -> memref<112xi32, #tpu.memory_space<hbm>>
      %dma_wait3A_39 = tpu.memref_slice %arg3[%select_n3A] : memref<322672xi32, #tpu.memory_space<hbm>> -> memref<112xi32, #tpu.memory_space<hbm>>
      tpu.wait_dma2 semaphore(%run_scoped3A : memref<!tpu.dma_semaphore, #tpu.memory_space<semaphore_mem>>) src(%dma_wait3A_39 : memref<112xi32, #tpu.memory_space<hbm>>) dst(%arg7 : memref<112xi32, #tpu.memory_space<vmem>>)
      tpu.yield
    }) : () -> ()
    "tpu.region"() ({
      %run_scoped3A = tpu.sem_alloc : memref<!tpu.dma_semaphore, #tpu.memory_space<semaphore_mem>>
      %dma_start3A_36 = tpu.memref_slice %arg4[%select_n3A] : memref<322672xi32, #tpu.memory_space<hbm>> -> memref<112xi32, #tpu.memory_space<hbm>>
      %dma_start3A_37 = tpu.memref_slice %arg4[%select_n3A] : memref<322672xi32, #tpu.memory_space<hbm>> -> memref<112xi32, #tpu.memory_space<hbm>>
      tpu.enqueue_dma source(%dma_start3A_37 : memref<112xi32, #tpu.memory_space<hbm>>) target(%arg9 : memref<112xi32, #tpu.memory_space<vmem>>) target_semaphore(%run_scoped3A : memref<!tpu.dma_semaphore, #tpu.memory_space<semaphore_mem>>)
      %dma_wait3A_38 = tpu.memref_slice %arg4[%select_n3A] : memref<322672xi32, #tpu.memory_space<hbm>> -> memref<112xi32, #tpu.memory_space<hbm>>
      %dma_wait3A_39 = tpu.memref_slice %arg4[%select_n3A] : memref<322672xi32, #tpu.memory_space<hbm>> -> memref<112xi32, #tpu.memory_space<hbm>>
      tpu.wait_dma2 semaphore(%run_scoped3A : memref<!tpu.dma_semaphore, #tpu.memory_space<semaphore_mem>>) src(%dma_wait3A_39 : memref<112xi32, #tpu.memory_space<hbm>>) dst(%arg9 : memref<112xi32, #tpu.memory_space<vmem>>)
      tpu.yield
    }) : () -> ()
    %dma_start3A = arith.constant 0 : i32
    %dma_start3A_11 = arith.constant 0 : i32
    %dma_start3A_12 = tpu.memref_slice %arg2[%dma_start3A, %dma_start3A_11] : memref<10240x128xf32, #tpu.memory_space<hbm>> -> memref<10240x128xf32, #tpu.memory_space<hbm>>
    tpu.enqueue_indirect_dma source(%dma_start3A_12 : memref<10240x128xf32, #tpu.memory_space<hbm>>) target(%arg11 : memref<112x128xf32, #tpu.memory_space<vmem>>) offsets(%arg7 : memref<112xi32, #tpu.memory_space<vmem>>) semaphore(%arg14 : memref<!tpu.dma_semaphore, #tpu.memory_space<semaphore_mem>>)
    %eq3A_13 = arith.constant 0 : i32
    %eq3A_14 = arith.cmpi eq, %arg0, %eq3A_13 : i32
    %jit3A = arith.constant 60 : i32
    %jit3A_15 = arith.constant 30 : i32
    %select_n3A_16 = arith.select %eq3A_14, %jit3A, %jit3A_15 : i32
    %while3A = arith.constant 0 : i32
    %while3A_17 = arith.constant 0 : i32
    %while3A_18 = arith.subi %select_n3A_16, %while3A_17 : i32
    %while3A_19 = arith.addi %while3A_17, %while3A_18 : i32
    %while3A_20 = arith.constant 1 : i32
    %while3A_21 = arith.divsi %while3A_18, %while3A_20 : i32
    %while3A_22 = arith.muli %while3A_21, %while3A_20 : i32
    %while3A_23 = arith.addi %while3A_17, %while3A_22 : i32
    %while3A_24 = arith.constant 1 : i32
    scf.for %while3A_36 = %while3A_17 to %while3A_23 step %while3A_24  : i32 {
      %mul3A_37 = arith.constant 2 : i32
      %mul3A_38 = arith.muli %mul3A_37, %while3A_36 : i32
      %add3A_39 = arith.constant 1 : i32
      %add3A_40 = arith.addi %mul3A_38, %add3A_39 : i32
      %eq3A_41 = arith.constant 0 : i32
      %eq3A_42 = arith.cmpi eq, %arg0, %eq3A_41 : i32
      %mul3A_43 = arith.constant 13440 : i32
      %mul3A_44 = arith.muli %arg1, %mul3A_43 : i32
      %mul3A_45 = arith.constant 112 : i32
      %mul3A_46 = arith.muli %add3A_40, %mul3A_45 : i32
      %add3A_47 = arith.addi %mul3A_44, %mul3A_46 : i32
      %mul3A_48 = arith.constant 6720 : i32
      %mul3A_49 = arith.muli %arg1, %mul3A_48 : i32
      %add3A_50 = arith.constant 215040 : i32
      %add3A_51 = arith.addi %add3A_50, %mul3A_49 : i32
      %mul3A_52 = arith.constant 112 : i32
      %mul3A_53 = arith.muli %add3A_40, %mul3A_52 : i32
      %add3A_54 = arith.addi %add3A_51, %mul3A_53 : i32
      %select_n3A_55 = arith.select %eq3A_42, %add3A_47, %add3A_54 : i32
      "tpu.region"() ({
        %run_scoped3A = tpu.sem_alloc : memref<!tpu.dma_semaphore, #tpu.memory_space<semaphore_mem>>
        %dma_start3A_93 = tpu.memref_slice %arg3[%select_n3A_55] : memref<322672xi32, #tpu.memory_space<hbm>> -> memref<112xi32, #tpu.memory_space<hbm>>
        %dma_start3A_94 = tpu.memref_slice %arg3[%select_n3A_55] : memref<322672xi32, #tpu.memory_space<hbm>> -> memref<112xi32, #tpu.memory_space<hbm>>
        tpu.enqueue_dma source(%dma_start3A_94 : memref<112xi32, #tpu.memory_space<hbm>>) target(%arg8 : memref<112xi32, #tpu.memory_space<vmem>>) target_semaphore(%run_scoped3A : memref<!tpu.dma_semaphore, #tpu.memory_space<semaphore_mem>>)
        %dma_wait3A_95 = tpu.memref_slice %arg3[%select_n3A_55] : memref<322672xi32, #tpu.memory_space<hbm>> -> memref<112xi32, #tpu.memory_space<hbm>>
        %dma_wait3A_96 = tpu.memref_slice %arg3[%select_n3A_55] : memref<322672xi32, #tpu.memory_space<hbm>> -> memref<112xi32, #tpu.memory_space<hbm>>
        tpu.wait_dma2 semaphore(%run_scoped3A : memref<!tpu.dma_semaphore, #tpu.memory_space<semaphore_mem>>) src(%dma_wait3A_96 : memref<112xi32, #tpu.memory_space<hbm>>) dst(%arg8 : memref<112xi32, #tpu.memory_space<vmem>>)
        tpu.yield
      }) : () -> ()
      "tpu.region"() ({
        %run_scoped3A = tpu.sem_alloc : memref<!tpu.dma_semaphore, #tpu.memory_space<semaphore_mem>>
        %dma_start3A_93 = tpu.memref_slice %arg4[%select_n3A_55] : memref<322672xi32, #tpu.memory_space<hbm>> -> memref<112xi32, #tpu.memory_space<hbm>>
        %dma_start3A_94 = tpu.memref_slice %arg4[%select_n3A_55] : memref<322672xi32, #tpu.memory_space<hbm>> -> memref<112xi32, #tpu.memory_space<hbm>>
        tpu.enqueue_dma source(%dma_start3A_94 : memref<112xi32, #tpu.memory_space<hbm>>) target(%arg10 : memref<112xi32, #tpu.memory_space<vmem>>) target_semaphore(%run_scoped3A : memref<!tpu.dma_semaphore, #tpu.memory_space<semaphore_mem>>)
        %dma_wait3A_95 = tpu.memref_slice %arg4[%select_n3A_55] : memref<322672xi32, #tpu.memory_space<hbm>> -> memref<112xi32, #tpu.memory_space<hbm>>
        %dma_wait3A_96 = tpu.memref_slice %arg4[%select_n3A_55] : memref<322672xi32, #tpu.memory_space<hbm>> -> memref<112xi32, #tpu.memory_space<hbm>>
        tpu.wait_dma2 semaphore(%run_scoped3A : memref<!tpu.dma_semaphore, #tpu.memory_space<semaphore_mem>>) src(%dma_wait3A_96 : memref<112xi32, #tpu.memory_space<hbm>>) dst(%arg10 : memref<112xi32, #tpu.memory_space<vmem>>)
        tpu.yield
      }) : () -> ()
      %dma_start3A_56 = arith.constant 0 : i32
      %dma_start3A_57 = arith.constant 0 : i32
      %dma_start3A_58 = tpu.memref_slice %arg2[%dma_start3A_56, %dma_start3A_57] : memref<10240x128xf32, #tpu.memory_space<hbm>> -> memref<10240x128xf32, #tpu.memory_space<hbm>>
      tpu.enqueue_indirect_dma source(%dma_start3A_58 : memref<10240x128xf32, #tpu.memory_space<hbm>>) target(%arg12 : memref<112x128xf32, #tpu.memory_space<vmem>>) offsets(%arg8 : memref<112xi32, #tpu.memory_space<vmem>>) semaphore(%arg15 : memref<!tpu.dma_semaphore, #tpu.memory_space<semaphore_mem>>)
      %dma_wait3A_59 = arith.constant 0 : i32
      %dma_wait3A_60 = arith.constant 0 : i32
      %dma_wait3A_61 = tpu.memref_slice %arg2[%dma_wait3A_59, %dma_wait3A_60] : memref<10240x128xf32, #tpu.memory_space<hbm>> -> memref<112x128xf32, #tpu.memory_space<hbm>>
      %dma_wait3A_62 = arith.constant 0 : i32
      %dma_wait3A_63 = arith.constant 0 : i32
      %dma_wait3A_64 = tpu.memref_slice %arg2[%dma_wait3A_62, %dma_wait3A_63] : memref<10240x128xf32, #tpu.memory_space<hbm>> -> memref<112x128xf32, #tpu.memory_space<hbm>>
      tpu.wait_dma2 semaphore(%arg14 : memref<!tpu.dma_semaphore, #tpu.memory_space<semaphore_mem>>) src(%dma_wait3A_64 : memref<112x128xf32, #tpu.memory_space<hbm>>) dst(%arg11 : memref<112x128xf32, #tpu.memory_space<vmem>>)
      "tpu.region"() ({
        %run_scoped3A = tpu.sem_alloc : memref<!tpu.dma_semaphore, #tpu.memory_space<semaphore_mem>>
        %dma_start3A_93 = arith.constant 0 : i32
        %dma_start3A_94 = arith.constant 0 : i32
        %dma_start3A_95 = tpu.memref_slice %arg13[%dma_start3A_93, %dma_start3A_94] : memref<10240x128xf32, #tpu.memory_space<vmem_shared>> -> memref<10240x128xf32, #tpu.memory_space<vmem_shared>>
        tpu.enqueue_indirect_dma source(%arg11 : memref<112x128xf32, #tpu.memory_space<vmem>>) target(%dma_start3A_95 : memref<10240x128xf32, #tpu.memory_space<vmem_shared>>) offsets(%arg9 : memref<112xi32, #tpu.memory_space<vmem>>) semaphore(%run_scoped3A : memref<!tpu.dma_semaphore, #tpu.memory_space<semaphore_mem>>) {add = true}
        %dma_wait3A_96 = arith.constant 0 : i32
        %dma_wait3A_97 = arith.constant 0 : i32
        %dma_wait3A_98 = tpu.memref_slice %arg13[%dma_wait3A_96, %dma_wait3A_97] : memref<10240x128xf32, #tpu.memory_space<vmem_shared>> -> memref<10240x128xf32, #tpu.memory_space<vmem_shared>>
        tpu.wait_indirect_dma semaphore(%run_scoped3A : memref<!tpu.dma_semaphore, #tpu.memory_space<semaphore_mem>>) src(%arg11 : memref<112x128xf32, #tpu.memory_space<vmem>>) dst(%dma_wait3A_98 : memref<10240x128xf32, #tpu.memory_space<vmem_shared>>)
        tpu.yield
      }) : () -> ()
      %mul3A_65 = arith.constant 2 : i32
      %mul3A_66 = arith.muli %mul3A_65, %while3A_36 : i32
      %add3A_67 = arith.constant 2 : i32
      %add3A_68 = arith.addi %mul3A_66, %add3A_67 : i32
      %eq3A_69 = arith.constant 0 : i32
      %eq3A_70 = arith.cmpi eq, %arg0, %eq3A_69 : i32
      %mul3A_71 = arith.constant 13440 : i32
      %mul3A_72 = arith.muli %arg1, %mul3A_71 : i32
      %mul3A_73 = arith.constant 112 : i32
      %mul3A_74 = arith.muli %add3A_68, %mul3A_73 : i32
      %add3A_75 = arith.addi %mul3A_72, %mul3A_74 : i32
      %mul3A_76 = arith.constant 6720 : i32
      %mul3A_77 = arith.muli %arg1, %mul3A_76 : i32
      %add3A_78 = arith.constant 215040 : i32
      %add3A_79 = arith.addi %add3A_78, %mul3A_77 : i32
      %mul3A_80 = arith.constant 112 : i32
      %mul3A_81 = arith.muli %add3A_68, %mul3A_80 : i32
      %add3A_82 = arith.addi %add3A_79, %mul3A_81 : i32
      %select_n3A_83 = arith.select %eq3A_70, %add3A_75, %add3A_82 : i32
      "tpu.region"() ({
        %run_scoped3A = tpu.sem_alloc : memref<!tpu.dma_semaphore, #tpu.memory_space<semaphore_mem>>
        %dma_start3A_93 = tpu.memref_slice %arg3[%select_n3A_83] : memref<322672xi32, #tpu.memory_space<hbm>> -> memref<112xi32, #tpu.memory_space<hbm>>
        %dma_start3A_94 = tpu.memref_slice %arg3[%select_n3A_83] : memref<322672xi32, #tpu.memory_space<hbm>> -> memref<112xi32, #tpu.memory_space<hbm>>
        tpu.enqueue_dma source(%dma_start3A_94 : memref<112xi32, #tpu.memory_space<hbm>>) target(%arg7 : memref<112xi32, #tpu.memory_space<vmem>>) target_semaphore(%run_scoped3A : memref<!tpu.dma_semaphore, #tpu.memory_space<semaphore_mem>>)
        %dma_wait3A_95 = tpu.memref_slice %arg3[%select_n3A_83] : memref<322672xi32, #tpu.memory_space<hbm>> -> memref<112xi32, #tpu.memory_space<hbm>>
        %dma_wait3A_96 = tpu.memref_slice %arg3[%select_n3A_83] : memref<322672xi32, #tpu.memory_space<hbm>> -> memref<112xi32, #tpu.memory_space<hbm>>
        tpu.wait_dma2 semaphore(%run_scoped3A : memref<!tpu.dma_semaphore, #tpu.memory_space<semaphore_mem>>) src(%dma_wait3A_96 : memref<112xi32, #tpu.memory_space<hbm>>) dst(%arg7 : memref<112xi32, #tpu.memory_space<vmem>>)
        tpu.yield
      }) : () -> ()
      "tpu.region"() ({
        %run_scoped3A = tpu.sem_alloc : memref<!tpu.dma_semaphore, #tpu.memory_space<semaphore_mem>>
        %dma_start3A_93 = tpu.memref_slice %arg4[%select_n3A_83] : memref<322672xi32, #tpu.memory_space<hbm>> -> memref<112xi32, #tpu.memory_space<hbm>>
        %dma_start3A_94 = tpu.memref_slice %arg4[%select_n3A_83] : memref<322672xi32, #tpu.memory_space<hbm>> -> memref<112xi32, #tpu.memory_space<hbm>>
        tpu.enqueue_dma source(%dma_start3A_94 : memref<112xi32, #tpu.memory_space<hbm>>) target(%arg9 : memref<112xi32, #tpu.memory_space<vmem>>) target_semaphore(%run_scoped3A : memref<!tpu.dma_semaphore, #tpu.memory_space<semaphore_mem>>)
        %dma_wait3A_95 = tpu.memref_slice %arg4[%select_n3A_83] : memref<322672xi32, #tpu.memory_space<hbm>> -> memref<112xi32, #tpu.memory_space<hbm>>
        %dma_wait3A_96 = tpu.memref_slice %arg4[%select_n3A_83] : memref<322672xi32, #tpu.memory_space<hbm>> -> memref<112xi32, #tpu.memory_space<hbm>>
        tpu.wait_dma2 semaphore(%run_scoped3A : memref<!tpu.dma_semaphore, #tpu.memory_space<semaphore_mem>>) src(%dma_wait3A_96 : memref<112xi32, #tpu.memory_space<hbm>>) dst(%arg9 : memref<112xi32, #tpu.memory_space<vmem>>)
        tpu.yield
      }) : () -> ()
      %dma_start3A_84 = arith.constant 0 : i32
      %dma_start3A_85 = arith.constant 0 : i32
      %dma_start3A_86 = tpu.memref_slice %arg2[%dma_start3A_84, %dma_start3A_85] : memref<10240x128xf32, #tpu.memory_space<hbm>> -> memref<10240x128xf32, #tpu.memory_space<hbm>>
      tpu.enqueue_indirect_dma source(%dma_start3A_86 : memref<10240x128xf32, #tpu.memory_space<hbm>>) target(%arg11 : memref<112x128xf32, #tpu.memory_space<vmem>>) offsets(%arg7 : memref<112xi32, #tpu.memory_space<vmem>>) semaphore(%arg14 : memref<!tpu.dma_semaphore, #tpu.memory_space<semaphore_mem>>)
      %dma_wait3A_87 = arith.constant 0 : i32
      %dma_wait3A_88 = arith.constant 0 : i32
      %dma_wait3A_89 = tpu.memref_slice %arg2[%dma_wait3A_87, %dma_wait3A_88] : memref<10240x128xf32, #tpu.memory_space<hbm>> -> memref<112x128xf32, #tpu.memory_space<hbm>>
      %dma_wait3A_90 = arith.constant 0 : i32
      %dma_wait3A_91 = arith.constant 0 : i32
      %dma_wait3A_92 = tpu.memref_slice %arg2[%dma_wait3A_90, %dma_wait3A_91] : memref<10240x128xf32, #tpu.memory_space<hbm>> -> memref<112x128xf32, #tpu.memory_space<hbm>>
      tpu.wait_dma2 semaphore(%arg15 : memref<!tpu.dma_semaphore, #tpu.memory_space<semaphore_mem>>) src(%dma_wait3A_92 : memref<112x128xf32, #tpu.memory_space<hbm>>) dst(%arg12 : memref<112x128xf32, #tpu.memory_space<vmem>>)
      "tpu.region"() ({
        %run_scoped3A = tpu.sem_alloc : memref<!tpu.dma_semaphore, #tpu.memory_space<semaphore_mem>>
        %dma_start3A_93 = arith.constant 0 : i32
        %dma_start3A_94 = arith.constant 0 : i32
        %dma_start3A_95 = tpu.memref_slice %arg13[%dma_start3A_93, %dma_start3A_94] : memref<10240x128xf32, #tpu.memory_space<vmem_shared>> -> memref<10240x128xf32, #tpu.memory_space<vmem_shared>>
        tpu.enqueue_indirect_dma source(%arg12 : memref<112x128xf32, #tpu.memory_space<vmem>>) target(%dma_start3A_95 : memref<10240x128xf32, #tpu.memory_space<vmem_shared>>) offsets(%arg10 : memref<112xi32, #tpu.memory_space<vmem>>) semaphore(%run_scoped3A : memref<!tpu.dma_semaphore, #tpu.memory_space<semaphore_mem>>) {add = true}
        %dma_wait3A_96 = arith.constant 0 : i32
        %dma_wait3A_97 = arith.constant 0 : i32
        %dma_wait3A_98 = tpu.memref_slice %arg13[%dma_wait3A_96, %dma_wait3A_97] : memref<10240x128xf32, #tpu.memory_space<vmem_shared>> -> memref<10240x128xf32, #tpu.memory_space<vmem_shared>>
        tpu.wait_indirect_dma semaphore(%run_scoped3A : memref<!tpu.dma_semaphore, #tpu.memory_space<semaphore_mem>>) src(%arg12 : memref<112x128xf32, #tpu.memory_space<vmem>>) dst(%dma_wait3A_98 : memref<10240x128xf32, #tpu.memory_space<vmem_shared>>)
        tpu.yield
      }) : () -> ()
    }
    %while3A_25 = arith.constant 1 : i32
    scf.for %while3A_36 = %while3A_23 to %while3A_19 step %while3A_25  : i32 {
      %mul3A_37 = arith.constant 2 : i32
      %mul3A_38 = arith.muli %mul3A_37, %while3A_36 : i32
      %add3A_39 = arith.constant 1 : i32
      %add3A_40 = arith.addi %mul3A_38, %add3A_39 : i32
      %eq3A_41 = arith.constant 0 : i32
      %eq3A_42 = arith.cmpi eq, %arg0, %eq3A_41 : i32
      %mul3A_43 = arith.constant 13440 : i32
      %mul3A_44 = arith.muli %arg1, %mul3A_43 : i32
      %mul3A_45 = arith.constant 112 : i32
      %mul3A_46 = arith.muli %add3A_40, %mul3A_45 : i32
      %add3A_47 = arith.addi %mul3A_44, %mul3A_46 : i32
      %mul3A_48 = arith.constant 6720 : i32
      %mul3A_49 = arith.muli %arg1, %mul3A_48 : i32
      %add3A_50 = arith.constant 215040 : i32
      %add3A_51 = arith.addi %add3A_50, %mul3A_49 : i32
      %mul3A_52 = arith.constant 112 : i32
      %mul3A_53 = arith.muli %add3A_40, %mul3A_52 : i32
      %add3A_54 = arith.addi %add3A_51, %mul3A_53 : i32
      %select_n3A_55 = arith.select %eq3A_42, %add3A_47, %add3A_54 : i32
      "tpu.region"() ({
        %run_scoped3A = tpu.sem_alloc : memref<!tpu.dma_semaphore, #tpu.memory_space<semaphore_mem>>
        %dma_start3A_93 = tpu.memref_slice %arg3[%select_n3A_55] : memref<322672xi32, #tpu.memory_space<hbm>> -> memref<112xi32, #tpu.memory_space<hbm>>
        %dma_start3A_94 = tpu.memref_slice %arg3[%select_n3A_55] : memref<322672xi32, #tpu.memory_space<hbm>> -> memref<112xi32, #tpu.memory_space<hbm>>
        tpu.enqueue_dma source(%dma_start3A_94 : memref<112xi32, #tpu.memory_space<hbm>>) target(%arg8 : memref<112xi32, #tpu.memory_space<vmem>>) target_semaphore(%run_scoped3A : memref<!tpu.dma_semaphore, #tpu.memory_space<semaphore_mem>>)
        %dma_wait3A_95 = tpu.memref_slice %arg3[%select_n3A_55] : memref<322672xi32, #tpu.memory_space<hbm>> -> memref<112xi32, #tpu.memory_space<hbm>>
        %dma_wait3A_96 = tpu.memref_slice %arg3[%select_n3A_55] : memref<322672xi32, #tpu.memory_space<hbm>> -> memref<112xi32, #tpu.memory_space<hbm>>
        tpu.wait_dma2 semaphore(%run_scoped3A : memref<!tpu.dma_semaphore, #tpu.memory_space<semaphore_mem>>) src(%dma_wait3A_96 : memref<112xi32, #tpu.memory_space<hbm>>) dst(%arg8 : memref<112xi32, #tpu.memory_space<vmem>>)
        tpu.yield
      }) : () -> ()
      "tpu.region"() ({
        %run_scoped3A = tpu.sem_alloc : memref<!tpu.dma_semaphore, #tpu.memory_space<semaphore_mem>>
        %dma_start3A_93 = tpu.memref_slice %arg4[%select_n3A_55] : memref<322672xi32, #tpu.memory_space<hbm>> -> memref<112xi32, #tpu.memory_space<hbm>>
        %dma_start3A_94 = tpu.memref_slice %arg4[%select_n3A_55] : memref<322672xi32, #tpu.memory_space<hbm>> -> memref<112xi32, #tpu.memory_space<hbm>>
        tpu.enqueue_dma source(%dma_start3A_94 : memref<112xi32, #tpu.memory_space<hbm>>) target(%arg10 : memref<112xi32, #tpu.memory_space<vmem>>) target_semaphore(%run_scoped3A : memref<!tpu.dma_semaphore, #tpu.memory_space<semaphore_mem>>)
        %dma_wait3A_95 = tpu.memref_slice %arg4[%select_n3A_55] : memref<322672xi32, #tpu.memory_space<hbm>> -> memref<112xi32, #tpu.memory_space<hbm>>
        %dma_wait3A_96 = tpu.memref_slice %arg4[%select_n3A_55] : memref<322672xi32, #tpu.memory_space<hbm>> -> memref<112xi32, #tpu.memory_space<hbm>>
        tpu.wait_dma2 semaphore(%run_scoped3A : memref<!tpu.dma_semaphore, #tpu.memory_space<semaphore_mem>>) src(%dma_wait3A_96 : memref<112xi32, #tpu.memory_space<hbm>>) dst(%arg10 : memref<112xi32, #tpu.memory_space<vmem>>)
        tpu.yield
      }) : () -> ()
      %dma_start3A_56 = arith.constant 0 : i32
      %dma_start3A_57 = arith.constant 0 : i32
      %dma_start3A_58 = tpu.memref_slice %arg2[%dma_start3A_56, %dma_start3A_57] : memref<10240x128xf32, #tpu.memory_space<hbm>> -> memref<10240x128xf32, #tpu.memory_space<hbm>>
      tpu.enqueue_indirect_dma source(%dma_start3A_58 : memref<10240x128xf32, #tpu.memory_space<hbm>>) target(%arg12 : memref<112x128xf32, #tpu.memory_space<vmem>>) offsets(%arg8 : memref<112xi32, #tpu.memory_space<vmem>>) semaphore(%arg15 : memref<!tpu.dma_semaphore, #tpu.memory_space<semaphore_mem>>)
      %dma_wait3A_59 = arith.constant 0 : i32
      %dma_wait3A_60 = arith.constant 0 : i32
      %dma_wait3A_61 = tpu.memref_slice %arg2[%dma_wait3A_59, %dma_wait3A_60] : memref<10240x128xf32, #tpu.memory_space<hbm>> -> memref<112x128xf32, #tpu.memory_space<hbm>>
      %dma_wait3A_62 = arith.constant 0 : i32
      %dma_wait3A_63 = arith.constant 0 : i32
      %dma_wait3A_64 = tpu.memref_slice %arg2[%dma_wait3A_62, %dma_wait3A_63] : memref<10240x128xf32, #tpu.memory_space<hbm>> -> memref<112x128xf32, #tpu.memory_space<hbm>>
      tpu.wait_dma2 semaphore(%arg14 : memref<!tpu.dma_semaphore, #tpu.memory_space<semaphore_mem>>) src(%dma_wait3A_64 : memref<112x128xf32, #tpu.memory_space<hbm>>) dst(%arg11 : memref<112x128xf32, #tpu.memory_space<vmem>>)
      "tpu.region"() ({
        %run_scoped3A = tpu.sem_alloc : memref<!tpu.dma_semaphore, #tpu.memory_space<semaphore_mem>>
        %dma_start3A_93 = arith.constant 0 : i32
        %dma_start3A_94 = arith.constant 0 : i32
        %dma_start3A_95 = tpu.memref_slice %arg13[%dma_start3A_93, %dma_start3A_94] : memref<10240x128xf32, #tpu.memory_space<vmem_shared>> -> memref<10240x128xf32, #tpu.memory_space<vmem_shared>>
        tpu.enqueue_indirect_dma source(%arg11 : memref<112x128xf32, #tpu.memory_space<vmem>>) target(%dma_start3A_95 : memref<10240x128xf32, #tpu.memory_space<vmem_shared>>) offsets(%arg9 : memref<112xi32, #tpu.memory_space<vmem>>) semaphore(%run_scoped3A : memref<!tpu.dma_semaphore, #tpu.memory_space<semaphore_mem>>) {add = true}
        %dma_wait3A_96 = arith.constant 0 : i32
        %dma_wait3A_97 = arith.constant 0 : i32
        %dma_wait3A_98 = tpu.memref_slice %arg13[%dma_wait3A_96, %dma_wait3A_97] : memref<10240x128xf32, #tpu.memory_space<vmem_shared>> -> memref<10240x128xf32, #tpu.memory_space<vmem_shared>>
        tpu.wait_indirect_dma semaphore(%run_scoped3A : memref<!tpu.dma_semaphore, #tpu.memory_space<semaphore_mem>>) src(%arg11 : memref<112x128xf32, #tpu.memory_space<vmem>>) dst(%dma_wait3A_98 : memref<10240x128xf32, #tpu.memory_space<vmem_shared>>)
        tpu.yield
      }) : () -> ()
      %mul3A_65 = arith.constant 2 : i32
      %mul3A_66 = arith.muli %mul3A_65, %while3A_36 : i32
      %add3A_67 = arith.constant 2 : i32
      %add3A_68 = arith.addi %mul3A_66, %add3A_67 : i32
      %eq3A_69 = arith.constant 0 : i32
      %eq3A_70 = arith.cmpi eq, %arg0, %eq3A_69 : i32
      %mul3A_71 = arith.constant 13440 : i32
      %mul3A_72 = arith.muli %arg1, %mul3A_71 : i32
      %mul3A_73 = arith.constant 112 : i32
      %mul3A_74 = arith.muli %add3A_68, %mul3A_73 : i32
      %add3A_75 = arith.addi %mul3A_72, %mul3A_74 : i32
      %mul3A_76 = arith.constant 6720 : i32
      %mul3A_77 = arith.muli %arg1, %mul3A_76 : i32
      %add3A_78 = arith.constant 215040 : i32
      %add3A_79 = arith.addi %add3A_78, %mul3A_77 : i32
      %mul3A_80 = arith.constant 112 : i32
      %mul3A_81 = arith.muli %add3A_68, %mul3A_80 : i32
      %add3A_82 = arith.addi %add3A_79, %mul3A_81 : i32
      %select_n3A_83 = arith.select %eq3A_70, %add3A_75, %add3A_82 : i32
      "tpu.region"() ({
        %run_scoped3A = tpu.sem_alloc : memref<!tpu.dma_semaphore, #tpu.memory_space<semaphore_mem>>
        %dma_start3A_93 = tpu.memref_slice %arg3[%select_n3A_83] : memref<322672xi32, #tpu.memory_space<hbm>> -> memref<112xi32, #tpu.memory_space<hbm>>
        %dma_start3A_94 = tpu.memref_slice %arg3[%select_n3A_83] : memref<322672xi32, #tpu.memory_space<hbm>> -> memref<112xi32, #tpu.memory_space<hbm>>
        tpu.enqueue_dma source(%dma_start3A_94 : memref<112xi32, #tpu.memory_space<hbm>>) target(%arg7 : memref<112xi32, #tpu.memory_space<vmem>>) target_semaphore(%run_scoped3A : memref<!tpu.dma_semaphore, #tpu.memory_space<semaphore_mem>>)
        %dma_wait3A_95 = tpu.memref_slice %arg3[%select_n3A_83] : memref<322672xi32, #tpu.memory_space<hbm>> -> memref<112xi32, #tpu.memory_space<hbm>>
        %dma_wait3A_96 = tpu.memref_slice %arg3[%select_n3A_83] : memref<322672xi32, #tpu.memory_space<hbm>> -> memref<112xi32, #tpu.memory_space<hbm>>
        tpu.wait_dma2 semaphore(%run_scoped3A : memref<!tpu.dma_semaphore, #tpu.memory_space<semaphore_mem>>) src(%dma_wait3A_96 : memref<112xi32, #tpu.memory_space<hbm>>) dst(%arg7 : memref<112xi32, #tpu.memory_space<vmem>>)
        tpu.yield
      }) : () -> ()
      "tpu.region"() ({
        %run_scoped3A = tpu.sem_alloc : memref<!tpu.dma_semaphore, #tpu.memory_space<semaphore_mem>>
        %dma_start3A_93 = tpu.memref_slice %arg4[%select_n3A_83] : memref<322672xi32, #tpu.memory_space<hbm>> -> memref<112xi32, #tpu.memory_space<hbm>>
        %dma_start3A_94 = tpu.memref_slice %arg4[%select_n3A_83] : memref<322672xi32, #tpu.memory_space<hbm>> -> memref<112xi32, #tpu.memory_space<hbm>>
        tpu.enqueue_dma source(%dma_start3A_94 : memref<112xi32, #tpu.memory_space<hbm>>) target(%arg9 : memref<112xi32, #tpu.memory_space<vmem>>) target_semaphore(%run_scoped3A : memref<!tpu.dma_semaphore, #tpu.memory_space<semaphore_mem>>)
        %dma_wait3A_95 = tpu.memref_slice %arg4[%select_n3A_83] : memref<322672xi32, #tpu.memory_space<hbm>> -> memref<112xi32, #tpu.memory_space<hbm>>
        %dma_wait3A_96 = tpu.memref_slice %arg4[%select_n3A_83] : memref<322672xi32, #tpu.memory_space<hbm>> -> memref<112xi32, #tpu.memory_space<hbm>>
        tpu.wait_dma2 semaphore(%run_scoped3A : memref<!tpu.dma_semaphore, #tpu.memory_space<semaphore_mem>>) src(%dma_wait3A_96 : memref<112xi32, #tpu.memory_space<hbm>>) dst(%arg9 : memref<112xi32, #tpu.memory_space<vmem>>)
        tpu.yield
      }) : () -> ()
      %dma_start3A_84 = arith.constant 0 : i32
      %dma_start3A_85 = arith.constant 0 : i32
      %dma_start3A_86 = tpu.memref_slice %arg2[%dma_start3A_84, %dma_start3A_85] : memref<10240x128xf32, #tpu.memory_space<hbm>> -> memref<10240x128xf32, #tpu.memory_space<hbm>>
      tpu.enqueue_indirect_dma source(%dma_start3A_86 : memref<10240x128xf32, #tpu.memory_space<hbm>>) target(%arg11 : memref<112x128xf32, #tpu.memory_space<vmem>>) offsets(%arg7 : memref<112xi32, #tpu.memory_space<vmem>>) semaphore(%arg14 : memref<!tpu.dma_semaphore, #tpu.memory_space<semaphore_mem>>)
      %dma_wait3A_87 = arith.constant 0 : i32
      %dma_wait3A_88 = arith.constant 0 : i32
      %dma_wait3A_89 = tpu.memref_slice %arg2[%dma_wait3A_87, %dma_wait3A_88] : memref<10240x128xf32, #tpu.memory_space<hbm>> -> memref<112x128xf32, #tpu.memory_space<hbm>>
      %dma_wait3A_90 = arith.constant 0 : i32
      %dma_wait3A_91 = arith.constant 0 : i32
      %dma_wait3A_92 = tpu.memref_slice %arg2[%dma_wait3A_90, %dma_wait3A_91] : memref<10240x128xf32, #tpu.memory_space<hbm>> -> memref<112x128xf32, #tpu.memory_space<hbm>>
      tpu.wait_dma2 semaphore(%arg15 : memref<!tpu.dma_semaphore, #tpu.memory_space<semaphore_mem>>) src(%dma_wait3A_92 : memref<112x128xf32, #tpu.memory_space<hbm>>) dst(%arg12 : memref<112x128xf32, #tpu.memory_space<vmem>>)
      "tpu.region"() ({
        %run_scoped3A = tpu.sem_alloc : memref<!tpu.dma_semaphore, #tpu.memory_space<semaphore_mem>>
        %dma_start3A_93 = arith.constant 0 : i32
        %dma_start3A_94 = arith.constant 0 : i32
        %dma_start3A_95 = tpu.memref_slice %arg13[%dma_start3A_93, %dma_start3A_94] : memref<10240x128xf32, #tpu.memory_space<vmem_shared>> -> memref<10240x128xf32, #tpu.memory_space<vmem_shared>>
        tpu.enqueue_indirect_dma source(%arg12 : memref<112x128xf32, #tpu.memory_space<vmem>>) target(%dma_start3A_95 : memref<10240x128xf32, #tpu.memory_space<vmem_shared>>) offsets(%arg10 : memref<112xi32, #tpu.memory_space<vmem>>) semaphore(%run_scoped3A : memref<!tpu.dma_semaphore, #tpu.memory_space<semaphore_mem>>) {add = true}
        %dma_wait3A_96 = arith.constant 0 : i32
        %dma_wait3A_97 = arith.constant 0 : i32
        %dma_wait3A_98 = tpu.memref_slice %arg13[%dma_wait3A_96, %dma_wait3A_97] : memref<10240x128xf32, #tpu.memory_space<vmem_shared>> -> memref<10240x128xf32, #tpu.memory_space<vmem_shared>>
        tpu.wait_indirect_dma semaphore(%run_scoped3A : memref<!tpu.dma_semaphore, #tpu.memory_space<semaphore_mem>>) src(%arg12 : memref<112x128xf32, #tpu.memory_space<vmem>>) dst(%dma_wait3A_98 : memref<10240x128xf32, #tpu.memory_space<vmem_shared>>)
        tpu.yield
      }) : () -> ()
    }
    %dma_wait3A = arith.constant 0 : i32
    %dma_wait3A_26 = arith.constant 0 : i32
    %dma_wait3A_27 = tpu.memref_slice %arg2[%dma_wait3A, %dma_wait3A_26] : memref<10240x128xf32, #tpu.memory_space<hbm>> -> memref<112x128xf32, #tpu.memory_space<hbm>>
    %dma_wait3A_28 = arith.constant 0 : i32
    %dma_wait3A_29 = arith.constant 0 : i32
    %dma_wait3A_30 = tpu.memref_slice %arg2[%dma_wait3A_28, %dma_wait3A_29] : memref<10240x128xf32, #tpu.memory_space<hbm>> -> memref<112x128xf32, #tpu.memory_space<hbm>>
    tpu.wait_dma2 semaphore(%arg14 : memref<!tpu.dma_semaphore, #tpu.memory_space<semaphore_mem>>) src(%dma_wait3A_30 : memref<112x128xf32, #tpu.memory_space<hbm>>) dst(%arg11 : memref<112x128xf32, #tpu.memory_space<vmem>>)
    %barrier3A_31 = arith.constant 0 : index
    tpu.barrier barrier_id(%barrier3A_31)
    %mul3A_32 = arith.constant 640 : i32
    %mul3A_33 = arith.muli %arg1, %mul3A_32 : i32
    %mul3A_34 = arith.constant 640 : i32
    %mul3A_35 = arith.muli %arg1, %mul3A_34 : i32
    "tpu.region"() ({
      %run_scoped3A = tpu.sem_alloc : memref<!tpu.dma_semaphore, #tpu.memory_space<semaphore_mem>>
      %dma_start3A_36 = arith.constant 0 : i32
      %dma_start3A_37 = tpu.memref_slice %arg6[%arg0, %mul3A_35, %dma_start3A_36] : memref<2x10240x128xf32, #tpu.memory_space<hbm>> -> memref<1x640x128xf32, #tpu.memory_space<hbm>>
      %dma_start3A_38 = tpu.memref_squeeze %dma_start3A_37 : memref<1x640x128xf32, #tpu.memory_space<hbm>> -> memref<640x128xf32, #tpu.memory_space<hbm>>
      %dma_start3A_39 = arith.constant 0 : i32
      %dma_start3A_40 = tpu.memref_slice %arg13[%mul3A_33, %dma_start3A_39] : memref<10240x128xf32, #tpu.memory_space<vmem_shared>> -> memref<640x128xf32, #tpu.memory_space<vmem_shared>>
      tpu.enqueue_dma source(%dma_start3A_40 : memref<640x128xf32, #tpu.memory_space<vmem_shared>>) target(%dma_start3A_38 : memref<640x128xf32, #tpu.memory_space<hbm>>) target_semaphore(%run_scoped3A : memref<!tpu.dma_semaphore, #tpu.memory_space<semaphore_mem>>)
      %dma_wait3A_41 = arith.constant 0 : i32
      %dma_wait3A_42 = tpu.memref_slice %arg6[%arg0, %mul3A_35, %dma_wait3A_41] : memref<2x10240x128xf32, #tpu.memory_space<hbm>> -> memref<1x640x128xf32, #tpu.memory_space<hbm>>
      %dma_wait3A_43 = tpu.memref_squeeze %dma_wait3A_42 : memref<1x640x128xf32, #tpu.memory_space<hbm>> -> memref<640x128xf32, #tpu.memory_space<hbm>>
      %dma_wait3A_44 = arith.constant 0 : i32
      %dma_wait3A_45 = tpu.memref_slice %arg13[%mul3A_33, %dma_wait3A_44] : memref<10240x128xf32, #tpu.memory_space<vmem_shared>> -> memref<640x128xf32, #tpu.memory_space<vmem_shared>>
      tpu.wait_dma2 semaphore(%run_scoped3A : memref<!tpu.dma_semaphore, #tpu.memory_space<semaphore_mem>>) src(%dma_wait3A_45 : memref<640x128xf32, #tpu.memory_space<vmem_shared>>) dst(%dma_wait3A_43 : memref<640x128xf32, #tpu.memory_space<hbm>>)
      tpu.yield
    }) : () -> ()
    return
  }
}

#map = affine_map<(d0, d1) -> (0, 0)>
#map1 = affine_map<(d0, d1) -> (0)>
#map2 = affine_map<(d0, d1) -> (0, 0, 0)>
module attributes {stable_mosaic.version = 14 : i64} {
  func.func @deg(%arg0: i32, %arg1: i32, %arg2: memref<112x128xf32, #tpu.memory_space<hbm>>, %arg3: memref<322672xi32, #tpu.memory_space<hbm>>, %arg4: memref<640x128xf32, #tpu.memory_space<hbm>>, %arg5: memref<2x10240x128xf32, #tpu.memory_space<hbm>>, %arg6: memref<112xi32, #tpu.memory_space<vmem>>, %arg7: memref<112x128xf32, #tpu.memory_space<vmem>>, %arg8: memref<10240x128xf32, #tpu.memory_space<vmem_shared>>) attributes {dimension_semantics = [#tpu.dimension_semantics<core_parallel>, #tpu.dimension_semantics<subcore_parallel>], iteration_bounds = array<i64: 2, 16>, scalar_prefetch = 0 : i64, scratch_operands = 3 : i64, tpu.core_type = #tpu.core_type<sc_vector_subcore>, window_params = [{transform_indices = #map}, {transform_indices = #map1}, {transform_indices = #map}, {transform_indices = #map2}]} {
    %mul3A = arith.constant 640 : i32
    %mul3A_0 = arith.muli %arg1, %mul3A : i32
    "tpu.region"() ({
      %run_scoped3A = tpu.sem_alloc : memref<!tpu.dma_semaphore, #tpu.memory_space<semaphore_mem>>
      %dma_start3A = arith.constant 0 : i32
      %dma_start3A_11 = tpu.memref_slice %arg8[%mul3A_0, %dma_start3A] : memref<10240x128xf32, #tpu.memory_space<vmem_shared>> -> memref<640x128xf32, #tpu.memory_space<vmem_shared>>
      tpu.enqueue_dma source(%arg4 : memref<640x128xf32, #tpu.memory_space<hbm>>) target(%dma_start3A_11 : memref<640x128xf32, #tpu.memory_space<vmem_shared>>) target_semaphore(%run_scoped3A : memref<!tpu.dma_semaphore, #tpu.memory_space<semaphore_mem>>)
      %dma_wait3A = arith.constant 0 : i32
      %dma_wait3A_12 = tpu.memref_slice %arg8[%mul3A_0, %dma_wait3A] : memref<10240x128xf32, #tpu.memory_space<vmem_shared>> -> memref<640x128xf32, #tpu.memory_space<vmem_shared>>
      tpu.wait_dma2 semaphore(%run_scoped3A : memref<!tpu.dma_semaphore, #tpu.memory_space<semaphore_mem>>) src(%arg4 : memref<640x128xf32, #tpu.memory_space<hbm>>) dst(%dma_wait3A_12 : memref<640x128xf32, #tpu.memory_space<vmem_shared>>)
      tpu.yield
    }) : () -> ()
    "tpu.region"() ({
      %run_scoped3A = tpu.sem_alloc : memref<!tpu.dma_semaphore, #tpu.memory_space<semaphore_mem>>
      tpu.enqueue_dma source(%arg2 : memref<112x128xf32, #tpu.memory_space<hbm>>) target(%arg7 : memref<112x128xf32, #tpu.memory_space<vmem>>) target_semaphore(%run_scoped3A : memref<!tpu.dma_semaphore, #tpu.memory_space<semaphore_mem>>)
      tpu.wait_dma2 semaphore(%run_scoped3A : memref<!tpu.dma_semaphore, #tpu.memory_space<semaphore_mem>>) src(%arg2 : memref<112x128xf32, #tpu.memory_space<hbm>>) dst(%arg7 : memref<112x128xf32, #tpu.memory_space<vmem>>)
      tpu.yield
    }) : () -> ()
    %barrier3A = arith.constant 0 : index
    tpu.barrier barrier_id(%barrier3A)
    %scan3A = arith.constant 0 : i32
    %scan3A_1 = arith.constant 0 : i32
    %scan3A_2 = arith.constant 90 : i32
    %scan3A_3 = arith.addi %scan3A_1, %scan3A_2 : i32
    %scan3A_4 = arith.constant 1 : i32
    scf.for %scan3A_11 = %scan3A_1 to %scan3A_3 step %scan3A_4  : i32 {
      %mul3A_12 = arith.constant 16 : i32
      %mul3A_13 = arith.muli %arg0, %mul3A_12 : i32
      %add3A = arith.addi %mul3A_13, %arg1 : i32
      %mul3A_14 = arith.constant 10080 : i32
      %mul3A_15 = arith.muli %add3A, %mul3A_14 : i32
      %mul3A_16 = arith.constant 112 : i32
      %mul3A_17 = arith.muli %scan3A_11, %mul3A_16 : i32
      %add3A_18 = arith.addi %mul3A_15, %mul3A_17 : i32
      "tpu.region"() ({
        %run_scoped3A = tpu.sem_alloc : memref<!tpu.dma_semaphore, #tpu.memory_space<semaphore_mem>>
        %dma_start3A = tpu.memref_slice %arg3[%add3A_18] : memref<322672xi32, #tpu.memory_space<hbm>> -> memref<112xi32, #tpu.memory_space<hbm>>
        %dma_start3A_19 = tpu.memref_slice %arg3[%add3A_18] : memref<322672xi32, #tpu.memory_space<hbm>> -> memref<112xi32, #tpu.memory_space<hbm>>
        tpu.enqueue_dma source(%dma_start3A_19 : memref<112xi32, #tpu.memory_space<hbm>>) target(%arg6 : memref<112xi32, #tpu.memory_space<vmem>>) target_semaphore(%run_scoped3A : memref<!tpu.dma_semaphore, #tpu.memory_space<semaphore_mem>>)
        %dma_wait3A = tpu.memref_slice %arg3[%add3A_18] : memref<322672xi32, #tpu.memory_space<hbm>> -> memref<112xi32, #tpu.memory_space<hbm>>
        %dma_wait3A_20 = tpu.memref_slice %arg3[%add3A_18] : memref<322672xi32, #tpu.memory_space<hbm>> -> memref<112xi32, #tpu.memory_space<hbm>>
        tpu.wait_dma2 semaphore(%run_scoped3A : memref<!tpu.dma_semaphore, #tpu.memory_space<semaphore_mem>>) src(%dma_wait3A_20 : memref<112xi32, #tpu.memory_space<hbm>>) dst(%arg6 : memref<112xi32, #tpu.memory_space<vmem>>)
        tpu.yield
      }) : () -> ()
      "tpu.region"() ({
        %run_scoped3A = tpu.sem_alloc : memref<!tpu.dma_semaphore, #tpu.memory_space<semaphore_mem>>
        %dma_start3A = arith.constant 0 : i32
        %dma_start3A_19 = arith.constant 0 : i32
        %dma_start3A_20 = tpu.memref_slice %arg8[%dma_start3A, %dma_start3A_19] : memref<10240x128xf32, #tpu.memory_space<vmem_shared>> -> memref<10240x128xf32, #tpu.memory_space<vmem_shared>>
        tpu.enqueue_indirect_dma source(%arg7 : memref<112x128xf32, #tpu.memory_space<vmem>>) target(%dma_start3A_20 : memref<10240x128xf32, #tpu.memory_space<vmem_shared>>) offsets(%arg6 : memref<112xi32, #tpu.memory_space<vmem>>) semaphore(%run_scoped3A : memref<!tpu.dma_semaphore, #tpu.memory_space<semaphore_mem>>) {add = true}
        %dma_wait3A = arith.constant 0 : i32
        %dma_wait3A_21 = arith.constant 0 : i32
        %dma_wait3A_22 = tpu.memref_slice %arg8[%dma_wait3A, %dma_wait3A_21] : memref<10240x128xf32, #tpu.memory_space<vmem_shared>> -> memref<10240x128xf32, #tpu.memory_space<vmem_shared>>
        tpu.wait_indirect_dma semaphore(%run_scoped3A : memref<!tpu.dma_semaphore, #tpu.memory_space<semaphore_mem>>) src(%arg7 : memref<112x128xf32, #tpu.memory_space<vmem>>) dst(%dma_wait3A_22 : memref<10240x128xf32, #tpu.memory_space<vmem_shared>>)
        tpu.yield
      }) : () -> ()
    }
    %scan3A_5 = arith.constant 90 : i32
    %barrier3A_6 = arith.constant 0 : index
    tpu.barrier barrier_id(%barrier3A_6)
    %mul3A_7 = arith.constant 640 : i32
    %mul3A_8 = arith.muli %arg1, %mul3A_7 : i32
    %mul3A_9 = arith.constant 640 : i32
    %mul3A_10 = arith.muli %arg1, %mul3A_9 : i32
    "tpu.region"() ({
      %run_scoped3A = tpu.sem_alloc : memref<!tpu.dma_semaphore, #tpu.memory_space<semaphore_mem>>
      %dma_start3A = arith.constant 0 : i32
      %dma_start3A_11 = tpu.memref_slice %arg5[%arg0, %mul3A_10, %dma_start3A] : memref<2x10240x128xf32, #tpu.memory_space<hbm>> -> memref<1x640x128xf32, #tpu.memory_space<hbm>>
      %dma_start3A_12 = tpu.memref_squeeze %dma_start3A_11 : memref<1x640x128xf32, #tpu.memory_space<hbm>> -> memref<640x128xf32, #tpu.memory_space<hbm>>
      %dma_start3A_13 = arith.constant 0 : i32
      %dma_start3A_14 = tpu.memref_slice %arg8[%mul3A_8, %dma_start3A_13] : memref<10240x128xf32, #tpu.memory_space<vmem_shared>> -> memref<640x128xf32, #tpu.memory_space<vmem_shared>>
      tpu.enqueue_dma source(%dma_start3A_14 : memref<640x128xf32, #tpu.memory_space<vmem_shared>>) target(%dma_start3A_12 : memref<640x128xf32, #tpu.memory_space<hbm>>) target_semaphore(%run_scoped3A : memref<!tpu.dma_semaphore, #tpu.memory_space<semaphore_mem>>)
      %dma_wait3A = arith.constant 0 : i32
      %dma_wait3A_15 = tpu.memref_slice %arg5[%arg0, %mul3A_10, %dma_wait3A] : memref<2x10240x128xf32, #tpu.memory_space<hbm>> -> memref<1x640x128xf32, #tpu.memory_space<hbm>>
      %dma_wait3A_16 = tpu.memref_squeeze %dma_wait3A_15 : memref<1x640x128xf32, #tpu.memory_space<hbm>> -> memref<640x128xf32, #tpu.memory_space<hbm>>
      %dma_wait3A_17 = arith.constant 0 : i32
      %dma_wait3A_18 = tpu.memref_slice %arg8[%mul3A_8, %dma_wait3A_17] : memref<10240x128xf32, #tpu.memory_space<vmem_shared>> -> memref<640x128xf32, #tpu.memory_space<vmem_shared>>
      tpu.wait_dma2 semaphore(%run_scoped3A : memref<!tpu.dma_semaphore, #tpu.memory_space<semaphore_mem>>) src(%dma_wait3A_18 : memref<640x128xf32, #tpu.memory_space<vmem_shared>>) dst(%dma_wait3A_16 : memref<640x128xf32, #tpu.memory_space<hbm>>)
      tpu.yield
    }) : () -> ()
    return
  }
}

#map = affine_map<(d0, d1) -> (0, 0)>
#map1 = affine_map<(d0, d1) -> (0)>
#map2 = affine_map<(d0, d1) -> (0, 0, 0)>
module attributes {stable_mosaic.version = 14 : i64} {
  func.func @agg(%arg0: i32, %arg1: i32, %arg2: memref<10240x128xf32, #tpu.memory_space<hbm>>, %arg3: memref<322672xi32, #tpu.memory_space<hbm>>, %arg4: memref<322672xi32, #tpu.memory_space<hbm>>, %arg5: memref<640x128xf32, #tpu.memory_space<hbm>>, %arg6: memref<2x10240x128xf32, #tpu.memory_space<hbm>>, %arg7: memref<112xi32, #tpu.memory_space<vmem>>, %arg8: memref<112xi32, #tpu.memory_space<vmem>>, %arg9: memref<112xi32, #tpu.memory_space<vmem>>, %arg10: memref<112xi32, #tpu.memory_space<vmem>>, %arg11: memref<112x128xf32, #tpu.memory_space<vmem>>, %arg12: memref<112x128xf32, #tpu.memory_space<vmem>>, %arg13: memref<10240x128xf32, #tpu.memory_space<vmem_shared>>, %arg14: memref<!tpu.dma_semaphore, #tpu.memory_space<semaphore_mem>>, %arg15: memref<!tpu.dma_semaphore, #tpu.memory_space<semaphore_mem>>) attributes {dimension_semantics = [#tpu.dimension_semantics<core_parallel>, #tpu.dimension_semantics<subcore_parallel>], iteration_bounds = array<i64: 2, 16>, scalar_prefetch = 0 : i64, scratch_operands = 9 : i64, tpu.core_type = #tpu.core_type<sc_vector_subcore>, window_params = [{transform_indices = #map}, {transform_indices = #map1}, {transform_indices = #map1}, {transform_indices = #map}, {transform_indices = #map2}]} {
    %mul3A = arith.constant 640 : i32
    %mul3A_0 = arith.muli %arg1, %mul3A : i32
    "tpu.region"() ({
      %run_scoped3A = tpu.sem_alloc : memref<!tpu.dma_semaphore, #tpu.memory_space<semaphore_mem>>
      %dma_start3A_36 = arith.constant 0 : i32
      %dma_start3A_37 = tpu.memref_slice %arg13[%mul3A_0, %dma_start3A_36] : memref<10240x128xf32, #tpu.memory_space<vmem_shared>> -> memref<640x128xf32, #tpu.memory_space<vmem_shared>>
      tpu.enqueue_dma source(%arg5 : memref<640x128xf32, #tpu.memory_space<hbm>>) target(%dma_start3A_37 : memref<640x128xf32, #tpu.memory_space<vmem_shared>>) target_semaphore(%run_scoped3A : memref<!tpu.dma_semaphore, #tpu.memory_space<semaphore_mem>>)
      %dma_wait3A_38 = arith.constant 0 : i32
      %dma_wait3A_39 = tpu.memref_slice %arg13[%mul3A_0, %dma_wait3A_38] : memref<10240x128xf32, #tpu.memory_space<vmem_shared>> -> memref<640x128xf32, #tpu.memory_space<vmem_shared>>
      tpu.wait_dma2 semaphore(%run_scoped3A : memref<!tpu.dma_semaphore, #tpu.memory_space<semaphore_mem>>) src(%arg5 : memref<640x128xf32, #tpu.memory_space<hbm>>) dst(%dma_wait3A_39 : memref<640x128xf32, #tpu.memory_space<vmem_shared>>)
      tpu.yield
    }) : () -> ()
    %barrier3A = arith.constant 0 : index
    tpu.barrier barrier_id(%barrier3A)
    %eq3A = arith.constant 0 : i32
    %eq3A_1 = arith.cmpi eq, %arg0, %eq3A : i32
    %mul3A_2 = arith.constant 13440 : i32
    %mul3A_3 = arith.muli %arg1, %mul3A_2 : i32
    %add3A = arith.constant 0 : i32
    %add3A_4 = arith.addi %mul3A_3, %add3A : i32
    %mul3A_5 = arith.constant 6720 : i32
    %mul3A_6 = arith.muli %arg1, %mul3A_5 : i32
    %add3A_7 = arith.constant 215040 : i32
    %add3A_8 = arith.addi %add3A_7, %mul3A_6 : i32
    %add3A_9 = arith.constant 0 : i32
    %add3A_10 = arith.addi %add3A_8, %add3A_9 : i32
    %select_n3A = arith.select %eq3A_1, %add3A_4, %add3A_10 : i32
    "tpu.region"() ({
      %run_scoped3A = tpu.sem_alloc : memref<!tpu.dma_semaphore, #tpu.memory_space<semaphore_mem>>
      %dma_start3A_36 = tpu.memref_slice %arg3[%select_n3A] : memref<322672xi32, #tpu.memory_space<hbm>> -> memref<112xi32, #tpu.memory_space<hbm>>
      %dma_start3A_37 = tpu.memref_slice %arg3[%select_n3A] : memref<322672xi32, #tpu.memory_space<hbm>> -> memref<112xi32, #tpu.memory_space<hbm>>
      tpu.enqueue_dma source(%dma_start3A_37 : memref<112xi32, #tpu.memory_space<hbm>>) target(%arg7 : memref<112xi32, #tpu.memory_space<vmem>>) target_semaphore(%run_scoped3A : memref<!tpu.dma_semaphore, #tpu.memory_space<semaphore_mem>>)
      %dma_wait3A_38 = tpu.memref_slice %arg3[%select_n3A] : memref<322672xi32, #tpu.memory_space<hbm>> -> memref<112xi32, #tpu.memory_space<hbm>>
      %dma_wait3A_39 = tpu.memref_slice %arg3[%select_n3A] : memref<322672xi32, #tpu.memory_space<hbm>> -> memref<112xi32, #tpu.memory_space<hbm>>
      tpu.wait_dma2 semaphore(%run_scoped3A : memref<!tpu.dma_semaphore, #tpu.memory_space<semaphore_mem>>) src(%dma_wait3A_39 : memref<112xi32, #tpu.memory_space<hbm>>) dst(%arg7 : memref<112xi32, #tpu.memory_space<vmem>>)
      tpu.yield
    }) : () -> ()
    "tpu.region"() ({
      %run_scoped3A = tpu.sem_alloc : memref<!tpu.dma_semaphore, #tpu.memory_space<semaphore_mem>>
      %dma_start3A_36 = tpu.memref_slice %arg4[%select_n3A] : memref<322672xi32, #tpu.memory_space<hbm>> -> memref<112xi32, #tpu.memory_space<hbm>>
      %dma_start3A_37 = tpu.memref_slice %arg4[%select_n3A] : memref<322672xi32, #tpu.memory_space<hbm>> -> memref<112xi32, #tpu.memory_space<hbm>>
      tpu.enqueue_dma source(%dma_start3A_37 : memref<112xi32, #tpu.memory_space<hbm>>) target(%arg9 : memref<112xi32, #tpu.memory_space<vmem>>) target_semaphore(%run_scoped3A : memref<!tpu.dma_semaphore, #tpu.memory_space<semaphore_mem>>)
      %dma_wait3A_38 = tpu.memref_slice %arg4[%select_n3A] : memref<322672xi32, #tpu.memory_space<hbm>> -> memref<112xi32, #tpu.memory_space<hbm>>
      %dma_wait3A_39 = tpu.memref_slice %arg4[%select_n3A] : memref<322672xi32, #tpu.memory_space<hbm>> -> memref<112xi32, #tpu.memory_space<hbm>>
      tpu.wait_dma2 semaphore(%run_scoped3A : memref<!tpu.dma_semaphore, #tpu.memory_space<semaphore_mem>>) src(%dma_wait3A_39 : memref<112xi32, #tpu.memory_space<hbm>>) dst(%arg9 : memref<112xi32, #tpu.memory_space<vmem>>)
      tpu.yield
    }) : () -> ()
    %dma_start3A = arith.constant 0 : i32
    %dma_start3A_11 = arith.constant 0 : i32
    %dma_start3A_12 = tpu.memref_slice %arg2[%dma_start3A, %dma_start3A_11] : memref<10240x128xf32, #tpu.memory_space<hbm>> -> memref<10240x128xf32, #tpu.memory_space<hbm>>
    tpu.enqueue_indirect_dma source(%dma_start3A_12 : memref<10240x128xf32, #tpu.memory_space<hbm>>) target(%arg11 : memref<112x128xf32, #tpu.memory_space<vmem>>) offsets(%arg7 : memref<112xi32, #tpu.memory_space<vmem>>) semaphore(%arg14 : memref<!tpu.dma_semaphore, #tpu.memory_space<semaphore_mem>>)
    %eq3A_13 = arith.constant 0 : i32
    %eq3A_14 = arith.cmpi eq, %arg0, %eq3A_13 : i32
    %jit3A = arith.constant 60 : i32
    %jit3A_15 = arith.constant 30 : i32
    %select_n3A_16 = arith.select %eq3A_14, %jit3A, %jit3A_15 : i32
    %while3A = arith.constant 0 : i32
    %while3A_17 = arith.constant 0 : i32
    %while3A_18 = arith.subi %select_n3A_16, %while3A_17 : i32
    %while3A_19 = arith.addi %while3A_17, %while3A_18 : i32
    %while3A_20 = arith.constant 1 : i32
    %while3A_21 = arith.divsi %while3A_18, %while3A_20 : i32
    %while3A_22 = arith.muli %while3A_21, %while3A_20 : i32
    %while3A_23 = arith.addi %while3A_17, %while3A_22 : i32
    %while3A_24 = arith.constant 1 : i32
    scf.for %while3A_36 = %while3A_17 to %while3A_23 step %while3A_24  : i32 {
      %mul3A_37 = arith.constant 2 : i32
      %mul3A_38 = arith.muli %mul3A_37, %while3A_36 : i32
      %add3A_39 = arith.constant 1 : i32
      %add3A_40 = arith.addi %mul3A_38, %add3A_39 : i32
      %eq3A_41 = arith.constant 0 : i32
      %eq3A_42 = arith.cmpi eq, %arg0, %eq3A_41 : i32
      %mul3A_43 = arith.constant 13440 : i32
      %mul3A_44 = arith.muli %arg1, %mul3A_43 : i32
      %mul3A_45 = arith.constant 112 : i32
      %mul3A_46 = arith.muli %add3A_40, %mul3A_45 : i32
      %add3A_47 = arith.addi %mul3A_44, %mul3A_46 : i32
      %mul3A_48 = arith.constant 6720 : i32
      %mul3A_49 = arith.muli %arg1, %mul3A_48 : i32
      %add3A_50 = arith.constant 215040 : i32
      %add3A_51 = arith.addi %add3A_50, %mul3A_49 : i32
      %mul3A_52 = arith.constant 112 : i32
      %mul3A_53 = arith.muli %add3A_40, %mul3A_52 : i32
      %add3A_54 = arith.addi %add3A_51, %mul3A_53 : i32
      %select_n3A_55 = arith.select %eq3A_42, %add3A_47, %add3A_54 : i32
      "tpu.region"() ({
        %run_scoped3A = tpu.sem_alloc : memref<!tpu.dma_semaphore, #tpu.memory_space<semaphore_mem>>
        %dma_start3A_93 = tpu.memref_slice %arg3[%select_n3A_55] : memref<322672xi32, #tpu.memory_space<hbm>> -> memref<112xi32, #tpu.memory_space<hbm>>
        %dma_start3A_94 = tpu.memref_slice %arg3[%select_n3A_55] : memref<322672xi32, #tpu.memory_space<hbm>> -> memref<112xi32, #tpu.memory_space<hbm>>
        tpu.enqueue_dma source(%dma_start3A_94 : memref<112xi32, #tpu.memory_space<hbm>>) target(%arg8 : memref<112xi32, #tpu.memory_space<vmem>>) target_semaphore(%run_scoped3A : memref<!tpu.dma_semaphore, #tpu.memory_space<semaphore_mem>>)
        %dma_wait3A_95 = tpu.memref_slice %arg3[%select_n3A_55] : memref<322672xi32, #tpu.memory_space<hbm>> -> memref<112xi32, #tpu.memory_space<hbm>>
        %dma_wait3A_96 = tpu.memref_slice %arg3[%select_n3A_55] : memref<322672xi32, #tpu.memory_space<hbm>> -> memref<112xi32, #tpu.memory_space<hbm>>
        tpu.wait_dma2 semaphore(%run_scoped3A : memref<!tpu.dma_semaphore, #tpu.memory_space<semaphore_mem>>) src(%dma_wait3A_96 : memref<112xi32, #tpu.memory_space<hbm>>) dst(%arg8 : memref<112xi32, #tpu.memory_space<vmem>>)
        tpu.yield
      }) : () -> ()
      "tpu.region"() ({
        %run_scoped3A = tpu.sem_alloc : memref<!tpu.dma_semaphore, #tpu.memory_space<semaphore_mem>>
        %dma_start3A_93 = tpu.memref_slice %arg4[%select_n3A_55] : memref<322672xi32, #tpu.memory_space<hbm>> -> memref<112xi32, #tpu.memory_space<hbm>>
        %dma_start3A_94 = tpu.memref_slice %arg4[%select_n3A_55] : memref<322672xi32, #tpu.memory_space<hbm>> -> memref<112xi32, #tpu.memory_space<hbm>>
        tpu.enqueue_dma source(%dma_start3A_94 : memref<112xi32, #tpu.memory_space<hbm>>) target(%arg10 : memref<112xi32, #tpu.memory_space<vmem>>) target_semaphore(%run_scoped3A : memref<!tpu.dma_semaphore, #tpu.memory_space<semaphore_mem>>)
        %dma_wait3A_95 = tpu.memref_slice %arg4[%select_n3A_55] : memref<322672xi32, #tpu.memory_space<hbm>> -> memref<112xi32, #tpu.memory_space<hbm>>
        %dma_wait3A_96 = tpu.memref_slice %arg4[%select_n3A_55] : memref<322672xi32, #tpu.memory_space<hbm>> -> memref<112xi32, #tpu.memory_space<hbm>>
        tpu.wait_dma2 semaphore(%run_scoped3A : memref<!tpu.dma_semaphore, #tpu.memory_space<semaphore_mem>>) src(%dma_wait3A_96 : memref<112xi32, #tpu.memory_space<hbm>>) dst(%arg10 : memref<112xi32, #tpu.memory_space<vmem>>)
        tpu.yield
      }) : () -> ()
      %dma_start3A_56 = arith.constant 0 : i32
      %dma_start3A_57 = arith.constant 0 : i32
      %dma_start3A_58 = tpu.memref_slice %arg2[%dma_start3A_56, %dma_start3A_57] : memref<10240x128xf32, #tpu.memory_space<hbm>> -> memref<10240x128xf32, #tpu.memory_space<hbm>>
      tpu.enqueue_indirect_dma source(%dma_start3A_58 : memref<10240x128xf32, #tpu.memory_space<hbm>>) target(%arg12 : memref<112x128xf32, #tpu.memory_space<vmem>>) offsets(%arg8 : memref<112xi32, #tpu.memory_space<vmem>>) semaphore(%arg15 : memref<!tpu.dma_semaphore, #tpu.memory_space<semaphore_mem>>)
      %dma_wait3A_59 = arith.constant 0 : i32
      %dma_wait3A_60 = arith.constant 0 : i32
      %dma_wait3A_61 = tpu.memref_slice %arg2[%dma_wait3A_59, %dma_wait3A_60] : memref<10240x128xf32, #tpu.memory_space<hbm>> -> memref<112x128xf32, #tpu.memory_space<hbm>>
      %dma_wait3A_62 = arith.constant 0 : i32
      %dma_wait3A_63 = arith.constant 0 : i32
      %dma_wait3A_64 = tpu.memref_slice %arg2[%dma_wait3A_62, %dma_wait3A_63] : memref<10240x128xf32, #tpu.memory_space<hbm>> -> memref<112x128xf32, #tpu.memory_space<hbm>>
      tpu.wait_dma2 semaphore(%arg14 : memref<!tpu.dma_semaphore, #tpu.memory_space<semaphore_mem>>) src(%dma_wait3A_64 : memref<112x128xf32, #tpu.memory_space<hbm>>) dst(%arg11 : memref<112x128xf32, #tpu.memory_space<vmem>>)
      "tpu.region"() ({
        %run_scoped3A = tpu.sem_alloc : memref<!tpu.dma_semaphore, #tpu.memory_space<semaphore_mem>>
        %dma_start3A_93 = arith.constant 0 : i32
        %dma_start3A_94 = arith.constant 0 : i32
        %dma_start3A_95 = tpu.memref_slice %arg13[%dma_start3A_93, %dma_start3A_94] : memref<10240x128xf32, #tpu.memory_space<vmem_shared>> -> memref<10240x128xf32, #tpu.memory_space<vmem_shared>>
        tpu.enqueue_indirect_dma source(%arg11 : memref<112x128xf32, #tpu.memory_space<vmem>>) target(%dma_start3A_95 : memref<10240x128xf32, #tpu.memory_space<vmem_shared>>) offsets(%arg9 : memref<112xi32, #tpu.memory_space<vmem>>) semaphore(%run_scoped3A : memref<!tpu.dma_semaphore, #tpu.memory_space<semaphore_mem>>) {add = true}
        %dma_wait3A_96 = arith.constant 0 : i32
        %dma_wait3A_97 = arith.constant 0 : i32
        %dma_wait3A_98 = tpu.memref_slice %arg13[%dma_wait3A_96, %dma_wait3A_97] : memref<10240x128xf32, #tpu.memory_space<vmem_shared>> -> memref<10240x128xf32, #tpu.memory_space<vmem_shared>>
        tpu.wait_indirect_dma semaphore(%run_scoped3A : memref<!tpu.dma_semaphore, #tpu.memory_space<semaphore_mem>>) src(%arg11 : memref<112x128xf32, #tpu.memory_space<vmem>>) dst(%dma_wait3A_98 : memref<10240x128xf32, #tpu.memory_space<vmem_shared>>)
        tpu.yield
      }) : () -> ()
      %mul3A_65 = arith.constant 2 : i32
      %mul3A_66 = arith.muli %mul3A_65, %while3A_36 : i32
      %add3A_67 = arith.constant 2 : i32
      %add3A_68 = arith.addi %mul3A_66, %add3A_67 : i32
      %eq3A_69 = arith.constant 0 : i32
      %eq3A_70 = arith.cmpi eq, %arg0, %eq3A_69 : i32
      %mul3A_71 = arith.constant 13440 : i32
      %mul3A_72 = arith.muli %arg1, %mul3A_71 : i32
      %mul3A_73 = arith.constant 112 : i32
      %mul3A_74 = arith.muli %add3A_68, %mul3A_73 : i32
      %add3A_75 = arith.addi %mul3A_72, %mul3A_74 : i32
      %mul3A_76 = arith.constant 6720 : i32
      %mul3A_77 = arith.muli %arg1, %mul3A_76 : i32
      %add3A_78 = arith.constant 215040 : i32
      %add3A_79 = arith.addi %add3A_78, %mul3A_77 : i32
      %mul3A_80 = arith.constant 112 : i32
      %mul3A_81 = arith.muli %add3A_68, %mul3A_80 : i32
      %add3A_82 = arith.addi %add3A_79, %mul3A_81 : i32
      %select_n3A_83 = arith.select %eq3A_70, %add3A_75, %add3A_82 : i32
      "tpu.region"() ({
        %run_scoped3A = tpu.sem_alloc : memref<!tpu.dma_semaphore, #tpu.memory_space<semaphore_mem>>
        %dma_start3A_93 = tpu.memref_slice %arg3[%select_n3A_83] : memref<322672xi32, #tpu.memory_space<hbm>> -> memref<112xi32, #tpu.memory_space<hbm>>
        %dma_start3A_94 = tpu.memref_slice %arg3[%select_n3A_83] : memref<322672xi32, #tpu.memory_space<hbm>> -> memref<112xi32, #tpu.memory_space<hbm>>
        tpu.enqueue_dma source(%dma_start3A_94 : memref<112xi32, #tpu.memory_space<hbm>>) target(%arg7 : memref<112xi32, #tpu.memory_space<vmem>>) target_semaphore(%run_scoped3A : memref<!tpu.dma_semaphore, #tpu.memory_space<semaphore_mem>>)
        %dma_wait3A_95 = tpu.memref_slice %arg3[%select_n3A_83] : memref<322672xi32, #tpu.memory_space<hbm>> -> memref<112xi32, #tpu.memory_space<hbm>>
        %dma_wait3A_96 = tpu.memref_slice %arg3[%select_n3A_83] : memref<322672xi32, #tpu.memory_space<hbm>> -> memref<112xi32, #tpu.memory_space<hbm>>
        tpu.wait_dma2 semaphore(%run_scoped3A : memref<!tpu.dma_semaphore, #tpu.memory_space<semaphore_mem>>) src(%dma_wait3A_96 : memref<112xi32, #tpu.memory_space<hbm>>) dst(%arg7 : memref<112xi32, #tpu.memory_space<vmem>>)
        tpu.yield
      }) : () -> ()
      "tpu.region"() ({
        %run_scoped3A = tpu.sem_alloc : memref<!tpu.dma_semaphore, #tpu.memory_space<semaphore_mem>>
        %dma_start3A_93 = tpu.memref_slice %arg4[%select_n3A_83] : memref<322672xi32, #tpu.memory_space<hbm>> -> memref<112xi32, #tpu.memory_space<hbm>>
        %dma_start3A_94 = tpu.memref_slice %arg4[%select_n3A_83] : memref<322672xi32, #tpu.memory_space<hbm>> -> memref<112xi32, #tpu.memory_space<hbm>>
        tpu.enqueue_dma source(%dma_start3A_94 : memref<112xi32, #tpu.memory_space<hbm>>) target(%arg9 : memref<112xi32, #tpu.memory_space<vmem>>) target_semaphore(%run_scoped3A : memref<!tpu.dma_semaphore, #tpu.memory_space<semaphore_mem>>)
        %dma_wait3A_95 = tpu.memref_slice %arg4[%select_n3A_83] : memref<322672xi32, #tpu.memory_space<hbm>> -> memref<112xi32, #tpu.memory_space<hbm>>
        %dma_wait3A_96 = tpu.memref_slice %arg4[%select_n3A_83] : memref<322672xi32, #tpu.memory_space<hbm>> -> memref<112xi32, #tpu.memory_space<hbm>>
        tpu.wait_dma2 semaphore(%run_scoped3A : memref<!tpu.dma_semaphore, #tpu.memory_space<semaphore_mem>>) src(%dma_wait3A_96 : memref<112xi32, #tpu.memory_space<hbm>>) dst(%arg9 : memref<112xi32, #tpu.memory_space<vmem>>)
        tpu.yield
      }) : () -> ()
      %dma_start3A_84 = arith.constant 0 : i32
      %dma_start3A_85 = arith.constant 0 : i32
      %dma_start3A_86 = tpu.memref_slice %arg2[%dma_start3A_84, %dma_start3A_85] : memref<10240x128xf32, #tpu.memory_space<hbm>> -> memref<10240x128xf32, #tpu.memory_space<hbm>>
      tpu.enqueue_indirect_dma source(%dma_start3A_86 : memref<10240x128xf32, #tpu.memory_space<hbm>>) target(%arg11 : memref<112x128xf32, #tpu.memory_space<vmem>>) offsets(%arg7 : memref<112xi32, #tpu.memory_space<vmem>>) semaphore(%arg14 : memref<!tpu.dma_semaphore, #tpu.memory_space<semaphore_mem>>)
      %dma_wait3A_87 = arith.constant 0 : i32
      %dma_wait3A_88 = arith.constant 0 : i32
      %dma_wait3A_89 = tpu.memref_slice %arg2[%dma_wait3A_87, %dma_wait3A_88] : memref<10240x128xf32, #tpu.memory_space<hbm>> -> memref<112x128xf32, #tpu.memory_space<hbm>>
      %dma_wait3A_90 = arith.constant 0 : i32
      %dma_wait3A_91 = arith.constant 0 : i32
      %dma_wait3A_92 = tpu.memref_slice %arg2[%dma_wait3A_90, %dma_wait3A_91] : memref<10240x128xf32, #tpu.memory_space<hbm>> -> memref<112x128xf32, #tpu.memory_space<hbm>>
      tpu.wait_dma2 semaphore(%arg15 : memref<!tpu.dma_semaphore, #tpu.memory_space<semaphore_mem>>) src(%dma_wait3A_92 : memref<112x128xf32, #tpu.memory_space<hbm>>) dst(%arg12 : memref<112x128xf32, #tpu.memory_space<vmem>>)
      "tpu.region"() ({
        %run_scoped3A = tpu.sem_alloc : memref<!tpu.dma_semaphore, #tpu.memory_space<semaphore_mem>>
        %dma_start3A_93 = arith.constant 0 : i32
        %dma_start3A_94 = arith.constant 0 : i32
        %dma_start3A_95 = tpu.memref_slice %arg13[%dma_start3A_93, %dma_start3A_94] : memref<10240x128xf32, #tpu.memory_space<vmem_shared>> -> memref<10240x128xf32, #tpu.memory_space<vmem_shared>>
        tpu.enqueue_indirect_dma source(%arg12 : memref<112x128xf32, #tpu.memory_space<vmem>>) target(%dma_start3A_95 : memref<10240x128xf32, #tpu.memory_space<vmem_shared>>) offsets(%arg10 : memref<112xi32, #tpu.memory_space<vmem>>) semaphore(%run_scoped3A : memref<!tpu.dma_semaphore, #tpu.memory_space<semaphore_mem>>) {add = true}
        %dma_wait3A_96 = arith.constant 0 : i32
        %dma_wait3A_97 = arith.constant 0 : i32
        %dma_wait3A_98 = tpu.memref_slice %arg13[%dma_wait3A_96, %dma_wait3A_97] : memref<10240x128xf32, #tpu.memory_space<vmem_shared>> -> memref<10240x128xf32, #tpu.memory_space<vmem_shared>>
        tpu.wait_indirect_dma semaphore(%run_scoped3A : memref<!tpu.dma_semaphore, #tpu.memory_space<semaphore_mem>>) src(%arg12 : memref<112x128xf32, #tpu.memory_space<vmem>>) dst(%dma_wait3A_98 : memref<10240x128xf32, #tpu.memory_space<vmem_shared>>)
        tpu.yield
      }) : () -> ()
    }
    %while3A_25 = arith.constant 1 : i32
    scf.for %while3A_36 = %while3A_23 to %while3A_19 step %while3A_25  : i32 {
      %mul3A_37 = arith.constant 2 : i32
      %mul3A_38 = arith.muli %mul3A_37, %while3A_36 : i32
      %add3A_39 = arith.constant 1 : i32
      %add3A_40 = arith.addi %mul3A_38, %add3A_39 : i32
      %eq3A_41 = arith.constant 0 : i32
      %eq3A_42 = arith.cmpi eq, %arg0, %eq3A_41 : i32
      %mul3A_43 = arith.constant 13440 : i32
      %mul3A_44 = arith.muli %arg1, %mul3A_43 : i32
      %mul3A_45 = arith.constant 112 : i32
      %mul3A_46 = arith.muli %add3A_40, %mul3A_45 : i32
      %add3A_47 = arith.addi %mul3A_44, %mul3A_46 : i32
      %mul3A_48 = arith.constant 6720 : i32
      %mul3A_49 = arith.muli %arg1, %mul3A_48 : i32
      %add3A_50 = arith.constant 215040 : i32
      %add3A_51 = arith.addi %add3A_50, %mul3A_49 : i32
      %mul3A_52 = arith.constant 112 : i32
      %mul3A_53 = arith.muli %add3A_40, %mul3A_52 : i32
      %add3A_54 = arith.addi %add3A_51, %mul3A_53 : i32
      %select_n3A_55 = arith.select %eq3A_42, %add3A_47, %add3A_54 : i32
      "tpu.region"() ({
        %run_scoped3A = tpu.sem_alloc : memref<!tpu.dma_semaphore, #tpu.memory_space<semaphore_mem>>
        %dma_start3A_93 = tpu.memref_slice %arg3[%select_n3A_55] : memref<322672xi32, #tpu.memory_space<hbm>> -> memref<112xi32, #tpu.memory_space<hbm>>
        %dma_start3A_94 = tpu.memref_slice %arg3[%select_n3A_55] : memref<322672xi32, #tpu.memory_space<hbm>> -> memref<112xi32, #tpu.memory_space<hbm>>
        tpu.enqueue_dma source(%dma_start3A_94 : memref<112xi32, #tpu.memory_space<hbm>>) target(%arg8 : memref<112xi32, #tpu.memory_space<vmem>>) target_semaphore(%run_scoped3A : memref<!tpu.dma_semaphore, #tpu.memory_space<semaphore_mem>>)
        %dma_wait3A_95 = tpu.memref_slice %arg3[%select_n3A_55] : memref<322672xi32, #tpu.memory_space<hbm>> -> memref<112xi32, #tpu.memory_space<hbm>>
        %dma_wait3A_96 = tpu.memref_slice %arg3[%select_n3A_55] : memref<322672xi32, #tpu.memory_space<hbm>> -> memref<112xi32, #tpu.memory_space<hbm>>
        tpu.wait_dma2 semaphore(%run_scoped3A : memref<!tpu.dma_semaphore, #tpu.memory_space<semaphore_mem>>) src(%dma_wait3A_96 : memref<112xi32, #tpu.memory_space<hbm>>) dst(%arg8 : memref<112xi32, #tpu.memory_space<vmem>>)
        tpu.yield
      }) : () -> ()
      "tpu.region"() ({
        %run_scoped3A = tpu.sem_alloc : memref<!tpu.dma_semaphore, #tpu.memory_space<semaphore_mem>>
        %dma_start3A_93 = tpu.memref_slice %arg4[%select_n3A_55] : memref<322672xi32, #tpu.memory_space<hbm>> -> memref<112xi32, #tpu.memory_space<hbm>>
        %dma_start3A_94 = tpu.memref_slice %arg4[%select_n3A_55] : memref<322672xi32, #tpu.memory_space<hbm>> -> memref<112xi32, #tpu.memory_space<hbm>>
        tpu.enqueue_dma source(%dma_start3A_94 : memref<112xi32, #tpu.memory_space<hbm>>) target(%arg10 : memref<112xi32, #tpu.memory_space<vmem>>) target_semaphore(%run_scoped3A : memref<!tpu.dma_semaphore, #tpu.memory_space<semaphore_mem>>)
        %dma_wait3A_95 = tpu.memref_slice %arg4[%select_n3A_55] : memref<322672xi32, #tpu.memory_space<hbm>> -> memref<112xi32, #tpu.memory_space<hbm>>
        %dma_wait3A_96 = tpu.memref_slice %arg4[%select_n3A_55] : memref<322672xi32, #tpu.memory_space<hbm>> -> memref<112xi32, #tpu.memory_space<hbm>>
        tpu.wait_dma2 semaphore(%run_scoped3A : memref<!tpu.dma_semaphore, #tpu.memory_space<semaphore_mem>>) src(%dma_wait3A_96 : memref<112xi32, #tpu.memory_space<hbm>>) dst(%arg10 : memref<112xi32, #tpu.memory_space<vmem>>)
        tpu.yield
      }) : () -> ()
      %dma_start3A_56 = arith.constant 0 : i32
      %dma_start3A_57 = arith.constant 0 : i32
      %dma_start3A_58 = tpu.memref_slice %arg2[%dma_start3A_56, %dma_start3A_57] : memref<10240x128xf32, #tpu.memory_space<hbm>> -> memref<10240x128xf32, #tpu.memory_space<hbm>>
      tpu.enqueue_indirect_dma source(%dma_start3A_58 : memref<10240x128xf32, #tpu.memory_space<hbm>>) target(%arg12 : memref<112x128xf32, #tpu.memory_space<vmem>>) offsets(%arg8 : memref<112xi32, #tpu.memory_space<vmem>>) semaphore(%arg15 : memref<!tpu.dma_semaphore, #tpu.memory_space<semaphore_mem>>)
      %dma_wait3A_59 = arith.constant 0 : i32
      %dma_wait3A_60 = arith.constant 0 : i32
      %dma_wait3A_61 = tpu.memref_slice %arg2[%dma_wait3A_59, %dma_wait3A_60] : memref<10240x128xf32, #tpu.memory_space<hbm>> -> memref<112x128xf32, #tpu.memory_space<hbm>>
      %dma_wait3A_62 = arith.constant 0 : i32
      %dma_wait3A_63 = arith.constant 0 : i32
      %dma_wait3A_64 = tpu.memref_slice %arg2[%dma_wait3A_62, %dma_wait3A_63] : memref<10240x128xf32, #tpu.memory_space<hbm>> -> memref<112x128xf32, #tpu.memory_space<hbm>>
      tpu.wait_dma2 semaphore(%arg14 : memref<!tpu.dma_semaphore, #tpu.memory_space<semaphore_mem>>) src(%dma_wait3A_64 : memref<112x128xf32, #tpu.memory_space<hbm>>) dst(%arg11 : memref<112x128xf32, #tpu.memory_space<vmem>>)
      "tpu.region"() ({
        %run_scoped3A = tpu.sem_alloc : memref<!tpu.dma_semaphore, #tpu.memory_space<semaphore_mem>>
        %dma_start3A_93 = arith.constant 0 : i32
        %dma_start3A_94 = arith.constant 0 : i32
        %dma_start3A_95 = tpu.memref_slice %arg13[%dma_start3A_93, %dma_start3A_94] : memref<10240x128xf32, #tpu.memory_space<vmem_shared>> -> memref<10240x128xf32, #tpu.memory_space<vmem_shared>>
        tpu.enqueue_indirect_dma source(%arg11 : memref<112x128xf32, #tpu.memory_space<vmem>>) target(%dma_start3A_95 : memref<10240x128xf32, #tpu.memory_space<vmem_shared>>) offsets(%arg9 : memref<112xi32, #tpu.memory_space<vmem>>) semaphore(%run_scoped3A : memref<!tpu.dma_semaphore, #tpu.memory_space<semaphore_mem>>) {add = true}
        %dma_wait3A_96 = arith.constant 0 : i32
        %dma_wait3A_97 = arith.constant 0 : i32
        %dma_wait3A_98 = tpu.memref_slice %arg13[%dma_wait3A_96, %dma_wait3A_97] : memref<10240x128xf32, #tpu.memory_space<vmem_shared>> -> memref<10240x128xf32, #tpu.memory_space<vmem_shared>>
        tpu.wait_indirect_dma semaphore(%run_scoped3A : memref<!tpu.dma_semaphore, #tpu.memory_space<semaphore_mem>>) src(%arg11 : memref<112x128xf32, #tpu.memory_space<vmem>>) dst(%dma_wait3A_98 : memref<10240x128xf32, #tpu.memory_space<vmem_shared>>)
        tpu.yield
      }) : () -> ()
      %mul3A_65 = arith.constant 2 : i32
      %mul3A_66 = arith.muli %mul3A_65, %while3A_36 : i32
      %add3A_67 = arith.constant 2 : i32
      %add3A_68 = arith.addi %mul3A_66, %add3A_67 : i32
      %eq3A_69 = arith.constant 0 : i32
      %eq3A_70 = arith.cmpi eq, %arg0, %eq3A_69 : i32
      %mul3A_71 = arith.constant 13440 : i32
      %mul3A_72 = arith.muli %arg1, %mul3A_71 : i32
      %mul3A_73 = arith.constant 112 : i32
      %mul3A_74 = arith.muli %add3A_68, %mul3A_73 : i32
      %add3A_75 = arith.addi %mul3A_72, %mul3A_74 : i32
      %mul3A_76 = arith.constant 6720 : i32
      %mul3A_77 = arith.muli %arg1, %mul3A_76 : i32
      %add3A_78 = arith.constant 215040 : i32
      %add3A_79 = arith.addi %add3A_78, %mul3A_77 : i32
      %mul3A_80 = arith.constant 112 : i32
      %mul3A_81 = arith.muli %add3A_68, %mul3A_80 : i32
      %add3A_82 = arith.addi %add3A_79, %mul3A_81 : i32
      %select_n3A_83 = arith.select %eq3A_70, %add3A_75, %add3A_82 : i32
      "tpu.region"() ({
        %run_scoped3A = tpu.sem_alloc : memref<!tpu.dma_semaphore, #tpu.memory_space<semaphore_mem>>
        %dma_start3A_93 = tpu.memref_slice %arg3[%select_n3A_83] : memref<322672xi32, #tpu.memory_space<hbm>> -> memref<112xi32, #tpu.memory_space<hbm>>
        %dma_start3A_94 = tpu.memref_slice %arg3[%select_n3A_83] : memref<322672xi32, #tpu.memory_space<hbm>> -> memref<112xi32, #tpu.memory_space<hbm>>
        tpu.enqueue_dma source(%dma_start3A_94 : memref<112xi32, #tpu.memory_space<hbm>>) target(%arg7 : memref<112xi32, #tpu.memory_space<vmem>>) target_semaphore(%run_scoped3A : memref<!tpu.dma_semaphore, #tpu.memory_space<semaphore_mem>>)
        %dma_wait3A_95 = tpu.memref_slice %arg3[%select_n3A_83] : memref<322672xi32, #tpu.memory_space<hbm>> -> memref<112xi32, #tpu.memory_space<hbm>>
        %dma_wait3A_96 = tpu.memref_slice %arg3[%select_n3A_83] : memref<322672xi32, #tpu.memory_space<hbm>> -> memref<112xi32, #tpu.memory_space<hbm>>
        tpu.wait_dma2 semaphore(%run_scoped3A : memref<!tpu.dma_semaphore, #tpu.memory_space<semaphore_mem>>) src(%dma_wait3A_96 : memref<112xi32, #tpu.memory_space<hbm>>) dst(%arg7 : memref<112xi32, #tpu.memory_space<vmem>>)
        tpu.yield
      }) : () -> ()
      "tpu.region"() ({
        %run_scoped3A = tpu.sem_alloc : memref<!tpu.dma_semaphore, #tpu.memory_space<semaphore_mem>>
        %dma_start3A_93 = tpu.memref_slice %arg4[%select_n3A_83] : memref<322672xi32, #tpu.memory_space<hbm>> -> memref<112xi32, #tpu.memory_space<hbm>>
        %dma_start3A_94 = tpu.memref_slice %arg4[%select_n3A_83] : memref<322672xi32, #tpu.memory_space<hbm>> -> memref<112xi32, #tpu.memory_space<hbm>>
        tpu.enqueue_dma source(%dma_start3A_94 : memref<112xi32, #tpu.memory_space<hbm>>) target(%arg9 : memref<112xi32, #tpu.memory_space<vmem>>) target_semaphore(%run_scoped3A : memref<!tpu.dma_semaphore, #tpu.memory_space<semaphore_mem>>)
        %dma_wait3A_95 = tpu.memref_slice %arg4[%select_n3A_83] : memref<322672xi32, #tpu.memory_space<hbm>> -> memref<112xi32, #tpu.memory_space<hbm>>
        %dma_wait3A_96 = tpu.memref_slice %arg4[%select_n3A_83] : memref<322672xi32, #tpu.memory_space<hbm>> -> memref<112xi32, #tpu.memory_space<hbm>>
        tpu.wait_dma2 semaphore(%run_scoped3A : memref<!tpu.dma_semaphore, #tpu.memory_space<semaphore_mem>>) src(%dma_wait3A_96 : memref<112xi32, #tpu.memory_space<hbm>>) dst(%arg9 : memref<112xi32, #tpu.memory_space<vmem>>)
        tpu.yield
      }) : () -> ()
      %dma_start3A_84 = arith.constant 0 : i32
      %dma_start3A_85 = arith.constant 0 : i32
      %dma_start3A_86 = tpu.memref_slice %arg2[%dma_start3A_84, %dma_start3A_85] : memref<10240x128xf32, #tpu.memory_space<hbm>> -> memref<10240x128xf32, #tpu.memory_space<hbm>>
      tpu.enqueue_indirect_dma source(%dma_start3A_86 : memref<10240x128xf32, #tpu.memory_space<hbm>>) target(%arg11 : memref<112x128xf32, #tpu.memory_space<vmem>>) offsets(%arg7 : memref<112xi32, #tpu.memory_space<vmem>>) semaphore(%arg14 : memref<!tpu.dma_semaphore, #tpu.memory_space<semaphore_mem>>)
      %dma_wait3A_87 = arith.constant 0 : i32
      %dma_wait3A_88 = arith.constant 0 : i32
      %dma_wait3A_89 = tpu.memref_slice %arg2[%dma_wait3A_87, %dma_wait3A_88] : memref<10240x128xf32, #tpu.memory_space<hbm>> -> memref<112x128xf32, #tpu.memory_space<hbm>>
      %dma_wait3A_90 = arith.constant 0 : i32
      %dma_wait3A_91 = arith.constant 0 : i32
      %dma_wait3A_92 = tpu.memref_slice %arg2[%dma_wait3A_90, %dma_wait3A_91] : memref<10240x128xf32, #tpu.memory_space<hbm>> -> memref<112x128xf32, #tpu.memory_space<hbm>>
      tpu.wait_dma2 semaphore(%arg15 : memref<!tpu.dma_semaphore, #tpu.memory_space<semaphore_mem>>) src(%dma_wait3A_92 : memref<112x128xf32, #tpu.memory_space<hbm>>) dst(%arg12 : memref<112x128xf32, #tpu.memory_space<vmem>>)
      "tpu.region"() ({
        %run_scoped3A = tpu.sem_alloc : memref<!tpu.dma_semaphore, #tpu.memory_space<semaphore_mem>>
        %dma_start3A_93 = arith.constant 0 : i32
        %dma_start3A_94 = arith.constant 0 : i32
        %dma_start3A_95 = tpu.memref_slice %arg13[%dma_start3A_93, %dma_start3A_94] : memref<10240x128xf32, #tpu.memory_space<vmem_shared>> -> memref<10240x128xf32, #tpu.memory_space<vmem_shared>>
        tpu.enqueue_indirect_dma source(%arg12 : memref<112x128xf32, #tpu.memory_space<vmem>>) target(%dma_start3A_95 : memref<10240x128xf32, #tpu.memory_space<vmem_shared>>) offsets(%arg10 : memref<112xi32, #tpu.memory_space<vmem>>) semaphore(%run_scoped3A : memref<!tpu.dma_semaphore, #tpu.memory_space<semaphore_mem>>) {add = true}
        %dma_wait3A_96 = arith.constant 0 : i32
        %dma_wait3A_97 = arith.constant 0 : i32
        %dma_wait3A_98 = tpu.memref_slice %arg13[%dma_wait3A_96, %dma_wait3A_97] : memref<10240x128xf32, #tpu.memory_space<vmem_shared>> -> memref<10240x128xf32, #tpu.memory_space<vmem_shared>>
        tpu.wait_indirect_dma semaphore(%run_scoped3A : memref<!tpu.dma_semaphore, #tpu.memory_space<semaphore_mem>>) src(%arg12 : memref<112x128xf32, #tpu.memory_space<vmem>>) dst(%dma_wait3A_98 : memref<10240x128xf32, #tpu.memory_space<vmem_shared>>)
        tpu.yield
      }) : () -> ()
    }
    %dma_wait3A = arith.constant 0 : i32
    %dma_wait3A_26 = arith.constant 0 : i32
    %dma_wait3A_27 = tpu.memref_slice %arg2[%dma_wait3A, %dma_wait3A_26] : memref<10240x128xf32, #tpu.memory_space<hbm>> -> memref<112x128xf32, #tpu.memory_space<hbm>>
    %dma_wait3A_28 = arith.constant 0 : i32
    %dma_wait3A_29 = arith.constant 0 : i32
    %dma_wait3A_30 = tpu.memref_slice %arg2[%dma_wait3A_28, %dma_wait3A_29] : memref<10240x128xf32, #tpu.memory_space<hbm>> -> memref<112x128xf32, #tpu.memory_space<hbm>>
    tpu.wait_dma2 semaphore(%arg14 : memref<!tpu.dma_semaphore, #tpu.memory_space<semaphore_mem>>) src(%dma_wait3A_30 : memref<112x128xf32, #tpu.memory_space<hbm>>) dst(%arg11 : memref<112x128xf32, #tpu.memory_space<vmem>>)
    %barrier3A_31 = arith.constant 0 : index
    tpu.barrier barrier_id(%barrier3A_31)
    %mul3A_32 = arith.constant 640 : i32
    %mul3A_33 = arith.muli %arg1, %mul3A_32 : i32
    %mul3A_34 = arith.constant 640 : i32
    %mul3A_35 = arith.muli %arg1, %mul3A_34 : i32
    "tpu.region"() ({
      %run_scoped3A = tpu.sem_alloc : memref<!tpu.dma_semaphore, #tpu.memory_space<semaphore_mem>>
      %dma_start3A_36 = arith.constant 0 : i32
      %dma_start3A_37 = tpu.memref_slice %arg6[%arg0, %mul3A_35, %dma_start3A_36] : memref<2x10240x128xf32, #tpu.memory_space<hbm>> -> memref<1x640x128xf32, #tpu.memory_space<hbm>>
      %dma_start3A_38 = tpu.memref_squeeze %dma_start3A_37 : memref<1x640x128xf32, #tpu.memory_space<hbm>> -> memref<640x128xf32, #tpu.memory_space<hbm>>
      %dma_start3A_39 = arith.constant 0 : i32
      %dma_start3A_40 = tpu.memref_slice %arg13[%mul3A_33, %dma_start3A_39] : memref<10240x128xf32, #tpu.memory_space<vmem_shared>> -> memref<640x128xf32, #tpu.memory_space<vmem_shared>>
      tpu.enqueue_dma source(%dma_start3A_40 : memref<640x128xf32, #tpu.memory_space<vmem_shared>>) target(%dma_start3A_38 : memref<640x128xf32, #tpu.memory_space<hbm>>) target_semaphore(%run_scoped3A : memref<!tpu.dma_semaphore, #tpu.memory_space<semaphore_mem>>)
      %dma_wait3A_41 = arith.constant 0 : i32
      %dma_wait3A_42 = tpu.memref_slice %arg6[%arg0, %mul3A_35, %dma_wait3A_41] : memref<2x10240x128xf32, #tpu.memory_space<hbm>> -> memref<1x640x128xf32, #tpu.memory_space<hbm>>
      %dma_wait3A_43 = tpu.memref_squeeze %dma_wait3A_42 : memref<1x640x128xf32, #tpu.memory_space<hbm>> -> memref<640x128xf32, #tpu.memory_space<hbm>>
      %dma_wait3A_44 = arith.constant 0 : i32
      %dma_wait3A_45 = tpu.memref_slice %arg13[%mul3A_33, %dma_wait3A_44] : memref<10240x128xf32, #tpu.memory_space<vmem_shared>> -> memref<640x128xf32, #tpu.memory_space<vmem_shared>>
      tpu.wait_dma2 semaphore(%run_scoped3A : memref<!tpu.dma_semaphore, #tpu.memory_space<semaphore_mem>>) src(%dma_wait3A_45 : memref<640x128xf32, #tpu.memory_space<vmem_shared>>) dst(%dma_wait3A_43 : memref<640x128xf32, #tpu.memory_space<hbm>>)
      tpu.yield
    }) : () -> ()
    return
  }
}

#map = affine_map<(d0, d1) -> (0, 0)>
#map1 = affine_map<(d0, d1) -> (0)>
#map2 = affine_map<(d0, d1) -> (0, 0, 0)>
module attributes {stable_mosaic.version = 14 : i64} {
  func.func @agg(%arg0: i32, %arg1: i32, %arg2: memref<10240x128xf32, #tpu.memory_space<hbm>>, %arg3: memref<322672xi32, #tpu.memory_space<hbm>>, %arg4: memref<322672xi32, #tpu.memory_space<hbm>>, %arg5: memref<640x128xf32, #tpu.memory_space<hbm>>, %arg6: memref<2x10240x128xf32, #tpu.memory_space<hbm>>, %arg7: memref<112xi32, #tpu.memory_space<vmem>>, %arg8: memref<112xi32, #tpu.memory_space<vmem>>, %arg9: memref<112xi32, #tpu.memory_space<vmem>>, %arg10: memref<112xi32, #tpu.memory_space<vmem>>, %arg11: memref<112x128xf32, #tpu.memory_space<vmem>>, %arg12: memref<112x128xf32, #tpu.memory_space<vmem>>, %arg13: memref<10240x128xf32, #tpu.memory_space<vmem_shared>>, %arg14: memref<!tpu.dma_semaphore, #tpu.memory_space<semaphore_mem>>, %arg15: memref<!tpu.dma_semaphore, #tpu.memory_space<semaphore_mem>>) attributes {dimension_semantics = [#tpu.dimension_semantics<core_parallel>, #tpu.dimension_semantics<subcore_parallel>], iteration_bounds = array<i64: 2, 16>, scalar_prefetch = 0 : i64, scratch_operands = 9 : i64, tpu.core_type = #tpu.core_type<sc_vector_subcore>, window_params = [{transform_indices = #map}, {transform_indices = #map1}, {transform_indices = #map1}, {transform_indices = #map}, {transform_indices = #map2}]} {
    %mul3A = arith.constant 640 : i32
    %mul3A_0 = arith.muli %arg1, %mul3A : i32
    "tpu.region"() ({
      %run_scoped3A = tpu.sem_alloc : memref<!tpu.dma_semaphore, #tpu.memory_space<semaphore_mem>>
      %dma_start3A_36 = arith.constant 0 : i32
      %dma_start3A_37 = tpu.memref_slice %arg13[%mul3A_0, %dma_start3A_36] : memref<10240x128xf32, #tpu.memory_space<vmem_shared>> -> memref<640x128xf32, #tpu.memory_space<vmem_shared>>
      tpu.enqueue_dma source(%arg5 : memref<640x128xf32, #tpu.memory_space<hbm>>) target(%dma_start3A_37 : memref<640x128xf32, #tpu.memory_space<vmem_shared>>) target_semaphore(%run_scoped3A : memref<!tpu.dma_semaphore, #tpu.memory_space<semaphore_mem>>)
      %dma_wait3A_38 = arith.constant 0 : i32
      %dma_wait3A_39 = tpu.memref_slice %arg13[%mul3A_0, %dma_wait3A_38] : memref<10240x128xf32, #tpu.memory_space<vmem_shared>> -> memref<640x128xf32, #tpu.memory_space<vmem_shared>>
      tpu.wait_dma2 semaphore(%run_scoped3A : memref<!tpu.dma_semaphore, #tpu.memory_space<semaphore_mem>>) src(%arg5 : memref<640x128xf32, #tpu.memory_space<hbm>>) dst(%dma_wait3A_39 : memref<640x128xf32, #tpu.memory_space<vmem_shared>>)
      tpu.yield
    }) : () -> ()
    %barrier3A = arith.constant 0 : index
    tpu.barrier barrier_id(%barrier3A)
    %eq3A = arith.constant 0 : i32
    %eq3A_1 = arith.cmpi eq, %arg0, %eq3A : i32
    %mul3A_2 = arith.constant 13440 : i32
    %mul3A_3 = arith.muli %arg1, %mul3A_2 : i32
    %add3A = arith.constant 0 : i32
    %add3A_4 = arith.addi %mul3A_3, %add3A : i32
    %mul3A_5 = arith.constant 6720 : i32
    %mul3A_6 = arith.muli %arg1, %mul3A_5 : i32
    %add3A_7 = arith.constant 215040 : i32
    %add3A_8 = arith.addi %add3A_7, %mul3A_6 : i32
    %add3A_9 = arith.constant 0 : i32
    %add3A_10 = arith.addi %add3A_8, %add3A_9 : i32
    %select_n3A = arith.select %eq3A_1, %add3A_4, %add3A_10 : i32
    "tpu.region"() ({
      %run_scoped3A = tpu.sem_alloc : memref<!tpu.dma_semaphore, #tpu.memory_space<semaphore_mem>>
      %dma_start3A_36 = tpu.memref_slice %arg3[%select_n3A] : memref<322672xi32, #tpu.memory_space<hbm>> -> memref<112xi32, #tpu.memory_space<hbm>>
      %dma_start3A_37 = tpu.memref_slice %arg3[%select_n3A] : memref<322672xi32, #tpu.memory_space<hbm>> -> memref<112xi32, #tpu.memory_space<hbm>>
      tpu.enqueue_dma source(%dma_start3A_37 : memref<112xi32, #tpu.memory_space<hbm>>) target(%arg7 : memref<112xi32, #tpu.memory_space<vmem>>) target_semaphore(%run_scoped3A : memref<!tpu.dma_semaphore, #tpu.memory_space<semaphore_mem>>)
      %dma_wait3A_38 = tpu.memref_slice %arg3[%select_n3A] : memref<322672xi32, #tpu.memory_space<hbm>> -> memref<112xi32, #tpu.memory_space<hbm>>
      %dma_wait3A_39 = tpu.memref_slice %arg3[%select_n3A] : memref<322672xi32, #tpu.memory_space<hbm>> -> memref<112xi32, #tpu.memory_space<hbm>>
      tpu.wait_dma2 semaphore(%run_scoped3A : memref<!tpu.dma_semaphore, #tpu.memory_space<semaphore_mem>>) src(%dma_wait3A_39 : memref<112xi32, #tpu.memory_space<hbm>>) dst(%arg7 : memref<112xi32, #tpu.memory_space<vmem>>)
      tpu.yield
    }) : () -> ()
    "tpu.region"() ({
      %run_scoped3A = tpu.sem_alloc : memref<!tpu.dma_semaphore, #tpu.memory_space<semaphore_mem>>
      %dma_start3A_36 = tpu.memref_slice %arg4[%select_n3A] : memref<322672xi32, #tpu.memory_space<hbm>> -> memref<112xi32, #tpu.memory_space<hbm>>
      %dma_start3A_37 = tpu.memref_slice %arg4[%select_n3A] : memref<322672xi32, #tpu.memory_space<hbm>> -> memref<112xi32, #tpu.memory_space<hbm>>
      tpu.enqueue_dma source(%dma_start3A_37 : memref<112xi32, #tpu.memory_space<hbm>>) target(%arg9 : memref<112xi32, #tpu.memory_space<vmem>>) target_semaphore(%run_scoped3A : memref<!tpu.dma_semaphore, #tpu.memory_space<semaphore_mem>>)
      %dma_wait3A_38 = tpu.memref_slice %arg4[%select_n3A] : memref<322672xi32, #tpu.memory_space<hbm>> -> memref<112xi32, #tpu.memory_space<hbm>>
      %dma_wait3A_39 = tpu.memref_slice %arg4[%select_n3A] : memref<322672xi32, #tpu.memory_space<hbm>> -> memref<112xi32, #tpu.memory_space<hbm>>
      tpu.wait_dma2 semaphore(%run_scoped3A : memref<!tpu.dma_semaphore, #tpu.memory_space<semaphore_mem>>) src(%dma_wait3A_39 : memref<112xi32, #tpu.memory_space<hbm>>) dst(%arg9 : memref<112xi32, #tpu.memory_space<vmem>>)
      tpu.yield
    }) : () -> ()
    %dma_start3A = arith.constant 0 : i32
    %dma_start3A_11 = arith.constant 0 : i32
    %dma_start3A_12 = tpu.memref_slice %arg2[%dma_start3A, %dma_start3A_11] : memref<10240x128xf32, #tpu.memory_space<hbm>> -> memref<10240x128xf32, #tpu.memory_space<hbm>>
    tpu.enqueue_indirect_dma source(%dma_start3A_12 : memref<10240x128xf32, #tpu.memory_space<hbm>>) target(%arg11 : memref<112x128xf32, #tpu.memory_space<vmem>>) offsets(%arg7 : memref<112xi32, #tpu.memory_space<vmem>>) semaphore(%arg14 : memref<!tpu.dma_semaphore, #tpu.memory_space<semaphore_mem>>)
    %eq3A_13 = arith.constant 0 : i32
    %eq3A_14 = arith.cmpi eq, %arg0, %eq3A_13 : i32
    %jit3A = arith.constant 60 : i32
    %jit3A_15 = arith.constant 30 : i32
    %select_n3A_16 = arith.select %eq3A_14, %jit3A, %jit3A_15 : i32
    %while3A = arith.constant 0 : i32
    %while3A_17 = arith.constant 0 : i32
    %while3A_18 = arith.subi %select_n3A_16, %while3A_17 : i32
    %while3A_19 = arith.addi %while3A_17, %while3A_18 : i32
    %while3A_20 = arith.constant 1 : i32
    %while3A_21 = arith.divsi %while3A_18, %while3A_20 : i32
    %while3A_22 = arith.muli %while3A_21, %while3A_20 : i32
    %while3A_23 = arith.addi %while3A_17, %while3A_22 : i32
    %while3A_24 = arith.constant 1 : i32
    scf.for %while3A_36 = %while3A_17 to %while3A_23 step %while3A_24  : i32 {
      %mul3A_37 = arith.constant 2 : i32
      %mul3A_38 = arith.muli %mul3A_37, %while3A_36 : i32
      %add3A_39 = arith.constant 1 : i32
      %add3A_40 = arith.addi %mul3A_38, %add3A_39 : i32
      %eq3A_41 = arith.constant 0 : i32
      %eq3A_42 = arith.cmpi eq, %arg0, %eq3A_41 : i32
      %mul3A_43 = arith.constant 13440 : i32
      %mul3A_44 = arith.muli %arg1, %mul3A_43 : i32
      %mul3A_45 = arith.constant 112 : i32
      %mul3A_46 = arith.muli %add3A_40, %mul3A_45 : i32
      %add3A_47 = arith.addi %mul3A_44, %mul3A_46 : i32
      %mul3A_48 = arith.constant 6720 : i32
      %mul3A_49 = arith.muli %arg1, %mul3A_48 : i32
      %add3A_50 = arith.constant 215040 : i32
      %add3A_51 = arith.addi %add3A_50, %mul3A_49 : i32
      %mul3A_52 = arith.constant 112 : i32
      %mul3A_53 = arith.muli %add3A_40, %mul3A_52 : i32
      %add3A_54 = arith.addi %add3A_51, %mul3A_53 : i32
      %select_n3A_55 = arith.select %eq3A_42, %add3A_47, %add3A_54 : i32
      "tpu.region"() ({
        %run_scoped3A = tpu.sem_alloc : memref<!tpu.dma_semaphore, #tpu.memory_space<semaphore_mem>>
        %dma_start3A_93 = tpu.memref_slice %arg3[%select_n3A_55] : memref<322672xi32, #tpu.memory_space<hbm>> -> memref<112xi32, #tpu.memory_space<hbm>>
        %dma_start3A_94 = tpu.memref_slice %arg3[%select_n3A_55] : memref<322672xi32, #tpu.memory_space<hbm>> -> memref<112xi32, #tpu.memory_space<hbm>>
        tpu.enqueue_dma source(%dma_start3A_94 : memref<112xi32, #tpu.memory_space<hbm>>) target(%arg8 : memref<112xi32, #tpu.memory_space<vmem>>) target_semaphore(%run_scoped3A : memref<!tpu.dma_semaphore, #tpu.memory_space<semaphore_mem>>)
        %dma_wait3A_95 = tpu.memref_slice %arg3[%select_n3A_55] : memref<322672xi32, #tpu.memory_space<hbm>> -> memref<112xi32, #tpu.memory_space<hbm>>
        %dma_wait3A_96 = tpu.memref_slice %arg3[%select_n3A_55] : memref<322672xi32, #tpu.memory_space<hbm>> -> memref<112xi32, #tpu.memory_space<hbm>>
        tpu.wait_dma2 semaphore(%run_scoped3A : memref<!tpu.dma_semaphore, #tpu.memory_space<semaphore_mem>>) src(%dma_wait3A_96 : memref<112xi32, #tpu.memory_space<hbm>>) dst(%arg8 : memref<112xi32, #tpu.memory_space<vmem>>)
        tpu.yield
      }) : () -> ()
      "tpu.region"() ({
        %run_scoped3A = tpu.sem_alloc : memref<!tpu.dma_semaphore, #tpu.memory_space<semaphore_mem>>
        %dma_start3A_93 = tpu.memref_slice %arg4[%select_n3A_55] : memref<322672xi32, #tpu.memory_space<hbm>> -> memref<112xi32, #tpu.memory_space<hbm>>
        %dma_start3A_94 = tpu.memref_slice %arg4[%select_n3A_55] : memref<322672xi32, #tpu.memory_space<hbm>> -> memref<112xi32, #tpu.memory_space<hbm>>
        tpu.enqueue_dma source(%dma_start3A_94 : memref<112xi32, #tpu.memory_space<hbm>>) target(%arg10 : memref<112xi32, #tpu.memory_space<vmem>>) target_semaphore(%run_scoped3A : memref<!tpu.dma_semaphore, #tpu.memory_space<semaphore_mem>>)
        %dma_wait3A_95 = tpu.memref_slice %arg4[%select_n3A_55] : memref<322672xi32, #tpu.memory_space<hbm>> -> memref<112xi32, #tpu.memory_space<hbm>>
        %dma_wait3A_96 = tpu.memref_slice %arg4[%select_n3A_55] : memref<322672xi32, #tpu.memory_space<hbm>> -> memref<112xi32, #tpu.memory_space<hbm>>
        tpu.wait_dma2 semaphore(%run_scoped3A : memref<!tpu.dma_semaphore, #tpu.memory_space<semaphore_mem>>) src(%dma_wait3A_96 : memref<112xi32, #tpu.memory_space<hbm>>) dst(%arg10 : memref<112xi32, #tpu.memory_space<vmem>>)
        tpu.yield
      }) : () -> ()
      %dma_start3A_56 = arith.constant 0 : i32
      %dma_start3A_57 = arith.constant 0 : i32
      %dma_start3A_58 = tpu.memref_slice %arg2[%dma_start3A_56, %dma_start3A_57] : memref<10240x128xf32, #tpu.memory_space<hbm>> -> memref<10240x128xf32, #tpu.memory_space<hbm>>
      tpu.enqueue_indirect_dma source(%dma_start3A_58 : memref<10240x128xf32, #tpu.memory_space<hbm>>) target(%arg12 : memref<112x128xf32, #tpu.memory_space<vmem>>) offsets(%arg8 : memref<112xi32, #tpu.memory_space<vmem>>) semaphore(%arg15 : memref<!tpu.dma_semaphore, #tpu.memory_space<semaphore_mem>>)
      %dma_wait3A_59 = arith.constant 0 : i32
      %dma_wait3A_60 = arith.constant 0 : i32
      %dma_wait3A_61 = tpu.memref_slice %arg2[%dma_wait3A_59, %dma_wait3A_60] : memref<10240x128xf32, #tpu.memory_space<hbm>> -> memref<112x128xf32, #tpu.memory_space<hbm>>
      %dma_wait3A_62 = arith.constant 0 : i32
      %dma_wait3A_63 = arith.constant 0 : i32
      %dma_wait3A_64 = tpu.memref_slice %arg2[%dma_wait3A_62, %dma_wait3A_63] : memref<10240x128xf32, #tpu.memory_space<hbm>> -> memref<112x128xf32, #tpu.memory_space<hbm>>
      tpu.wait_dma2 semaphore(%arg14 : memref<!tpu.dma_semaphore, #tpu.memory_space<semaphore_mem>>) src(%dma_wait3A_64 : memref<112x128xf32, #tpu.memory_space<hbm>>) dst(%arg11 : memref<112x128xf32, #tpu.memory_space<vmem>>)
      "tpu.region"() ({
        %run_scoped3A = tpu.sem_alloc : memref<!tpu.dma_semaphore, #tpu.memory_space<semaphore_mem>>
        %dma_start3A_93 = arith.constant 0 : i32
        %dma_start3A_94 = arith.constant 0 : i32
        %dma_start3A_95 = tpu.memref_slice %arg13[%dma_start3A_93, %dma_start3A_94] : memref<10240x128xf32, #tpu.memory_space<vmem_shared>> -> memref<10240x128xf32, #tpu.memory_space<vmem_shared>>
        tpu.enqueue_indirect_dma source(%arg11 : memref<112x128xf32, #tpu.memory_space<vmem>>) target(%dma_start3A_95 : memref<10240x128xf32, #tpu.memory_space<vmem_shared>>) offsets(%arg9 : memref<112xi32, #tpu.memory_space<vmem>>) semaphore(%run_scoped3A : memref<!tpu.dma_semaphore, #tpu.memory_space<semaphore_mem>>) {add = true}
        %dma_wait3A_96 = arith.constant 0 : i32
        %dma_wait3A_97 = arith.constant 0 : i32
        %dma_wait3A_98 = tpu.memref_slice %arg13[%dma_wait3A_96, %dma_wait3A_97] : memref<10240x128xf32, #tpu.memory_space<vmem_shared>> -> memref<10240x128xf32, #tpu.memory_space<vmem_shared>>
        tpu.wait_indirect_dma semaphore(%run_scoped3A : memref<!tpu.dma_semaphore, #tpu.memory_space<semaphore_mem>>) src(%arg11 : memref<112x128xf32, #tpu.memory_space<vmem>>) dst(%dma_wait3A_98 : memref<10240x128xf32, #tpu.memory_space<vmem_shared>>)
        tpu.yield
      }) : () -> ()
      %mul3A_65 = arith.constant 2 : i32
      %mul3A_66 = arith.muli %mul3A_65, %while3A_36 : i32
      %add3A_67 = arith.constant 2 : i32
      %add3A_68 = arith.addi %mul3A_66, %add3A_67 : i32
      %eq3A_69 = arith.constant 0 : i32
      %eq3A_70 = arith.cmpi eq, %arg0, %eq3A_69 : i32
      %mul3A_71 = arith.constant 13440 : i32
      %mul3A_72 = arith.muli %arg1, %mul3A_71 : i32
      %mul3A_73 = arith.constant 112 : i32
      %mul3A_74 = arith.muli %add3A_68, %mul3A_73 : i32
      %add3A_75 = arith.addi %mul3A_72, %mul3A_74 : i32
      %mul3A_76 = arith.constant 6720 : i32
      %mul3A_77 = arith.muli %arg1, %mul3A_76 : i32
      %add3A_78 = arith.constant 215040 : i32
      %add3A_79 = arith.addi %add3A_78, %mul3A_77 : i32
      %mul3A_80 = arith.constant 112 : i32
      %mul3A_81 = arith.muli %add3A_68, %mul3A_80 : i32
      %add3A_82 = arith.addi %add3A_79, %mul3A_81 : i32
      %select_n3A_83 = arith.select %eq3A_70, %add3A_75, %add3A_82 : i32
      "tpu.region"() ({
        %run_scoped3A = tpu.sem_alloc : memref<!tpu.dma_semaphore, #tpu.memory_space<semaphore_mem>>
        %dma_start3A_93 = tpu.memref_slice %arg3[%select_n3A_83] : memref<322672xi32, #tpu.memory_space<hbm>> -> memref<112xi32, #tpu.memory_space<hbm>>
        %dma_start3A_94 = tpu.memref_slice %arg3[%select_n3A_83] : memref<322672xi32, #tpu.memory_space<hbm>> -> memref<112xi32, #tpu.memory_space<hbm>>
        tpu.enqueue_dma source(%dma_start3A_94 : memref<112xi32, #tpu.memory_space<hbm>>) target(%arg7 : memref<112xi32, #tpu.memory_space<vmem>>) target_semaphore(%run_scoped3A : memref<!tpu.dma_semaphore, #tpu.memory_space<semaphore_mem>>)
        %dma_wait3A_95 = tpu.memref_slice %arg3[%select_n3A_83] : memref<322672xi32, #tpu.memory_space<hbm>> -> memref<112xi32, #tpu.memory_space<hbm>>
        %dma_wait3A_96 = tpu.memref_slice %arg3[%select_n3A_83] : memref<322672xi32, #tpu.memory_space<hbm>> -> memref<112xi32, #tpu.memory_space<hbm>>
        tpu.wait_dma2 semaphore(%run_scoped3A : memref<!tpu.dma_semaphore, #tpu.memory_space<semaphore_mem>>) src(%dma_wait3A_96 : memref<112xi32, #tpu.memory_space<hbm>>) dst(%arg7 : memref<112xi32, #tpu.memory_space<vmem>>)
        tpu.yield
      }) : () -> ()
      "tpu.region"() ({
        %run_scoped3A = tpu.sem_alloc : memref<!tpu.dma_semaphore, #tpu.memory_space<semaphore_mem>>
        %dma_start3A_93 = tpu.memref_slice %arg4[%select_n3A_83] : memref<322672xi32, #tpu.memory_space<hbm>> -> memref<112xi32, #tpu.memory_space<hbm>>
        %dma_start3A_94 = tpu.memref_slice %arg4[%select_n3A_83] : memref<322672xi32, #tpu.memory_space<hbm>> -> memref<112xi32, #tpu.memory_space<hbm>>
        tpu.enqueue_dma source(%dma_start3A_94 : memref<112xi32, #tpu.memory_space<hbm>>) target(%arg9 : memref<112xi32, #tpu.memory_space<vmem>>) target_semaphore(%run_scoped3A : memref<!tpu.dma_semaphore, #tpu.memory_space<semaphore_mem>>)
        %dma_wait3A_95 = tpu.memref_slice %arg4[%select_n3A_83] : memref<322672xi32, #tpu.memory_space<hbm>> -> memref<112xi32, #tpu.memory_space<hbm>>
        %dma_wait3A_96 = tpu.memref_slice %arg4[%select_n3A_83] : memref<322672xi32, #tpu.memory_space<hbm>> -> memref<112xi32, #tpu.memory_space<hbm>>
        tpu.wait_dma2 semaphore(%run_scoped3A : memref<!tpu.dma_semaphore, #tpu.memory_space<semaphore_mem>>) src(%dma_wait3A_96 : memref<112xi32, #tpu.memory_space<hbm>>) dst(%arg9 : memref<112xi32, #tpu.memory_space<vmem>>)
        tpu.yield
      }) : () -> ()
      %dma_start3A_84 = arith.constant 0 : i32
      %dma_start3A_85 = arith.constant 0 : i32
      %dma_start3A_86 = tpu.memref_slice %arg2[%dma_start3A_84, %dma_start3A_85] : memref<10240x128xf32, #tpu.memory_space<hbm>> -> memref<10240x128xf32, #tpu.memory_space<hbm>>
      tpu.enqueue_indirect_dma source(%dma_start3A_86 : memref<10240x128xf32, #tpu.memory_space<hbm>>) target(%arg11 : memref<112x128xf32, #tpu.memory_space<vmem>>) offsets(%arg7 : memref<112xi32, #tpu.memory_space<vmem>>) semaphore(%arg14 : memref<!tpu.dma_semaphore, #tpu.memory_space<semaphore_mem>>)
      %dma_wait3A_87 = arith.constant 0 : i32
      %dma_wait3A_88 = arith.constant 0 : i32
      %dma_wait3A_89 = tpu.memref_slice %arg2[%dma_wait3A_87, %dma_wait3A_88] : memref<10240x128xf32, #tpu.memory_space<hbm>> -> memref<112x128xf32, #tpu.memory_space<hbm>>
      %dma_wait3A_90 = arith.constant 0 : i32
      %dma_wait3A_91 = arith.constant 0 : i32
      %dma_wait3A_92 = tpu.memref_slice %arg2[%dma_wait3A_90, %dma_wait3A_91] : memref<10240x128xf32, #tpu.memory_space<hbm>> -> memref<112x128xf32, #tpu.memory_space<hbm>>
      tpu.wait_dma2 semaphore(%arg15 : memref<!tpu.dma_semaphore, #tpu.memory_space<semaphore_mem>>) src(%dma_wait3A_92 : memref<112x128xf32, #tpu.memory_space<hbm>>) dst(%arg12 : memref<112x128xf32, #tpu.memory_space<vmem>>)
      "tpu.region"() ({
        %run_scoped3A = tpu.sem_alloc : memref<!tpu.dma_semaphore, #tpu.memory_space<semaphore_mem>>
        %dma_start3A_93 = arith.constant 0 : i32
        %dma_start3A_94 = arith.constant 0 : i32
        %dma_start3A_95 = tpu.memref_slice %arg13[%dma_start3A_93, %dma_start3A_94] : memref<10240x128xf32, #tpu.memory_space<vmem_shared>> -> memref<10240x128xf32, #tpu.memory_space<vmem_shared>>
        tpu.enqueue_indirect_dma source(%arg12 : memref<112x128xf32, #tpu.memory_space<vmem>>) target(%dma_start3A_95 : memref<10240x128xf32, #tpu.memory_space<vmem_shared>>) offsets(%arg10 : memref<112xi32, #tpu.memory_space<vmem>>) semaphore(%run_scoped3A : memref<!tpu.dma_semaphore, #tpu.memory_space<semaphore_mem>>) {add = true}
        %dma_wait3A_96 = arith.constant 0 : i32
        %dma_wait3A_97 = arith.constant 0 : i32
        %dma_wait3A_98 = tpu.memref_slice %arg13[%dma_wait3A_96, %dma_wait3A_97] : memref<10240x128xf32, #tpu.memory_space<vmem_shared>> -> memref<10240x128xf32, #tpu.memory_space<vmem_shared>>
        tpu.wait_indirect_dma semaphore(%run_scoped3A : memref<!tpu.dma_semaphore, #tpu.memory_space<semaphore_mem>>) src(%arg12 : memref<112x128xf32, #tpu.memory_space<vmem>>) dst(%dma_wait3A_98 : memref<10240x128xf32, #tpu.memory_space<vmem_shared>>)
        tpu.yield
      }) : () -> ()
    }
    %while3A_25 = arith.constant 1 : i32
    scf.for %while3A_36 = %while3A_23 to %while3A_19 step %while3A_25  : i32 {
      %mul3A_37 = arith.constant 2 : i32
      %mul3A_38 = arith.muli %mul3A_37, %while3A_36 : i32
      %add3A_39 = arith.constant 1 : i32
      %add3A_40 = arith.addi %mul3A_38, %add3A_39 : i32
      %eq3A_41 = arith.constant 0 : i32
      %eq3A_42 = arith.cmpi eq, %arg0, %eq3A_41 : i32
      %mul3A_43 = arith.constant 13440 : i32
      %mul3A_44 = arith.muli %arg1, %mul3A_43 : i32
      %mul3A_45 = arith.constant 112 : i32
      %mul3A_46 = arith.muli %add3A_40, %mul3A_45 : i32
      %add3A_47 = arith.addi %mul3A_44, %mul3A_46 : i32
      %mul3A_48 = arith.constant 6720 : i32
      %mul3A_49 = arith.muli %arg1, %mul3A_48 : i32
      %add3A_50 = arith.constant 215040 : i32
      %add3A_51 = arith.addi %add3A_50, %mul3A_49 : i32
      %mul3A_52 = arith.constant 112 : i32
      %mul3A_53 = arith.muli %add3A_40, %mul3A_52 : i32
      %add3A_54 = arith.addi %add3A_51, %mul3A_53 : i32
      %select_n3A_55 = arith.select %eq3A_42, %add3A_47, %add3A_54 : i32
      "tpu.region"() ({
        %run_scoped3A = tpu.sem_alloc : memref<!tpu.dma_semaphore, #tpu.memory_space<semaphore_mem>>
        %dma_start3A_93 = tpu.memref_slice %arg3[%select_n3A_55] : memref<322672xi32, #tpu.memory_space<hbm>> -> memref<112xi32, #tpu.memory_space<hbm>>
        %dma_start3A_94 = tpu.memref_slice %arg3[%select_n3A_55] : memref<322672xi32, #tpu.memory_space<hbm>> -> memref<112xi32, #tpu.memory_space<hbm>>
        tpu.enqueue_dma source(%dma_start3A_94 : memref<112xi32, #tpu.memory_space<hbm>>) target(%arg8 : memref<112xi32, #tpu.memory_space<vmem>>) target_semaphore(%run_scoped3A : memref<!tpu.dma_semaphore, #tpu.memory_space<semaphore_mem>>)
        %dma_wait3A_95 = tpu.memref_slice %arg3[%select_n3A_55] : memref<322672xi32, #tpu.memory_space<hbm>> -> memref<112xi32, #tpu.memory_space<hbm>>
        %dma_wait3A_96 = tpu.memref_slice %arg3[%select_n3A_55] : memref<322672xi32, #tpu.memory_space<hbm>> -> memref<112xi32, #tpu.memory_space<hbm>>
        tpu.wait_dma2 semaphore(%run_scoped3A : memref<!tpu.dma_semaphore, #tpu.memory_space<semaphore_mem>>) src(%dma_wait3A_96 : memref<112xi32, #tpu.memory_space<hbm>>) dst(%arg8 : memref<112xi32, #tpu.memory_space<vmem>>)
        tpu.yield
      }) : () -> ()
      "tpu.region"() ({
        %run_scoped3A = tpu.sem_alloc : memref<!tpu.dma_semaphore, #tpu.memory_space<semaphore_mem>>
        %dma_start3A_93 = tpu.memref_slice %arg4[%select_n3A_55] : memref<322672xi32, #tpu.memory_space<hbm>> -> memref<112xi32, #tpu.memory_space<hbm>>
        %dma_start3A_94 = tpu.memref_slice %arg4[%select_n3A_55] : memref<322672xi32, #tpu.memory_space<hbm>> -> memref<112xi32, #tpu.memory_space<hbm>>
        tpu.enqueue_dma source(%dma_start3A_94 : memref<112xi32, #tpu.memory_space<hbm>>) target(%arg10 : memref<112xi32, #tpu.memory_space<vmem>>) target_semaphore(%run_scoped3A : memref<!tpu.dma_semaphore, #tpu.memory_space<semaphore_mem>>)
        %dma_wait3A_95 = tpu.memref_slice %arg4[%select_n3A_55] : memref<322672xi32, #tpu.memory_space<hbm>> -> memref<112xi32, #tpu.memory_space<hbm>>
        %dma_wait3A_96 = tpu.memref_slice %arg4[%select_n3A_55] : memref<322672xi32, #tpu.memory_space<hbm>> -> memref<112xi32, #tpu.memory_space<hbm>>
        tpu.wait_dma2 semaphore(%run_scoped3A : memref<!tpu.dma_semaphore, #tpu.memory_space<semaphore_mem>>) src(%dma_wait3A_96 : memref<112xi32, #tpu.memory_space<hbm>>) dst(%arg10 : memref<112xi32, #tpu.memory_space<vmem>>)
        tpu.yield
      }) : () -> ()
      %dma_start3A_56 = arith.constant 0 : i32
      %dma_start3A_57 = arith.constant 0 : i32
      %dma_start3A_58 = tpu.memref_slice %arg2[%dma_start3A_56, %dma_start3A_57] : memref<10240x128xf32, #tpu.memory_space<hbm>> -> memref<10240x128xf32, #tpu.memory_space<hbm>>
      tpu.enqueue_indirect_dma source(%dma_start3A_58 : memref<10240x128xf32, #tpu.memory_space<hbm>>) target(%arg12 : memref<112x128xf32, #tpu.memory_space<vmem>>) offsets(%arg8 : memref<112xi32, #tpu.memory_space<vmem>>) semaphore(%arg15 : memref<!tpu.dma_semaphore, #tpu.memory_space<semaphore_mem>>)
      %dma_wait3A_59 = arith.constant 0 : i32
      %dma_wait3A_60 = arith.constant 0 : i32
      %dma_wait3A_61 = tpu.memref_slice %arg2[%dma_wait3A_59, %dma_wait3A_60] : memref<10240x128xf32, #tpu.memory_space<hbm>> -> memref<112x128xf32, #tpu.memory_space<hbm>>
      %dma_wait3A_62 = arith.constant 0 : i32
      %dma_wait3A_63 = arith.constant 0 : i32
      %dma_wait3A_64 = tpu.memref_slice %arg2[%dma_wait3A_62, %dma_wait3A_63] : memref<10240x128xf32, #tpu.memory_space<hbm>> -> memref<112x128xf32, #tpu.memory_space<hbm>>
      tpu.wait_dma2 semaphore(%arg14 : memref<!tpu.dma_semaphore, #tpu.memory_space<semaphore_mem>>) src(%dma_wait3A_64 : memref<112x128xf32, #tpu.memory_space<hbm>>) dst(%arg11 : memref<112x128xf32, #tpu.memory_space<vmem>>)
      "tpu.region"() ({
        %run_scoped3A = tpu.sem_alloc : memref<!tpu.dma_semaphore, #tpu.memory_space<semaphore_mem>>
        %dma_start3A_93 = arith.constant 0 : i32
        %dma_start3A_94 = arith.constant 0 : i32
        %dma_start3A_95 = tpu.memref_slice %arg13[%dma_start3A_93, %dma_start3A_94] : memref<10240x128xf32, #tpu.memory_space<vmem_shared>> -> memref<10240x128xf32, #tpu.memory_space<vmem_shared>>
        tpu.enqueue_indirect_dma source(%arg11 : memref<112x128xf32, #tpu.memory_space<vmem>>) target(%dma_start3A_95 : memref<10240x128xf32, #tpu.memory_space<vmem_shared>>) offsets(%arg9 : memref<112xi32, #tpu.memory_space<vmem>>) semaphore(%run_scoped3A : memref<!tpu.dma_semaphore, #tpu.memory_space<semaphore_mem>>) {add = true}
        %dma_wait3A_96 = arith.constant 0 : i32
        %dma_wait3A_97 = arith.constant 0 : i32
        %dma_wait3A_98 = tpu.memref_slice %arg13[%dma_wait3A_96, %dma_wait3A_97] : memref<10240x128xf32, #tpu.memory_space<vmem_shared>> -> memref<10240x128xf32, #tpu.memory_space<vmem_shared>>
        tpu.wait_indirect_dma semaphore(%run_scoped3A : memref<!tpu.dma_semaphore, #tpu.memory_space<semaphore_mem>>) src(%arg11 : memref<112x128xf32, #tpu.memory_space<vmem>>) dst(%dma_wait3A_98 : memref<10240x128xf32, #tpu.memory_space<vmem_shared>>)
        tpu.yield
      }) : () -> ()
      %mul3A_65 = arith.constant 2 : i32
      %mul3A_66 = arith.muli %mul3A_65, %while3A_36 : i32
      %add3A_67 = arith.constant 2 : i32
      %add3A_68 = arith.addi %mul3A_66, %add3A_67 : i32
      %eq3A_69 = arith.constant 0 : i32
      %eq3A_70 = arith.cmpi eq, %arg0, %eq3A_69 : i32
      %mul3A_71 = arith.constant 13440 : i32
      %mul3A_72 = arith.muli %arg1, %mul3A_71 : i32
      %mul3A_73 = arith.constant 112 : i32
      %mul3A_74 = arith.muli %add3A_68, %mul3A_73 : i32
      %add3A_75 = arith.addi %mul3A_72, %mul3A_74 : i32
      %mul3A_76 = arith.constant 6720 : i32
      %mul3A_77 = arith.muli %arg1, %mul3A_76 : i32
      %add3A_78 = arith.constant 215040 : i32
      %add3A_79 = arith.addi %add3A_78, %mul3A_77 : i32
      %mul3A_80 = arith.constant 112 : i32
      %mul3A_81 = arith.muli %add3A_68, %mul3A_80 : i32
      %add3A_82 = arith.addi %add3A_79, %mul3A_81 : i32
      %select_n3A_83 = arith.select %eq3A_70, %add3A_75, %add3A_82 : i32
      "tpu.region"() ({
        %run_scoped3A = tpu.sem_alloc : memref<!tpu.dma_semaphore, #tpu.memory_space<semaphore_mem>>
        %dma_start3A_93 = tpu.memref_slice %arg3[%select_n3A_83] : memref<322672xi32, #tpu.memory_space<hbm>> -> memref<112xi32, #tpu.memory_space<hbm>>
        %dma_start3A_94 = tpu.memref_slice %arg3[%select_n3A_83] : memref<322672xi32, #tpu.memory_space<hbm>> -> memref<112xi32, #tpu.memory_space<hbm>>
        tpu.enqueue_dma source(%dma_start3A_94 : memref<112xi32, #tpu.memory_space<hbm>>) target(%arg7 : memref<112xi32, #tpu.memory_space<vmem>>) target_semaphore(%run_scoped3A : memref<!tpu.dma_semaphore, #tpu.memory_space<semaphore_mem>>)
        %dma_wait3A_95 = tpu.memref_slice %arg3[%select_n3A_83] : memref<322672xi32, #tpu.memory_space<hbm>> -> memref<112xi32, #tpu.memory_space<hbm>>
        %dma_wait3A_96 = tpu.memref_slice %arg3[%select_n3A_83] : memref<322672xi32, #tpu.memory_space<hbm>> -> memref<112xi32, #tpu.memory_space<hbm>>
        tpu.wait_dma2 semaphore(%run_scoped3A : memref<!tpu.dma_semaphore, #tpu.memory_space<semaphore_mem>>) src(%dma_wait3A_96 : memref<112xi32, #tpu.memory_space<hbm>>) dst(%arg7 : memref<112xi32, #tpu.memory_space<vmem>>)
        tpu.yield
      }) : () -> ()
      "tpu.region"() ({
        %run_scoped3A = tpu.sem_alloc : memref<!tpu.dma_semaphore, #tpu.memory_space<semaphore_mem>>
        %dma_start3A_93 = tpu.memref_slice %arg4[%select_n3A_83] : memref<322672xi32, #tpu.memory_space<hbm>> -> memref<112xi32, #tpu.memory_space<hbm>>
        %dma_start3A_94 = tpu.memref_slice %arg4[%select_n3A_83] : memref<322672xi32, #tpu.memory_space<hbm>> -> memref<112xi32, #tpu.memory_space<hbm>>
        tpu.enqueue_dma source(%dma_start3A_94 : memref<112xi32, #tpu.memory_space<hbm>>) target(%arg9 : memref<112xi32, #tpu.memory_space<vmem>>) target_semaphore(%run_scoped3A : memref<!tpu.dma_semaphore, #tpu.memory_space<semaphore_mem>>)
        %dma_wait3A_95 = tpu.memref_slice %arg4[%select_n3A_83] : memref<322672xi32, #tpu.memory_space<hbm>> -> memref<112xi32, #tpu.memory_space<hbm>>
        %dma_wait3A_96 = tpu.memref_slice %arg4[%select_n3A_83] : memref<322672xi32, #tpu.memory_space<hbm>> -> memref<112xi32, #tpu.memory_space<hbm>>
        tpu.wait_dma2 semaphore(%run_scoped3A : memref<!tpu.dma_semaphore, #tpu.memory_space<semaphore_mem>>) src(%dma_wait3A_96 : memref<112xi32, #tpu.memory_space<hbm>>) dst(%arg9 : memref<112xi32, #tpu.memory_space<vmem>>)
        tpu.yield
      }) : () -> ()
      %dma_start3A_84 = arith.constant 0 : i32
      %dma_start3A_85 = arith.constant 0 : i32
      %dma_start3A_86 = tpu.memref_slice %arg2[%dma_start3A_84, %dma_start3A_85] : memref<10240x128xf32, #tpu.memory_space<hbm>> -> memref<10240x128xf32, #tpu.memory_space<hbm>>
      tpu.enqueue_indirect_dma source(%dma_start3A_86 : memref<10240x128xf32, #tpu.memory_space<hbm>>) target(%arg11 : memref<112x128xf32, #tpu.memory_space<vmem>>) offsets(%arg7 : memref<112xi32, #tpu.memory_space<vmem>>) semaphore(%arg14 : memref<!tpu.dma_semaphore, #tpu.memory_space<semaphore_mem>>)
      %dma_wait3A_87 = arith.constant 0 : i32
      %dma_wait3A_88 = arith.constant 0 : i32
      %dma_wait3A_89 = tpu.memref_slice %arg2[%dma_wait3A_87, %dma_wait3A_88] : memref<10240x128xf32, #tpu.memory_space<hbm>> -> memref<112x128xf32, #tpu.memory_space<hbm>>
      %dma_wait3A_90 = arith.constant 0 : i32
      %dma_wait3A_91 = arith.constant 0 : i32
      %dma_wait3A_92 = tpu.memref_slice %arg2[%dma_wait3A_90, %dma_wait3A_91] : memref<10240x128xf32, #tpu.memory_space<hbm>> -> memref<112x128xf32, #tpu.memory_space<hbm>>
      tpu.wait_dma2 semaphore(%arg15 : memref<!tpu.dma_semaphore, #tpu.memory_space<semaphore_mem>>) src(%dma_wait3A_92 : memref<112x128xf32, #tpu.memory_space<hbm>>) dst(%arg12 : memref<112x128xf32, #tpu.memory_space<vmem>>)
      "tpu.region"() ({
        %run_scoped3A = tpu.sem_alloc : memref<!tpu.dma_semaphore, #tpu.memory_space<semaphore_mem>>
        %dma_start3A_93 = arith.constant 0 : i32
        %dma_start3A_94 = arith.constant 0 : i32
        %dma_start3A_95 = tpu.memref_slice %arg13[%dma_start3A_93, %dma_start3A_94] : memref<10240x128xf32, #tpu.memory_space<vmem_shared>> -> memref<10240x128xf32, #tpu.memory_space<vmem_shared>>
        tpu.enqueue_indirect_dma source(%arg12 : memref<112x128xf32, #tpu.memory_space<vmem>>) target(%dma_start3A_95 : memref<10240x128xf32, #tpu.memory_space<vmem_shared>>) offsets(%arg10 : memref<112xi32, #tpu.memory_space<vmem>>) semaphore(%run_scoped3A : memref<!tpu.dma_semaphore, #tpu.memory_space<semaphore_mem>>) {add = true}
        %dma_wait3A_96 = arith.constant 0 : i32
        %dma_wait3A_97 = arith.constant 0 : i32
        %dma_wait3A_98 = tpu.memref_slice %arg13[%dma_wait3A_96, %dma_wait3A_97] : memref<10240x128xf32, #tpu.memory_space<vmem_shared>> -> memref<10240x128xf32, #tpu.memory_space<vmem_shared>>
        tpu.wait_indirect_dma semaphore(%run_scoped3A : memref<!tpu.dma_semaphore, #tpu.memory_space<semaphore_mem>>) src(%arg12 : memref<112x128xf32, #tpu.memory_space<vmem>>) dst(%dma_wait3A_98 : memref<10240x128xf32, #tpu.memory_space<vmem_shared>>)
        tpu.yield
      }) : () -> ()
    }
    %dma_wait3A = arith.constant 0 : i32
    %dma_wait3A_26 = arith.constant 0 : i32
    %dma_wait3A_27 = tpu.memref_slice %arg2[%dma_wait3A, %dma_wait3A_26] : memref<10240x128xf32, #tpu.memory_space<hbm>> -> memref<112x128xf32, #tpu.memory_space<hbm>>
    %dma_wait3A_28 = arith.constant 0 : i32
    %dma_wait3A_29 = arith.constant 0 : i32
    %dma_wait3A_30 = tpu.memref_slice %arg2[%dma_wait3A_28, %dma_wait3A_29] : memref<10240x128xf32, #tpu.memory_space<hbm>> -> memref<112x128xf32, #tpu.memory_space<hbm>>
    tpu.wait_dma2 semaphore(%arg14 : memref<!tpu.dma_semaphore, #tpu.memory_space<semaphore_mem>>) src(%dma_wait3A_30 : memref<112x128xf32, #tpu.memory_space<hbm>>) dst(%arg11 : memref<112x128xf32, #tpu.memory_space<vmem>>)
    %barrier3A_31 = arith.constant 0 : index
    tpu.barrier barrier_id(%barrier3A_31)
    %mul3A_32 = arith.constant 640 : i32
    %mul3A_33 = arith.muli %arg1, %mul3A_32 : i32
    %mul3A_34 = arith.constant 640 : i32
    %mul3A_35 = arith.muli %arg1, %mul3A_34 : i32
    "tpu.region"() ({
      %run_scoped3A = tpu.sem_alloc : memref<!tpu.dma_semaphore, #tpu.memory_space<semaphore_mem>>
      %dma_start3A_36 = arith.constant 0 : i32
      %dma_start3A_37 = tpu.memref_slice %arg6[%arg0, %mul3A_35, %dma_start3A_36] : memref<2x10240x128xf32, #tpu.memory_space<hbm>> -> memref<1x640x128xf32, #tpu.memory_space<hbm>>
      %dma_start3A_38 = tpu.memref_squeeze %dma_start3A_37 : memref<1x640x128xf32, #tpu.memory_space<hbm>> -> memref<640x128xf32, #tpu.memory_space<hbm>>
      %dma_start3A_39 = arith.constant 0 : i32
      %dma_start3A_40 = tpu.memref_slice %arg13[%mul3A_33, %dma_start3A_39] : memref<10240x128xf32, #tpu.memory_space<vmem_shared>> -> memref<640x128xf32, #tpu.memory_space<vmem_shared>>
      tpu.enqueue_dma source(%dma_start3A_40 : memref<640x128xf32, #tpu.memory_space<vmem_shared>>) target(%dma_start3A_38 : memref<640x128xf32, #tpu.memory_space<hbm>>) target_semaphore(%run_scoped3A : memref<!tpu.dma_semaphore, #tpu.memory_space<semaphore_mem>>)
      %dma_wait3A_41 = arith.constant 0 : i32
      %dma_wait3A_42 = tpu.memref_slice %arg6[%arg0, %mul3A_35, %dma_wait3A_41] : memref<2x10240x128xf32, #tpu.memory_space<hbm>> -> memref<1x640x128xf32, #tpu.memory_space<hbm>>
      %dma_wait3A_43 = tpu.memref_squeeze %dma_wait3A_42 : memref<1x640x128xf32, #tpu.memory_space<hbm>> -> memref<640x128xf32, #tpu.memory_space<hbm>>
      %dma_wait3A_44 = arith.constant 0 : i32
      %dma_wait3A_45 = tpu.memref_slice %arg13[%mul3A_33, %dma_wait3A_44] : memref<10240x128xf32, #tpu.memory_space<vmem_shared>> -> memref<640x128xf32, #tpu.memory_space<vmem_shared>>
      tpu.wait_dma2 semaphore(%run_scoped3A : memref<!tpu.dma_semaphore, #tpu.memory_space<semaphore_mem>>) src(%dma_wait3A_45 : memref<640x128xf32, #tpu.memory_space<vmem_shared>>) dst(%dma_wait3A_43 : memref<640x128xf32, #tpu.memory_space<hbm>>)
      tpu.yield
    }) : () -> ()
    return
  }
}

#map = affine_map<(d0, d1) -> (0, 0)>
#map1 = affine_map<(d0, d1) -> (0)>
#map2 = affine_map<(d0, d1) -> (0, 0, 0)>
module attributes {stable_mosaic.version = 14 : i64} {
  func.func @agg(%arg0: i32, %arg1: i32, %arg2: memref<20480x128xf32, #tpu.memory_space<hbm>>, %arg3: memref<645232xi32, #tpu.memory_space<hbm>>, %arg4: memref<322672xi32, #tpu.memory_space<hbm>>, %arg5: memref<640x128xf32, #tpu.memory_space<hbm>>, %arg6: memref<2x10240x128xf32, #tpu.memory_space<hbm>>, %arg7: memref<112xi32, #tpu.memory_space<vmem>>, %arg8: memref<112xi32, #tpu.memory_space<vmem>>, %arg9: memref<112xi32, #tpu.memory_space<vmem>>, %arg10: memref<112xi32, #tpu.memory_space<vmem>>, %arg11: memref<112x128xf32, #tpu.memory_space<vmem>>, %arg12: memref<112x128xf32, #tpu.memory_space<vmem>>, %arg13: memref<10240x128xf32, #tpu.memory_space<vmem_shared>>, %arg14: memref<!tpu.dma_semaphore, #tpu.memory_space<semaphore_mem>>, %arg15: memref<!tpu.dma_semaphore, #tpu.memory_space<semaphore_mem>>) attributes {dimension_semantics = [#tpu.dimension_semantics<core_parallel>, #tpu.dimension_semantics<subcore_parallel>], iteration_bounds = array<i64: 2, 16>, scalar_prefetch = 0 : i64, scratch_operands = 9 : i64, tpu.core_type = #tpu.core_type<sc_vector_subcore>, window_params = [{transform_indices = #map}, {transform_indices = #map1}, {transform_indices = #map1}, {transform_indices = #map}, {transform_indices = #map2}]} {
    %mul3A = arith.constant 640 : i32
    %mul3A_0 = arith.muli %arg1, %mul3A : i32
    "tpu.region"() ({
      %run_scoped3A = tpu.sem_alloc : memref<!tpu.dma_semaphore, #tpu.memory_space<semaphore_mem>>
      %dma_start3A_24 = arith.constant 0 : i32
      %dma_start3A_25 = tpu.memref_slice %arg13[%mul3A_0, %dma_start3A_24] : memref<10240x128xf32, #tpu.memory_space<vmem_shared>> -> memref<640x128xf32, #tpu.memory_space<vmem_shared>>
      tpu.enqueue_dma source(%arg5 : memref<640x128xf32, #tpu.memory_space<hbm>>) target(%dma_start3A_25 : memref<640x128xf32, #tpu.memory_space<vmem_shared>>) target_semaphore(%run_scoped3A : memref<!tpu.dma_semaphore, #tpu.memory_space<semaphore_mem>>)
      %dma_wait3A_26 = arith.constant 0 : i32
      %dma_wait3A_27 = tpu.memref_slice %arg13[%mul3A_0, %dma_wait3A_26] : memref<10240x128xf32, #tpu.memory_space<vmem_shared>> -> memref<640x128xf32, #tpu.memory_space<vmem_shared>>
      tpu.wait_dma2 semaphore(%run_scoped3A : memref<!tpu.dma_semaphore, #tpu.memory_space<semaphore_mem>>) src(%arg5 : memref<640x128xf32, #tpu.memory_space<hbm>>) dst(%dma_wait3A_27 : memref<640x128xf32, #tpu.memory_space<vmem_shared>>)
      tpu.yield
    }) : () -> ()
    %barrier3A = arith.constant 0 : index
    tpu.barrier barrier_id(%barrier3A)
    %mul3A_1 = arith.constant 20160 : i32
    %mul3A_2 = arith.muli %arg1, %mul3A_1 : i32
    %add3A = arith.constant 0 : i32
    %add3A_3 = arith.addi %mul3A_2, %add3A : i32
    %mul3A_4 = arith.constant 322560 : i32
    %mul3A_5 = arith.muli %arg0, %mul3A_4 : i32
    %add3A_6 = arith.addi %mul3A_5, %add3A_3 : i32
    "tpu.region"() ({
      %run_scoped3A = tpu.sem_alloc : memref<!tpu.dma_semaphore, #tpu.memory_space<semaphore_mem>>
      %dma_start3A_24 = tpu.memref_slice %arg3[%add3A_6] : memref<645232xi32, #tpu.memory_space<hbm>> -> memref<112xi32, #tpu.memory_space<hbm>>
      %dma_start3A_25 = tpu.memref_slice %arg3[%add3A_6] : memref<645232xi32, #tpu.memory_space<hbm>> -> memref<112xi32, #tpu.memory_space<hbm>>
      tpu.enqueue_dma source(%dma_start3A_25 : memref<112xi32, #tpu.memory_space<hbm>>) target(%arg7 : memref<112xi32, #tpu.memory_space<vmem>>) target_semaphore(%run_scoped3A : memref<!tpu.dma_semaphore, #tpu.memory_space<semaphore_mem>>)
      %dma_wait3A_26 = tpu.memref_slice %arg3[%add3A_6] : memref<645232xi32, #tpu.memory_space<hbm>> -> memref<112xi32, #tpu.memory_space<hbm>>
      %dma_wait3A_27 = tpu.memref_slice %arg3[%add3A_6] : memref<645232xi32, #tpu.memory_space<hbm>> -> memref<112xi32, #tpu.memory_space<hbm>>
      tpu.wait_dma2 semaphore(%run_scoped3A : memref<!tpu.dma_semaphore, #tpu.memory_space<semaphore_mem>>) src(%dma_wait3A_27 : memref<112xi32, #tpu.memory_space<hbm>>) dst(%arg7 : memref<112xi32, #tpu.memory_space<vmem>>)
      tpu.yield
    }) : () -> ()
    "tpu.region"() ({
      %run_scoped3A = tpu.sem_alloc : memref<!tpu.dma_semaphore, #tpu.memory_space<semaphore_mem>>
      %dma_start3A_24 = tpu.memref_slice %arg4[%add3A_3] : memref<322672xi32, #tpu.memory_space<hbm>> -> memref<112xi32, #tpu.memory_space<hbm>>
      %dma_start3A_25 = tpu.memref_slice %arg4[%add3A_3] : memref<322672xi32, #tpu.memory_space<hbm>> -> memref<112xi32, #tpu.memory_space<hbm>>
      tpu.enqueue_dma source(%dma_start3A_25 : memref<112xi32, #tpu.memory_space<hbm>>) target(%arg9 : memref<112xi32, #tpu.memory_space<vmem>>) target_semaphore(%run_scoped3A : memref<!tpu.dma_semaphore, #tpu.memory_space<semaphore_mem>>)
      %dma_wait3A_26 = tpu.memref_slice %arg4[%add3A_3] : memref<322672xi32, #tpu.memory_space<hbm>> -> memref<112xi32, #tpu.memory_space<hbm>>
      %dma_wait3A_27 = tpu.memref_slice %arg4[%add3A_3] : memref<322672xi32, #tpu.memory_space<hbm>> -> memref<112xi32, #tpu.memory_space<hbm>>
      tpu.wait_dma2 semaphore(%run_scoped3A : memref<!tpu.dma_semaphore, #tpu.memory_space<semaphore_mem>>) src(%dma_wait3A_27 : memref<112xi32, #tpu.memory_space<hbm>>) dst(%arg9 : memref<112xi32, #tpu.memory_space<vmem>>)
      tpu.yield
    }) : () -> ()
    %dma_start3A = arith.constant 0 : i32
    %dma_start3A_7 = arith.constant 0 : i32
    %dma_start3A_8 = tpu.memref_slice %arg2[%dma_start3A, %dma_start3A_7] : memref<20480x128xf32, #tpu.memory_space<hbm>> -> memref<20480x128xf32, #tpu.memory_space<hbm>>
    tpu.enqueue_indirect_dma source(%dma_start3A_8 : memref<20480x128xf32, #tpu.memory_space<hbm>>) target(%arg11 : memref<112x128xf32, #tpu.memory_space<vmem>>) offsets(%arg7 : memref<112xi32, #tpu.memory_space<vmem>>) semaphore(%arg14 : memref<!tpu.dma_semaphore, #tpu.memory_space<semaphore_mem>>)
    %scan3A = arith.constant 0 : i32
    %scan3A_9 = arith.constant 0 : i32
    %scan3A_10 = arith.constant 90 : i32
    %scan3A_11 = arith.addi %scan3A_9, %scan3A_10 : i32
    %scan3A_12 = arith.constant 1 : i32
    scf.for %scan3A_24 = %scan3A_9 to %scan3A_11 step %scan3A_12  : i32 {
      %mul3A_25 = arith.constant 2 : i32
      %mul3A_26 = arith.muli %mul3A_25, %scan3A_24 : i32
      %add3A_27 = arith.constant 1 : i32
      %add3A_28 = arith.addi %mul3A_26, %add3A_27 : i32
      %mul3A_29 = arith.constant 20160 : i32
      %mul3A_30 = arith.muli %arg1, %mul3A_29 : i32
      %mul3A_31 = arith.constant 112 : i32
      %mul3A_32 = arith.muli %add3A_28, %mul3A_31 : i32
      %add3A_33 = arith.addi %mul3A_30, %mul3A_32 : i32
      %mul3A_34 = arith.constant 322560 : i32
      %mul3A_35 = arith.muli %arg0, %mul3A_34 : i32
      %add3A_36 = arith.addi %mul3A_35, %add3A_33 : i32
      "tpu.region"() ({
        %run_scoped3A = tpu.sem_alloc : memref<!tpu.dma_semaphore, #tpu.memory_space<semaphore_mem>>
        %dma_start3A_67 = tpu.memref_slice %arg3[%add3A_36] : memref<645232xi32, #tpu.memory_space<hbm>> -> memref<112xi32, #tpu.memory_space<hbm>>
        %dma_start3A_68 = tpu.memref_slice %arg3[%add3A_36] : memref<645232xi32, #tpu.memory_space<hbm>> -> memref<112xi32, #tpu.memory_space<hbm>>
        tpu.enqueue_dma source(%dma_start3A_68 : memref<112xi32, #tpu.memory_space<hbm>>) target(%arg8 : memref<112xi32, #tpu.memory_space<vmem>>) target_semaphore(%run_scoped3A : memref<!tpu.dma_semaphore, #tpu.memory_space<semaphore_mem>>)
        %dma_wait3A_69 = tpu.memref_slice %arg3[%add3A_36] : memref<645232xi32, #tpu.memory_space<hbm>> -> memref<112xi32, #tpu.memory_space<hbm>>
        %dma_wait3A_70 = tpu.memref_slice %arg3[%add3A_36] : memref<645232xi32, #tpu.memory_space<hbm>> -> memref<112xi32, #tpu.memory_space<hbm>>
        tpu.wait_dma2 semaphore(%run_scoped3A : memref<!tpu.dma_semaphore, #tpu.memory_space<semaphore_mem>>) src(%dma_wait3A_70 : memref<112xi32, #tpu.memory_space<hbm>>) dst(%arg8 : memref<112xi32, #tpu.memory_space<vmem>>)
        tpu.yield
      }) : () -> ()
      "tpu.region"() ({
        %run_scoped3A = tpu.sem_alloc : memref<!tpu.dma_semaphore, #tpu.memory_space<semaphore_mem>>
        %dma_start3A_67 = tpu.memref_slice %arg4[%add3A_33] : memref<322672xi32, #tpu.memory_space<hbm>> -> memref<112xi32, #tpu.memory_space<hbm>>
        %dma_start3A_68 = tpu.memref_slice %arg4[%add3A_33] : memref<322672xi32, #tpu.memory_space<hbm>> -> memref<112xi32, #tpu.memory_space<hbm>>
        tpu.enqueue_dma source(%dma_start3A_68 : memref<112xi32, #tpu.memory_space<hbm>>) target(%arg10 : memref<112xi32, #tpu.memory_space<vmem>>) target_semaphore(%run_scoped3A : memref<!tpu.dma_semaphore, #tpu.memory_space<semaphore_mem>>)
        %dma_wait3A_69 = tpu.memref_slice %arg4[%add3A_33] : memref<322672xi32, #tpu.memory_space<hbm>> -> memref<112xi32, #tpu.memory_space<hbm>>
        %dma_wait3A_70 = tpu.memref_slice %arg4[%add3A_33] : memref<322672xi32, #tpu.memory_space<hbm>> -> memref<112xi32, #tpu.memory_space<hbm>>
        tpu.wait_dma2 semaphore(%run_scoped3A : memref<!tpu.dma_semaphore, #tpu.memory_space<semaphore_mem>>) src(%dma_wait3A_70 : memref<112xi32, #tpu.memory_space<hbm>>) dst(%arg10 : memref<112xi32, #tpu.memory_space<vmem>>)
        tpu.yield
      }) : () -> ()
      %dma_start3A_37 = arith.constant 0 : i32
      %dma_start3A_38 = arith.constant 0 : i32
      %dma_start3A_39 = tpu.memref_slice %arg2[%dma_start3A_37, %dma_start3A_38] : memref<20480x128xf32, #tpu.memory_space<hbm>> -> memref<20480x128xf32, #tpu.memory_space<hbm>>
      tpu.enqueue_indirect_dma source(%dma_start3A_39 : memref<20480x128xf32, #tpu.memory_space<hbm>>) target(%arg12 : memref<112x128xf32, #tpu.memory_space<vmem>>) offsets(%arg8 : memref<112xi32, #tpu.memory_space<vmem>>) semaphore(%arg15 : memref<!tpu.dma_semaphore, #tpu.memory_space<semaphore_mem>>)
      %dma_wait3A_40 = arith.constant 0 : i32
      %dma_wait3A_41 = arith.constant 0 : i32
      %dma_wait3A_42 = tpu.memref_slice %arg2[%dma_wait3A_40, %dma_wait3A_41] : memref<20480x128xf32, #tpu.memory_space<hbm>> -> memref<112x128xf32, #tpu.memory_space<hbm>>
      %dma_wait3A_43 = arith.constant 0 : i32
      %dma_wait3A_44 = arith.constant 0 : i32
      %dma_wait3A_45 = tpu.memref_slice %arg2[%dma_wait3A_43, %dma_wait3A_44] : memref<20480x128xf32, #tpu.memory_space<hbm>> -> memref<112x128xf32, #tpu.memory_space<hbm>>
      tpu.wait_dma2 semaphore(%arg14 : memref<!tpu.dma_semaphore, #tpu.memory_space<semaphore_mem>>) src(%dma_wait3A_45 : memref<112x128xf32, #tpu.memory_space<hbm>>) dst(%arg11 : memref<112x128xf32, #tpu.memory_space<vmem>>)
      "tpu.region"() ({
        %run_scoped3A = tpu.sem_alloc : memref<!tpu.dma_semaphore, #tpu.memory_space<semaphore_mem>>
        %dma_start3A_67 = arith.constant 0 : i32
        %dma_start3A_68 = arith.constant 0 : i32
        %dma_start3A_69 = tpu.memref_slice %arg13[%dma_start3A_67, %dma_start3A_68] : memref<10240x128xf32, #tpu.memory_space<vmem_shared>> -> memref<10240x128xf32, #tpu.memory_space<vmem_shared>>
        tpu.enqueue_indirect_dma source(%arg11 : memref<112x128xf32, #tpu.memory_space<vmem>>) target(%dma_start3A_69 : memref<10240x128xf32, #tpu.memory_space<vmem_shared>>) offsets(%arg9 : memref<112xi32, #tpu.memory_space<vmem>>) semaphore(%run_scoped3A : memref<!tpu.dma_semaphore, #tpu.memory_space<semaphore_mem>>) {add = true}
        %dma_wait3A_70 = arith.constant 0 : i32
        %dma_wait3A_71 = arith.constant 0 : i32
        %dma_wait3A_72 = tpu.memref_slice %arg13[%dma_wait3A_70, %dma_wait3A_71] : memref<10240x128xf32, #tpu.memory_space<vmem_shared>> -> memref<10240x128xf32, #tpu.memory_space<vmem_shared>>
        tpu.wait_indirect_dma semaphore(%run_scoped3A : memref<!tpu.dma_semaphore, #tpu.memory_space<semaphore_mem>>) src(%arg11 : memref<112x128xf32, #tpu.memory_space<vmem>>) dst(%dma_wait3A_72 : memref<10240x128xf32, #tpu.memory_space<vmem_shared>>)
        tpu.yield
      }) : () -> ()
      %mul3A_46 = arith.constant 2 : i32
      %mul3A_47 = arith.muli %mul3A_46, %scan3A_24 : i32
      %add3A_48 = arith.constant 2 : i32
      %add3A_49 = arith.addi %mul3A_47, %add3A_48 : i32
      %mul3A_50 = arith.constant 20160 : i32
      %mul3A_51 = arith.muli %arg1, %mul3A_50 : i32
      %mul3A_52 = arith.constant 112 : i32
      %mul3A_53 = arith.muli %add3A_49, %mul3A_52 : i32
      %add3A_54 = arith.addi %mul3A_51, %mul3A_53 : i32
      %mul3A_55 = arith.constant 322560 : i32
      %mul3A_56 = arith.muli %arg0, %mul3A_55 : i32
      %add3A_57 = arith.addi %mul3A_56, %add3A_54 : i32
      "tpu.region"() ({
        %run_scoped3A = tpu.sem_alloc : memref<!tpu.dma_semaphore, #tpu.memory_space<semaphore_mem>>
        %dma_start3A_67 = tpu.memref_slice %arg3[%add3A_57] : memref<645232xi32, #tpu.memory_space<hbm>> -> memref<112xi32, #tpu.memory_space<hbm>>
        %dma_start3A_68 = tpu.memref_slice %arg3[%add3A_57] : memref<645232xi32, #tpu.memory_space<hbm>> -> memref<112xi32, #tpu.memory_space<hbm>>
        tpu.enqueue_dma source(%dma_start3A_68 : memref<112xi32, #tpu.memory_space<hbm>>) target(%arg7 : memref<112xi32, #tpu.memory_space<vmem>>) target_semaphore(%run_scoped3A : memref<!tpu.dma_semaphore, #tpu.memory_space<semaphore_mem>>)
        %dma_wait3A_69 = tpu.memref_slice %arg3[%add3A_57] : memref<645232xi32, #tpu.memory_space<hbm>> -> memref<112xi32, #tpu.memory_space<hbm>>
        %dma_wait3A_70 = tpu.memref_slice %arg3[%add3A_57] : memref<645232xi32, #tpu.memory_space<hbm>> -> memref<112xi32, #tpu.memory_space<hbm>>
        tpu.wait_dma2 semaphore(%run_scoped3A : memref<!tpu.dma_semaphore, #tpu.memory_space<semaphore_mem>>) src(%dma_wait3A_70 : memref<112xi32, #tpu.memory_space<hbm>>) dst(%arg7 : memref<112xi32, #tpu.memory_space<vmem>>)
        tpu.yield
      }) : () -> ()
      "tpu.region"() ({
        %run_scoped3A = tpu.sem_alloc : memref<!tpu.dma_semaphore, #tpu.memory_space<semaphore_mem>>
        %dma_start3A_67 = tpu.memref_slice %arg4[%add3A_54] : memref<322672xi32, #tpu.memory_space<hbm>> -> memref<112xi32, #tpu.memory_space<hbm>>
        %dma_start3A_68 = tpu.memref_slice %arg4[%add3A_54] : memref<322672xi32, #tpu.memory_space<hbm>> -> memref<112xi32, #tpu.memory_space<hbm>>
        tpu.enqueue_dma source(%dma_start3A_68 : memref<112xi32, #tpu.memory_space<hbm>>) target(%arg9 : memref<112xi32, #tpu.memory_space<vmem>>) target_semaphore(%run_scoped3A : memref<!tpu.dma_semaphore, #tpu.memory_space<semaphore_mem>>)
        %dma_wait3A_69 = tpu.memref_slice %arg4[%add3A_54] : memref<322672xi32, #tpu.memory_space<hbm>> -> memref<112xi32, #tpu.memory_space<hbm>>
        %dma_wait3A_70 = tpu.memref_slice %arg4[%add3A_54] : memref<322672xi32, #tpu.memory_space<hbm>> -> memref<112xi32, #tpu.memory_space<hbm>>
        tpu.wait_dma2 semaphore(%run_scoped3A : memref<!tpu.dma_semaphore, #tpu.memory_space<semaphore_mem>>) src(%dma_wait3A_70 : memref<112xi32, #tpu.memory_space<hbm>>) dst(%arg9 : memref<112xi32, #tpu.memory_space<vmem>>)
        tpu.yield
      }) : () -> ()
      %dma_start3A_58 = arith.constant 0 : i32
      %dma_start3A_59 = arith.constant 0 : i32
      %dma_start3A_60 = tpu.memref_slice %arg2[%dma_start3A_58, %dma_start3A_59] : memref<20480x128xf32, #tpu.memory_space<hbm>> -> memref<20480x128xf32, #tpu.memory_space<hbm>>
      tpu.enqueue_indirect_dma source(%dma_start3A_60 : memref<20480x128xf32, #tpu.memory_space<hbm>>) target(%arg11 : memref<112x128xf32, #tpu.memory_space<vmem>>) offsets(%arg7 : memref<112xi32, #tpu.memory_space<vmem>>) semaphore(%arg14 : memref<!tpu.dma_semaphore, #tpu.memory_space<semaphore_mem>>)
      %dma_wait3A_61 = arith.constant 0 : i32
      %dma_wait3A_62 = arith.constant 0 : i32
      %dma_wait3A_63 = tpu.memref_slice %arg2[%dma_wait3A_61, %dma_wait3A_62] : memref<20480x128xf32, #tpu.memory_space<hbm>> -> memref<112x128xf32, #tpu.memory_space<hbm>>
      %dma_wait3A_64 = arith.constant 0 : i32
      %dma_wait3A_65 = arith.constant 0 : i32
      %dma_wait3A_66 = tpu.memref_slice %arg2[%dma_wait3A_64, %dma_wait3A_65] : memref<20480x128xf32, #tpu.memory_space<hbm>> -> memref<112x128xf32, #tpu.memory_space<hbm>>
      tpu.wait_dma2 semaphore(%arg15 : memref<!tpu.dma_semaphore, #tpu.memory_space<semaphore_mem>>) src(%dma_wait3A_66 : memref<112x128xf32, #tpu.memory_space<hbm>>) dst(%arg12 : memref<112x128xf32, #tpu.memory_space<vmem>>)
      "tpu.region"() ({
        %run_scoped3A = tpu.sem_alloc : memref<!tpu.dma_semaphore, #tpu.memory_space<semaphore_mem>>
        %dma_start3A_67 = arith.constant 0 : i32
        %dma_start3A_68 = arith.constant 0 : i32
        %dma_start3A_69 = tpu.memref_slice %arg13[%dma_start3A_67, %dma_start3A_68] : memref<10240x128xf32, #tpu.memory_space<vmem_shared>> -> memref<10240x128xf32, #tpu.memory_space<vmem_shared>>
        tpu.enqueue_indirect_dma source(%arg12 : memref<112x128xf32, #tpu.memory_space<vmem>>) target(%dma_start3A_69 : memref<10240x128xf32, #tpu.memory_space<vmem_shared>>) offsets(%arg10 : memref<112xi32, #tpu.memory_space<vmem>>) semaphore(%run_scoped3A : memref<!tpu.dma_semaphore, #tpu.memory_space<semaphore_mem>>) {add = true}
        %dma_wait3A_70 = arith.constant 0 : i32
        %dma_wait3A_71 = arith.constant 0 : i32
        %dma_wait3A_72 = tpu.memref_slice %arg13[%dma_wait3A_70, %dma_wait3A_71] : memref<10240x128xf32, #tpu.memory_space<vmem_shared>> -> memref<10240x128xf32, #tpu.memory_space<vmem_shared>>
        tpu.wait_indirect_dma semaphore(%run_scoped3A : memref<!tpu.dma_semaphore, #tpu.memory_space<semaphore_mem>>) src(%arg12 : memref<112x128xf32, #tpu.memory_space<vmem>>) dst(%dma_wait3A_72 : memref<10240x128xf32, #tpu.memory_space<vmem_shared>>)
        tpu.yield
      }) : () -> ()
    }
    %scan3A_13 = arith.constant 90 : i32
    %dma_wait3A = arith.constant 0 : i32
    %dma_wait3A_14 = arith.constant 0 : i32
    %dma_wait3A_15 = tpu.memref_slice %arg2[%dma_wait3A, %dma_wait3A_14] : memref<20480x128xf32, #tpu.memory_space<hbm>> -> memref<112x128xf32, #tpu.memory_space<hbm>>
    %dma_wait3A_16 = arith.constant 0 : i32
    %dma_wait3A_17 = arith.constant 0 : i32
    %dma_wait3A_18 = tpu.memref_slice %arg2[%dma_wait3A_16, %dma_wait3A_17] : memref<20480x128xf32, #tpu.memory_space<hbm>> -> memref<112x128xf32, #tpu.memory_space<hbm>>
    tpu.wait_dma2 semaphore(%arg14 : memref<!tpu.dma_semaphore, #tpu.memory_space<semaphore_mem>>) src(%dma_wait3A_18 : memref<112x128xf32, #tpu.memory_space<hbm>>) dst(%arg11 : memref<112x128xf32, #tpu.memory_space<vmem>>)
    %barrier3A_19 = arith.constant 0 : index
    tpu.barrier barrier_id(%barrier3A_19)
    %mul3A_20 = arith.constant 640 : i32
    %mul3A_21 = arith.muli %arg1, %mul3A_20 : i32
    %mul3A_22 = arith.constant 640 : i32
    %mul3A_23 = arith.muli %arg1, %mul3A_22 : i32
    "tpu.region"() ({
      %run_scoped3A = tpu.sem_alloc : memref<!tpu.dma_semaphore, #tpu.memory_space<semaphore_mem>>
      %dma_start3A_24 = arith.constant 0 : i32
      %dma_start3A_25 = tpu.memref_slice %arg6[%arg0, %mul3A_23, %dma_start3A_24] : memref<2x10240x128xf32, #tpu.memory_space<hbm>> -> memref<1x640x128xf32, #tpu.memory_space<hbm>>
      %dma_start3A_26 = tpu.memref_squeeze %dma_start3A_25 : memref<1x640x128xf32, #tpu.memory_space<hbm>> -> memref<640x128xf32, #tpu.memory_space<hbm>>
      %dma_start3A_27 = arith.constant 0 : i32
      %dma_start3A_28 = tpu.memref_slice %arg13[%mul3A_21, %dma_start3A_27] : memref<10240x128xf32, #tpu.memory_space<vmem_shared>> -> memref<640x128xf32, #tpu.memory_space<vmem_shared>>
      tpu.enqueue_dma source(%dma_start3A_28 : memref<640x128xf32, #tpu.memory_space<vmem_shared>>) target(%dma_start3A_26 : memref<640x128xf32, #tpu.memory_space<hbm>>) target_semaphore(%run_scoped3A : memref<!tpu.dma_semaphore, #tpu.memory_space<semaphore_mem>>)
      %dma_wait3A_29 = arith.constant 0 : i32
      %dma_wait3A_30 = tpu.memref_slice %arg6[%arg0, %mul3A_23, %dma_wait3A_29] : memref<2x10240x128xf32, #tpu.memory_space<hbm>> -> memref<1x640x128xf32, #tpu.memory_space<hbm>>
      %dma_wait3A_31 = tpu.memref_squeeze %dma_wait3A_30 : memref<1x640x128xf32, #tpu.memory_space<hbm>> -> memref<640x128xf32, #tpu.memory_space<hbm>>
      %dma_wait3A_32 = arith.constant 0 : i32
      %dma_wait3A_33 = tpu.memref_slice %arg13[%mul3A_21, %dma_wait3A_32] : memref<10240x128xf32, #tpu.memory_space<vmem_shared>> -> memref<640x128xf32, #tpu.memory_space<vmem_shared>>
      tpu.wait_dma2 semaphore(%run_scoped3A : memref<!tpu.dma_semaphore, #tpu.memory_space<semaphore_mem>>) src(%dma_wait3A_33 : memref<640x128xf32, #tpu.memory_space<vmem_shared>>) dst(%dma_wait3A_31 : memref<640x128xf32, #tpu.memory_space<hbm>>)
      tpu.yield
    }) : () -> ()
    return
  }
}

module attributes {stable_mosaic.version = 14 : i64} {
  func.func @_tc_a_body(%arg0: i32, %arg1: memref<2x512x128xf32, #tpu.memory_space<vmem>>, %arg2: memref<512x128xf32, #tpu.memory_space<vmem>>, %arg3: memref<128x64xf32, #tpu.memory_space<vmem>>, %arg4: memref<512x1xf32, #tpu.memory_space<vmem>>, %arg5: memref<512x128xf32, #tpu.memory_space<vmem>>) attributes {dimension_semantics = [#tpu.dimension_semantics<arbitrary>], iteration_bounds = array<i64: 20>, scalar_prefetch = 0 : i64, scratch_operands = 0 : i64, tpu.core_type = #tpu.core_type<tc>, window_params = [{transform_indices = @transform_0, window_bounds = array<i64: 2, 512, 128>}, {transform_indices = @transform_1, window_bounds = array<i64: 512, 128>}, {pipeline_mode = #tpu.pipeline_mode<synchronous>, transform_indices = @transform_2, window_bounds = array<i64: 128, 64>}, {transform_indices = @transform_3, window_bounds = array<i64: 512, 1>}, {transform_indices = @transform_4, window_bounds = array<i64: 512, 128>}]} {
    %get3A = arith.constant 0 : index
    %get3A_0 = arith.constant 0 : index
    %get3A_1 = arith.constant 0 : index
    %get3A_2 = vector.load %arg1[%get3A, %get3A_0, %get3A_1] : memref<2x512x128xf32, #tpu.memory_space<vmem>>, vector<1x512x1xf32>
    %get3A_3 = vector.shape_cast %get3A_2 : vector<1x512x1xf32> to vector<512xf32>
    %get3A_4 = arith.constant 1 : index
    %get3A_5 = arith.constant 0 : index
    %get3A_6 = arith.constant 0 : index
    %get3A_7 = vector.load %arg1[%get3A_4, %get3A_5, %get3A_6] : memref<2x512x128xf32, #tpu.memory_space<vmem>>, vector<1x512x1xf32>
    %get3A_8 = vector.shape_cast %get3A_7 : vector<1x512x1xf32> to vector<512xf32>
    %add3A = arith.addf %get3A_3, %get3A_8 : vector<512xf32>
    %add3A_9 = arith.constant 1.000000e+00 : f32
    %add3A_10 = vector.broadcast %add3A_9 : f32 to vector<512xf32>
    %add3A_11 = arith.addf %add3A, %add3A_10 : vector<512xf32>
    %rsqrt3A = math.rsqrt %add3A_11 : vector<512xf32>
    %broadcast_in_dim3A = vector.shape_cast %rsqrt3A : vector<512xf32> to vector<512x1xf32>
    %get3A_12 = arith.constant 0 : index
    %get3A_13 = arith.constant 0 : index
    %get3A_14 = vector.load %arg2[%get3A_12, %get3A_13] : memref<512x128xf32, #tpu.memory_space<vmem>>, vector<512x128xf32>
    %get3A_15 = arith.constant 0 : index
    %get3A_16 = arith.constant 0 : index
    %get3A_17 = vector.load %arg3[%get3A_15, %get3A_16] : memref<128x64xf32, #tpu.memory_space<vmem>>, vector<128x64xf32>
    %dot_general3A = arith.constant dense<0.000000e+00> : vector<512x64xf32>
    %dot_general3A_18 = tpu.matmul %get3A_14, %get3A_17, %dot_general3A {dimension_numbers = #tpu.dot_dimension_numbers<[1], [0], [0], [1], [0, 0, 1, 1], [], []>, transpose_lhs_hint = false} : vector<512x128xf32>, vector<128x64xf32>, vector<512x64xf32> -> vector<512x64xf32>
    %slice3A = vector.extract_strided_slice %get3A_14 {offsets = [0, 0], sizes = [512, 1], strides = [1, 1]} : vector<512x128xf32> to vector<512x1xf32>
    %mul3A = arith.constant 2.000000e+00 : f32
    %mul3A_19 = vector.broadcast %mul3A : f32 to vector<512x1xf32>
    %mul3A_20 = arith.mulf %mul3A_19, %slice3A : vector<512x1xf32>
    %sub3A = arith.constant 1.000000e+00 : f32
    %sub3A_21 = vector.broadcast %sub3A : f32 to vector<512x1xf32>
    %sub3A_22 = arith.subf %sub3A_21, %mul3A_20 : vector<512x1xf32>
    %mul3A_23 = arith.mulf %broadcast_in_dim3A, %sub3A_22 : vector<512x1xf32>
    %mul3A_24 = vector.broadcast %broadcast_in_dim3A : vector<512x1xf32> to vector<512x64xf32>
    %mul3A_25 = arith.mulf %dot_general3A_18, %mul3A_24 : vector<512x64xf32>
    %broadcast_in_dim3A_26 = arith.constant 0.000000e+00 : f32
    %broadcast_in_dim3A_27 = vector.broadcast %broadcast_in_dim3A_26 : f32 to vector<512x63xf32>
    %concatenate3A = tpu.concatenate %mul3A_25, %mul3A_23, %broadcast_in_dim3A_27 in 1 : vector<512x64xf32>, vector<512x1xf32>, vector<512x63xf32> -> vector<512x128xf32>
    %swap3A = arith.constant 0 : index
    %swap3A_28 = arith.constant 0 : index
    %swap3A_29 = vector.load %arg4[%swap3A, %swap3A_28] : memref<512x1xf32, #tpu.memory_space<vmem>>, vector<512x1xf32>
    tpu.vector_store %arg4[%swap3A, %swap3A_28], %broadcast_in_dim3A {strides = array<i32>} : memref<512x1xf32, #tpu.memory_space<vmem>>, vector<512x1xf32>,
    %swap3A_30 = arith.constant 0 : index
    %swap3A_31 = arith.constant 0 : index
    %swap3A_32 = vector.load %arg5[%swap3A_30, %swap3A_31] : memref<512x128xf32, #tpu.memory_space<vmem>>, vector<512x128xf32>
    tpu.vector_store %arg5[%swap3A_30, %swap3A_31], %concatenate3A {strides = array<i32>} : memref<512x128xf32, #tpu.memory_space<vmem>>, vector<512x128xf32>,
    return
  }
  func.func @transform_0(%arg0: i32) -> (i32, i32, i32) {
    %c0_i32 = arith.constant 0 : i32
    %c0_i32_0 = arith.constant 0 : i32
    %c0_i32_1 = arith.constant 0 : i32
    return %c0_i32, %arg0, %c0_i32_0 : i32, i32, i32
  }
  func.func @transform_1(%arg0: i32) -> (i32, i32) {
    %c0_i32 = arith.constant 0 : i32
    %c0_i32_0 = arith.constant 0 : i32
    return %arg0, %c0_i32 : i32, i32
  }
  func.func @transform_2(%arg0: i32) -> (i32, i32) {
    %c0_i32 = arith.constant 0 : i32
    %c0_i32_0 = arith.constant 0 : i32
    %c0_i32_1 = arith.constant 0 : i32
    return %c0_i32, %c0_i32_0 : i32, i32
  }
  func.func @transform_3(%arg0: i32) -> (i32, i32) {
    %c0_i32 = arith.constant 0 : i32
    %c0_i32_0 = arith.constant 0 : i32
    return %arg0, %c0_i32 : i32, i32
  }
  func.func @transform_4(%arg0: i32) -> (i32, i32) {
    %c0_i32 = arith.constant 0 : i32
    %c0_i32_0 = arith.constant 0 : i32
    return %arg0, %c0_i32 : i32, i32
  }
}

module attributes {stable_mosaic.version = 14 : i64} {
  func.func @_tc_b_body(%arg0: i32, %arg1: memref<2x512x128xf32, #tpu.memory_space<vmem>>, %arg2: memref<512x128xf32, #tpu.memory_space<vmem>>, %arg3: memref<512x1xf32, #tpu.memory_space<vmem>>, %arg4: memref<128x64xf32, #tpu.memory_space<vmem>>, %arg5: memref<64x64xf32, #tpu.memory_space<vmem>>, %arg6: memref<64xf32, #tpu.memory_space<vmem>>, %arg7: memref<512x128xf32, #tpu.memory_space<vmem>>) attributes {dimension_semantics = [#tpu.dimension_semantics<arbitrary>], iteration_bounds = array<i64: 20>, scalar_prefetch = 0 : i64, scratch_operands = 0 : i64, tpu.core_type = #tpu.core_type<tc>, window_params = [{transform_indices = @transform_0, window_bounds = array<i64: 2, 512, 128>}, {transform_indices = @transform_1, window_bounds = array<i64: 512, 128>}, {transform_indices = @transform_2, window_bounds = array<i64: 512, 1>}, {pipeline_mode = #tpu.pipeline_mode<synchronous>, transform_indices = @transform_3, window_bounds = array<i64: 128, 64>}, {pipeline_mode = #tpu.pipeline_mode<synchronous>, transform_indices = @transform_4, window_bounds = array<i64: 64, 64>}, {pipeline_mode = #tpu.pipeline_mode<synchronous>, transform_indices = @transform_5, window_bounds = array<i64: 64>}, {transform_indices = @transform_6, window_bounds = array<i64: 512, 128>}]} {
    %get3A = arith.constant 0 : index
    %get3A_0 = arith.constant 0 : index
    %get3A_1 = arith.constant 0 : index
    %get3A_2 = vector.load %arg1[%get3A, %get3A_0, %get3A_1] : memref<2x512x128xf32, #tpu.memory_space<vmem>>, vector<1x512x128xf32>
    %get3A_3 = vector.shape_cast %get3A_2 : vector<1x512x128xf32> to vector<512x128xf32>
    %get3A_4 = arith.constant 1 : index
    %get3A_5 = arith.constant 0 : index
    %get3A_6 = arith.constant 0 : index
    %get3A_7 = vector.load %arg1[%get3A_4, %get3A_5, %get3A_6] : memref<2x512x128xf32, #tpu.memory_space<vmem>>, vector<1x512x128xf32>
    %get3A_8 = vector.shape_cast %get3A_7 : vector<1x512x128xf32> to vector<512x128xf32>
    %add3A = arith.addf %get3A_3, %get3A_8 : vector<512x128xf32>
    %get3A_9 = arith.constant 0 : index
    %get3A_10 = arith.constant 0 : index
    %get3A_11 = vector.load %arg2[%get3A_9, %get3A_10] : memref<512x128xf32, #tpu.memory_space<vmem>>, vector<512x128xf32>
    %add3A_12 = arith.addf %add3A, %get3A_11 : vector<512x128xf32>
    %get3A_13 = arith.constant 0 : index
    %get3A_14 = arith.constant 0 : index
    %get3A_15 = vector.load %arg3[%get3A_13, %get3A_14] : memref<512x1xf32, #tpu.memory_space<vmem>>, vector<512x1xf32>
    %slice3A = vector.extract_strided_slice %add3A_12 {offsets = [0, 0], sizes = [512, 64], strides = [1, 1]} : vector<512x128xf32> to vector<512x64xf32>
    %mul3A = vector.broadcast %get3A_15 : vector<512x1xf32> to vector<512x64xf32>
    %mul3A_16 = arith.mulf %mul3A, %slice3A : vector<512x64xf32>
    %get3A_17 = arith.constant 0 : index
    %get3A_18 = vector.load %arg6[%get3A_17] : memref<64xf32, #tpu.memory_space<vmem>>, vector<64xf32>
    %broadcast_in_dim3A = vector.shape_cast %get3A_18 : vector<64xf32> to vector<1x64xf32>
    %add3A_19 = vector.broadcast %broadcast_in_dim3A : vector<1x64xf32> to vector<512x64xf32>
    %add3A_20 = arith.addf %mul3A_16, %add3A_19 : vector<512x64xf32>
    %slice3A_21 = vector.extract_strided_slice %add3A_12 {offsets = [0, 64], sizes = [512, 1], strides = [1, 1]} : vector<512x128xf32> to vector<512x1xf32>
    %mul3A_22 = arith.mulf %get3A_15, %slice3A_21 : vector<512x1xf32>
    %max3A = arith.constant 0.000000e+00 : f32
    %max3A_23 = vector.broadcast %max3A : f32 to vector<512x64xf32>
    %max3A_24 = arith.maximumf %add3A_20, %max3A_23 : vector<512x64xf32>
    %get3A_25 = arith.constant 0 : index
    %get3A_26 = arith.constant 0 : index
    %get3A_27 = vector.load %arg4[%get3A_25, %get3A_26] : memref<128x64xf32, #tpu.memory_space<vmem>>, vector<1x64xf32>
    %mul3A_28 = vector.broadcast %mul3A_22 : vector<512x1xf32> to vector<512x64xf32>
    %mul3A_29 = vector.broadcast %get3A_27 : vector<1x64xf32> to vector<512x64xf32>
    %mul3A_30 = arith.mulf %mul3A_28, %mul3A_29 : vector<512x64xf32>
    %add3A_31 = arith.addf %add3A_20, %mul3A_30 : vector<512x64xf32>
    %max3A_32 = arith.constant 0.000000e+00 : f32
    %max3A_33 = vector.broadcast %max3A_32 : f32 to vector<512x64xf32>
    %max3A_34 = arith.maximumf %add3A_31, %max3A_33 : vector<512x64xf32>
    %get3A_35 = arith.constant 0 : index
    %get3A_36 = arith.constant 0 : index
    %get3A_37 = vector.load %arg5[%get3A_35, %get3A_36] : memref<64x64xf32, #tpu.memory_space<vmem>>, vector<64x64xf32>
    %dot_general3A = arith.constant dense<0.000000e+00> : vector<512x64xf32>
    %dot_general3A_38 = tpu.matmul %max3A_24, %get3A_37, %dot_general3A {dimension_numbers = #tpu.dot_dimension_numbers<[1], [0], [0], [1], [0, 0, 1, 1], [], []>, transpose_lhs_hint = false} : vector<512x64xf32>, vector<64x64xf32>, vector<512x64xf32> -> vector<512x64xf32>
    %slice3A_39 = vector.extract_strided_slice %get3A_37 {offsets = [0, 0], sizes = [64, 32], strides = [1, 1]} : vector<64x64xf32> to vector<64x32xf32>
    %dot_general3A_40 = arith.constant dense<0.000000e+00> : vector<512x32xf32>
    %dot_general3A_41 = tpu.matmul %max3A_34, %slice3A_39, %dot_general3A_40 {dimension_numbers = #tpu.dot_dimension_numbers<[1], [0], [0], [1], [0, 0, 1, 1], [], []>, transpose_lhs_hint = false} : vector<512x64xf32>, vector<64x32xf32>, vector<512x32xf32> -> vector<512x32xf32>
    %broadcast_in_dim3A_42 = arith.constant 0.000000e+00 : f32
    %broadcast_in_dim3A_43 = vector.broadcast %broadcast_in_dim3A_42 : f32 to vector<512x32xf32>
    %concatenate3A = tpu.concatenate %dot_general3A_38, %dot_general3A_41, %broadcast_in_dim3A_43 in 1 : vector<512x64xf32>, vector<512x32xf32>, vector<512x32xf32> -> vector<512x128xf32>
    %mul3A_44 = vector.broadcast %get3A_15 : vector<512x1xf32> to vector<512x128xf32>
    %mul3A_45 = arith.mulf %mul3A_44, %concatenate3A : vector<512x128xf32>
    %swap3A = arith.constant 0 : index
    %swap3A_46 = arith.constant 0 : index
    %swap3A_47 = vector.load %arg7[%swap3A, %swap3A_46] : memref<512x128xf32, #tpu.memory_space<vmem>>, vector<512x128xf32>
    tpu.vector_store %arg7[%swap3A, %swap3A_46], %mul3A_45 {strides = array<i32>} : memref<512x128xf32, #tpu.memory_space<vmem>>, vector<512x128xf32>,
    return
  }
  func.func @transform_0(%arg0: i32) -> (i32, i32, i32) {
    %c0_i32 = arith.constant 0 : i32
    %c0_i32_0 = arith.constant 0 : i32
    %c0_i32_1 = arith.constant 0 : i32
    return %c0_i32, %arg0, %c0_i32_0 : i32, i32, i32
  }
  func.func @transform_1(%arg0: i32) -> (i32, i32) {
    %c0_i32 = arith.constant 0 : i32
    %c0_i32_0 = arith.constant 0 : i32
    return %arg0, %c0_i32 : i32, i32
  }
  func.func @transform_2(%arg0: i32) -> (i32, i32) {
    %c0_i32 = arith.constant 0 : i32
    %c0_i32_0 = arith.constant 0 : i32
    return %arg0, %c0_i32 : i32, i32
  }
  func.func @transform_3(%arg0: i32) -> (i32, i32) {
    %c0_i32 = arith.constant 0 : i32
    %c0_i32_0 = arith.constant 0 : i32
    %c0_i32_1 = arith.constant 0 : i32
    return %c0_i32, %c0_i32_0 : i32, i32
  }
  func.func @transform_4(%arg0: i32) -> (i32, i32) {
    %c0_i32 = arith.constant 0 : i32
    %c0_i32_0 = arith.constant 0 : i32
    %c0_i32_1 = arith.constant 0 : i32
    return %c0_i32, %c0_i32_0 : i32, i32
  }
  func.func @transform_5(%arg0: i32) -> i32 {
    %c0_i32 = arith.constant 0 : i32
    %c0_i32_0 = arith.constant 0 : i32
    return %c0_i32 : i32
  }
  func.func @transform_6(%arg0: i32) -> (i32, i32) {
    %c0_i32 = arith.constant 0 : i32
    %c0_i32_0 = arith.constant 0 : i32
    return %arg0, %c0_i32 : i32, i32
  }
}

module attributes {stable_mosaic.version = 14 : i64} {
  func.func @_tc_c_body(%arg0: i32, %arg1: memref<2x512x128xf32, #tpu.memory_space<vmem>>, %arg2: memref<512x128xf32, #tpu.memory_space<vmem>>, %arg3: memref<512x1xf32, #tpu.memory_space<vmem>>, %arg4: memref<64xf32, #tpu.memory_space<vmem>>, %arg5: memref<512x32xf32, #tpu.memory_space<vmem>>, %arg6: memref<512x32xf32, #tpu.memory_space<vmem>>, %arg7: memref<512x128xf32, #tpu.memory_space<vmem>>) attributes {dimension_semantics = [#tpu.dimension_semantics<arbitrary>], iteration_bounds = array<i64: 20>, scalar_prefetch = 0 : i64, scratch_operands = 0 : i64, tpu.core_type = #tpu.core_type<tc>, window_params = [{transform_indices = @transform_0, window_bounds = array<i64: 2, 512, 128>}, {transform_indices = @transform_1, window_bounds = array<i64: 512, 128>}, {transform_indices = @transform_2, window_bounds = array<i64: 512, 1>}, {pipeline_mode = #tpu.pipeline_mode<synchronous>, transform_indices = @transform_3, window_bounds = array<i64: 64>}, {transform_indices = @transform_4, window_bounds = array<i64: 512, 32>}, {transform_indices = @transform_5, window_bounds = array<i64: 512, 32>}, {transform_indices = @transform_6, window_bounds = array<i64: 512, 128>}]} {
    %get3A = arith.constant 0 : index
    %get3A_0 = arith.constant 0 : index
    %get3A_1 = arith.constant 0 : index
    %get3A_2 = vector.load %arg1[%get3A, %get3A_0, %get3A_1] : memref<2x512x128xf32, #tpu.memory_space<vmem>>, vector<1x512x128xf32>
    %get3A_3 = vector.shape_cast %get3A_2 : vector<1x512x128xf32> to vector<512x128xf32>
    %get3A_4 = arith.constant 1 : index
    %get3A_5 = arith.constant 0 : index
    %get3A_6 = arith.constant 0 : index
    %get3A_7 = vector.load %arg1[%get3A_4, %get3A_5, %get3A_6] : memref<2x512x128xf32, #tpu.memory_space<vmem>>, vector<1x512x128xf32>
    %get3A_8 = vector.shape_cast %get3A_7 : vector<1x512x128xf32> to vector<512x128xf32>
    %add3A = arith.addf %get3A_3, %get3A_8 : vector<512x128xf32>
    %get3A_9 = arith.constant 0 : index
    %get3A_10 = arith.constant 0 : index
    %get3A_11 = vector.load %arg2[%get3A_9, %get3A_10] : memref<512x128xf32, #tpu.memory_space<vmem>>, vector<512x128xf32>
    %add3A_12 = arith.addf %add3A, %get3A_11 : vector<512x128xf32>
    %get3A_13 = arith.constant 0 : index
    %get3A_14 = arith.constant 0 : index
    %get3A_15 = vector.load %arg3[%get3A_13, %get3A_14] : memref<512x1xf32, #tpu.memory_space<vmem>>, vector<512x1xf32>
    %mul3A = vector.broadcast %get3A_15 : vector<512x1xf32> to vector<512x128xf32>
    %mul3A_16 = arith.mulf %mul3A, %add3A_12 : vector<512x128xf32>
    %get3A_17 = arith.constant 0 : index
    %get3A_18 = vector.load %arg4[%get3A_17] : memref<64xf32, #tpu.memory_space<vmem>>, vector<64xf32>
    %slice3A = vector.extract_strided_slice %mul3A_16 {offsets = [0, 0], sizes = [512, 64], strides = [1, 1]} : vector<512x128xf32> to vector<512x64xf32>
    %broadcast_in_dim3A = vector.shape_cast %get3A_18 : vector<64xf32> to vector<1x64xf32>
    %add3A_19 = vector.broadcast %broadcast_in_dim3A : vector<1x64xf32> to vector<512x64xf32>
    %add3A_20 = arith.addf %slice3A, %add3A_19 : vector<512x64xf32>
    %slice3A_21 = vector.extract_strided_slice %add3A_20 {offsets = [0, 0], sizes = [512, 32], strides = [1, 1]} : vector<512x64xf32> to vector<512x32xf32>
    %slice3A_22 = vector.extract_strided_slice %add3A_20 {offsets = [0, 32], sizes = [512, 32], strides = [1, 1]} : vector<512x64xf32> to vector<512x32xf32>
    %slice3A_23 = vector.extract_strided_slice %mul3A_16 {offsets = [0, 64], sizes = [512, 32], strides = [1, 1]} : vector<512x128xf32> to vector<512x32xf32>
    %slice3A_24 = vector.extract_strided_slice %get3A_18 {offsets = [0], sizes = [32], strides = [1]} : vector<64xf32> to vector<32xf32>
    %broadcast_in_dim3A_25 = vector.shape_cast %slice3A_24 : vector<32xf32> to vector<1x32xf32>
    %add3A_26 = vector.broadcast %broadcast_in_dim3A_25 : vector<1x32xf32> to vector<512x32xf32>
    %add3A_27 = arith.addf %slice3A_23, %add3A_26 : vector<512x32xf32>
    %swap3A = arith.constant 0 : index
    %swap3A_28 = arith.constant 0 : index
    %swap3A_29 = vector.load %arg5[%swap3A, %swap3A_28] : memref<512x32xf32, #tpu.memory_space<vmem>>, vector<512x32xf32>
    tpu.vector_store %arg5[%swap3A, %swap3A_28], %slice3A_21 {strides = array<i32>} : memref<512x32xf32, #tpu.memory_space<vmem>>, vector<512x32xf32>,
    %swap3A_30 = arith.constant 0 : index
    %swap3A_31 = arith.constant 0 : index
    %swap3A_32 = vector.load %arg6[%swap3A_30, %swap3A_31] : memref<512x32xf32, #tpu.memory_space<vmem>>, vector<512x32xf32>
    tpu.vector_store %arg6[%swap3A_30, %swap3A_31], %slice3A_22 {strides = array<i32>} : memref<512x32xf32, #tpu.memory_space<vmem>>, vector<512x32xf32>,
    %broadcast_in_dim3A_33 = arith.constant 0.000000e+00 : f32
    %broadcast_in_dim3A_34 = vector.broadcast %broadcast_in_dim3A_33 : f32 to vector<512x32xf32>
    %concatenate3A = tpu.concatenate %slice3A_21, %slice3A_22, %add3A_27, %broadcast_in_dim3A_34 in 1 : vector<512x32xf32>, vector<512x32xf32>, vector<512x32xf32>, vector<512x32xf32> -> vector<512x128xf32>
    %mul3A_35 = vector.broadcast %get3A_15 : vector<512x1xf32> to vector<512x128xf32>
    %mul3A_36 = arith.mulf %mul3A_35, %concatenate3A : vector<512x128xf32>
    %swap3A_37 = arith.constant 0 : index
    %swap3A_38 = arith.constant 0 : index
    %swap3A_39 = vector.load %arg7[%swap3A_37, %swap3A_38] : memref<512x128xf32, #tpu.memory_space<vmem>>, vector<512x128xf32>
    tpu.vector_store %arg7[%swap3A_37, %swap3A_38], %mul3A_36 {strides = array<i32>} : memref<512x128xf32, #tpu.memory_space<vmem>>, vector<512x128xf32>,
    return
  }
  func.func @transform_0(%arg0: i32) -> (i32, i32, i32) {
    %c0_i32 = arith.constant 0 : i32
    %c0_i32_0 = arith.constant 0 : i32
    %c0_i32_1 = arith.constant 0 : i32
    return %c0_i32, %arg0, %c0_i32_0 : i32, i32, i32
  }
  func.func @transform_1(%arg0: i32) -> (i32, i32) {
    %c0_i32 = arith.constant 0 : i32
    %c0_i32_0 = arith.constant 0 : i32
    return %arg0, %c0_i32 : i32, i32
  }
  func.func @transform_2(%arg0: i32) -> (i32, i32) {
    %c0_i32 = arith.constant 0 : i32
    %c0_i32_0 = arith.constant 0 : i32
    return %arg0, %c0_i32 : i32, i32
  }
  func.func @transform_3(%arg0: i32) -> i32 {
    %c0_i32 = arith.constant 0 : i32
    %c0_i32_0 = arith.constant 0 : i32
    return %c0_i32 : i32
  }
  func.func @transform_4(%arg0: i32) -> (i32, i32) {
    %c0_i32 = arith.constant 0 : i32
    %c0_i32_0 = arith.constant 0 : i32
    return %arg0, %c0_i32 : i32, i32
  }
  func.func @transform_5(%arg0: i32) -> (i32, i32) {
    %c0_i32 = arith.constant 0 : i32
    %c0_i32_0 = arith.constant 0 : i32
    return %arg0, %c0_i32 : i32, i32
  }
  func.func @transform_6(%arg0: i32) -> (i32, i32) {
    %c0_i32 = arith.constant 0 : i32
    %c0_i32_0 = arith.constant 0 : i32
    return %arg0, %c0_i32 : i32, i32
  }
}

module attributes {stable_mosaic.version = 14 : i64} {
  func.func @_tc_d_body(%arg0: i32, %arg1: memref<2x512x128xf32, #tpu.memory_space<vmem>>, %arg2: memref<512x128xf32, #tpu.memory_space<vmem>>, %arg3: memref<512x1xf32, #tpu.memory_space<vmem>>, %arg4: memref<32x64xf32, #tpu.memory_space<vmem>>, %arg5: memref<32x64xf32, #tpu.memory_space<vmem>>, %arg6: memref<32x64xf32, #tpu.memory_space<vmem>>, %arg7: memref<64xf32, #tpu.memory_space<vmem>>, %arg8: memref<64xf32, #tpu.memory_space<vmem>>, %arg9: memref<64xf32, #tpu.memory_space<vmem>>, %arg10: memref<512x64xf32, #tpu.memory_space<vmem>>, %arg11: memref<2x512x128xf32, #tpu.memory_space<vmem>>) attributes {dimension_semantics = [#tpu.dimension_semantics<arbitrary>], iteration_bounds = array<i64: 20>, scalar_prefetch = 0 : i64, scratch_operands = 0 : i64, tpu.core_type = #tpu.core_type<tc>, window_params = [{transform_indices = @transform_0, window_bounds = array<i64: 2, 512, 128>}, {transform_indices = @transform_1, window_bounds = array<i64: 512, 128>}, {transform_indices = @transform_2, window_bounds = array<i64: 512, 1>}, {pipeline_mode = #tpu.pipeline_mode<synchronous>, transform_indices = @transform_3, window_bounds = array<i64: 32, 64>}, {pipeline_mode = #tpu.pipeline_mode<synchronous>, transform_indices = @transform_4, window_bounds = array<i64: 32, 64>}, {pipeline_mode = #tpu.pipeline_mode<synchronous>, transform_indices = @transform_5, window_bounds = array<i64: 32, 64>}, {pipeline_mode = #tpu.pipeline_mode<synchronous>, transform_indices = @transform_6, window_bounds = array<i64: 64>}, {pipeline_mode = #tpu.pipeline_mode<synchronous>, transform_indices = @transform_7, window_bounds = array<i64: 64>}, {pipeline_mode = #tpu.pipeline_mode<synchronous>, transform_indices = @transform_8, window_bounds = array<i64: 64>}, {transform_indices = @transform_9, window_bounds = array<i64: 512, 64>}, {transform_indices = @transform_10, window_bounds = array<i64: 2, 512, 128>}]} {
    %get3A = arith.constant 0 : index
    %get3A_0 = arith.constant 0 : index
    %get3A_1 = vector.load %arg3[%get3A, %get3A_0] : memref<512x1xf32, #tpu.memory_space<vmem>>, vector<512x1xf32>
    %get3A_2 = arith.constant 0 : index
    %get3A_3 = arith.constant 0 : index
    %get3A_4 = arith.constant 0 : index
    %get3A_5 = vector.load %arg1[%get3A_2, %get3A_3, %get3A_4] : memref<2x512x128xf32, #tpu.memory_space<vmem>>, vector<1x512x128xf32>
    %get3A_6 = vector.shape_cast %get3A_5 : vector<1x512x128xf32> to vector<512x128xf32>
    %get3A_7 = arith.constant 1 : index
    %get3A_8 = arith.constant 0 : index
    %get3A_9 = arith.constant 0 : index
    %get3A_10 = vector.load %arg1[%get3A_7, %get3A_8, %get3A_9] : memref<2x512x128xf32, #tpu.memory_space<vmem>>, vector<1x512x128xf32>
    %get3A_11 = vector.shape_cast %get3A_10 : vector<1x512x128xf32> to vector<512x128xf32>
    %add3A = arith.addf %get3A_6, %get3A_11 : vector<512x128xf32>
    %get3A_12 = arith.constant 0 : index
    %get3A_13 = arith.constant 0 : index
    %get3A_14 = vector.load %arg2[%get3A_12, %get3A_13] : memref<512x128xf32, #tpu.memory_space<vmem>>, vector<512x128xf32>
    %add3A_15 = arith.addf %add3A, %get3A_14 : vector<512x128xf32>
    %mul3A = vector.broadcast %get3A_1 : vector<512x1xf32> to vector<512x128xf32>
    %mul3A_16 = arith.mulf %mul3A, %add3A_15 : vector<512x128xf32>
    %slice3A = vector.extract_strided_slice %mul3A_16 {offsets = [0, 0], sizes = [512, 32], strides = [1, 1]} : vector<512x128xf32> to vector<512x32xf32>
    %slice3A_17 = vector.extract_strided_slice %mul3A_16 {offsets = [0, 32], sizes = [512, 32], strides = [1, 1]} : vector<512x128xf32> to vector<512x32xf32>
    %slice3A_18 = vector.extract_strided_slice %mul3A_16 {offsets = [0, 64], sizes = [512, 32], strides = [1, 1]} : vector<512x128xf32> to vector<512x32xf32>
    %get3A_19 = arith.constant 0 : index
    %get3A_20 = arith.constant 0 : index
    %get3A_21 = vector.load %arg4[%get3A_19, %get3A_20] : memref<32x64xf32, #tpu.memory_space<vmem>>, vector<32x64xf32>
    %get3A_22 = arith.constant 0 : index
    %get3A_23 = vector.load %arg7[%get3A_22] : memref<64xf32, #tpu.memory_space<vmem>>, vector<64xf32>
    %broadcast_in_dim3A = vector.shape_cast %get3A_23 : vector<64xf32> to vector<1x64xf32>
    %dot_general3A = arith.constant dense<0.000000e+00> : vector<512x64xf32>
    %dot_general3A_24 = tpu.matmul %slice3A, %get3A_21, %dot_general3A {dimension_numbers = #tpu.dot_dimension_numbers<[1], [0], [0], [1], [0, 0, 1, 1], [], []>, transpose_lhs_hint = false} : vector<512x32xf32>, vector<32x64xf32>, vector<512x64xf32> -> vector<512x64xf32>
    %add3A_25 = vector.broadcast %broadcast_in_dim3A : vector<1x64xf32> to vector<512x64xf32>
    %add3A_26 = arith.addf %dot_general3A_24, %add3A_25 : vector<512x64xf32>
    %max3A = arith.constant 0.000000e+00 : f32
    %max3A_27 = vector.broadcast %max3A : f32 to vector<512x64xf32>
    %max3A_28 = arith.maximumf %add3A_26, %max3A_27 : vector<512x64xf32>
    %get3A_29 = arith.constant 0 : index
    %get3A_30 = arith.constant 0 : index
    %get3A_31 = vector.load %arg5[%get3A_29, %get3A_30] : memref<32x64xf32, #tpu.memory_space<vmem>>, vector<32x64xf32>
    %dot_general3A_32 = arith.constant dense<0.000000e+00> : vector<512x64xf32>
    %dot_general3A_33 = tpu.matmul %slice3A_17, %get3A_31, %dot_general3A_32 {dimension_numbers = #tpu.dot_dimension_numbers<[1], [0], [0], [1], [0, 0, 1, 1], [], []>, transpose_lhs_hint = false} : vector<512x32xf32>, vector<32x64xf32>, vector<512x64xf32> -> vector<512x64xf32>
    %get3A_34 = arith.constant 0 : index
    %get3A_35 = vector.load %arg8[%get3A_34] : memref<64xf32, #tpu.memory_space<vmem>>, vector<64xf32>
    %broadcast_in_dim3A_36 = vector.shape_cast %get3A_35 : vector<64xf32> to vector<1x64xf32>
    %add3A_37 = vector.broadcast %broadcast_in_dim3A_36 : vector<1x64xf32> to vector<512x64xf32>
    %add3A_38 = arith.addf %dot_general3A_33, %add3A_37 : vector<512x64xf32>
    %max3A_39 = arith.constant 0.000000e+00 : f32
    %max3A_40 = vector.broadcast %max3A_39 : f32 to vector<512x64xf32>
    %max3A_41 = arith.maximumf %add3A_38, %max3A_40 : vector<512x64xf32>
    %dot_general3A_42 = arith.constant dense<0.000000e+00> : vector<512x64xf32>
    %dot_general3A_43 = tpu.matmul %slice3A_18, %get3A_21, %dot_general3A_42 {dimension_numbers = #tpu.dot_dimension_numbers<[1], [0], [0], [1], [0, 0, 1, 1], [], []>, transpose_lhs_hint = false} : vector<512x32xf32>, vector<32x64xf32>, vector<512x64xf32> -> vector<512x64xf32>
    %add3A_44 = vector.broadcast %broadcast_in_dim3A : vector<1x64xf32> to vector<512x64xf32>
    %add3A_45 = arith.addf %dot_general3A_43, %add3A_44 : vector<512x64xf32>
    %max3A_46 = arith.constant 0.000000e+00 : f32
    %max3A_47 = vector.broadcast %max3A_46 : f32 to vector<512x64xf32>
    %max3A_48 = arith.maximumf %add3A_45, %max3A_47 : vector<512x64xf32>
    %get3A_49 = arith.constant 0 : index
    %get3A_50 = arith.constant 0 : index
    %get3A_51 = vector.load %arg6[%get3A_49, %get3A_50] : memref<32x64xf32, #tpu.memory_space<vmem>>, vector<32x64xf32>
    %dot_general3A_52 = arith.constant dense<0.000000e+00> : vector<512x64xf32>
    %dot_general3A_53 = tpu.matmul %slice3A_17, %get3A_51, %dot_general3A_52 {dimension_numbers = #tpu.dot_dimension_numbers<[1], [0], [0], [1], [0, 0, 1, 1], [], []>, transpose_lhs_hint = false} : vector<512x32xf32>, vector<32x64xf32>, vector<512x64xf32> -> vector<512x64xf32>
    %get3A_54 = arith.constant 0 : index
    %get3A_55 = vector.load %arg9[%get3A_54] : memref<64xf32, #tpu.memory_space<vmem>>, vector<64xf32>
    %broadcast_in_dim3A_56 = vector.shape_cast %get3A_55 : vector<64xf32> to vector<1x64xf32>
    %add3A_57 = vector.broadcast %broadcast_in_dim3A_56 : vector<1x64xf32> to vector<512x64xf32>
    %add3A_58 = arith.addf %dot_general3A_53, %add3A_57 : vector<512x64xf32>
    %swap3A = arith.constant 0 : index
    %swap3A_59 = arith.constant 0 : index
    %swap3A_60 = vector.load %arg10[%swap3A, %swap3A_59] : memref<512x64xf32, #tpu.memory_space<vmem>>, vector<512x64xf32>
    tpu.vector_store %arg10[%swap3A, %swap3A_59], %add3A_58 {strides = array<i32>} : memref<512x64xf32, #tpu.memory_space<vmem>>, vector<512x64xf32>,
    %get3A_61 = arith.constant 0 : index
    %get3A_62 = arith.constant 0 : index
    %get3A_63 = vector.load %arg3[%get3A_61, %get3A_62] : memref<512x1xf32, #tpu.memory_space<vmem>>, vector<512x1xf32>
    %concatenate3A = tpu.concatenate %max3A_28, %max3A_41 in 1 : vector<512x64xf32>, vector<512x64xf32> -> vector<512x128xf32>
    %mul3A_64 = vector.broadcast %get3A_63 : vector<512x1xf32> to vector<512x128xf32>
    %mul3A_65 = arith.mulf %mul3A_64, %concatenate3A : vector<512x128xf32>
    %swap3A_66 = arith.constant 0 : index
    %swap3A_67 = arith.constant 0 : index
    %swap3A_68 = arith.constant 0 : index
    %swap3A_69 = vector.load %arg11[%swap3A_66, %swap3A_67, %swap3A_68] : memref<2x512x128xf32, #tpu.memory_space<vmem>>, vector<1x512x128xf32>
    %swap3A_70 = vector.shape_cast %swap3A_69 : vector<1x512x128xf32> to vector<512x128xf32>
    %swap3A_71 = vector.shape_cast %mul3A_65 : vector<512x128xf32> to vector<1x512x128xf32>
    tpu.vector_store %arg11[%swap3A_66, %swap3A_67, %swap3A_68], %swap3A_71 {strides = array<i32>} : memref<2x512x128xf32, #tpu.memory_space<vmem>>, vector<1x512x128xf32>,
    %broadcast_in_dim3A_72 = arith.constant 0.000000e+00 : f32
    %broadcast_in_dim3A_73 = vector.broadcast %broadcast_in_dim3A_72 : f32 to vector<512x64xf32>
    %concatenate3A_74 = tpu.concatenate %max3A_48, %broadcast_in_dim3A_73 in 1 : vector<512x64xf32>, vector<512x64xf32> -> vector<512x128xf32>
    %mul3A_75 = vector.broadcast %get3A_63 : vector<512x1xf32> to vector<512x128xf32>
    %mul3A_76 = arith.mulf %mul3A_75, %concatenate3A_74 : vector<512x128xf32>
    %swap3A_77 = arith.constant 1 : index
    %swap3A_78 = arith.constant 0 : index
    %swap3A_79 = arith.constant 0 : index
    %swap3A_80 = vector.load %arg11[%swap3A_77, %swap3A_78, %swap3A_79] : memref<2x512x128xf32, #tpu.memory_space<vmem>>, vector<1x512x128xf32>
    %swap3A_81 = vector.shape_cast %swap3A_80 : vector<1x512x128xf32> to vector<512x128xf32>
    %swap3A_82 = vector.shape_cast %mul3A_76 : vector<512x128xf32> to vector<1x512x128xf32>
    tpu.vector_store %arg11[%swap3A_77, %swap3A_78, %swap3A_79], %swap3A_82 {strides = array<i32>} : memref<2x512x128xf32, #tpu.memory_space<vmem>>, vector<1x512x128xf32>,
    return
  }
  func.func @transform_0(%arg0: i32) -> (i32, i32, i32) {
    %c0_i32 = arith.constant 0 : i32
    %c0_i32_0 = arith.constant 0 : i32
    %c0_i32_1 = arith.constant 0 : i32
    return %c0_i32, %arg0, %c0_i32_0 : i32, i32, i32
  }
  func.func @transform_1(%arg0: i32) -> (i32, i32) {
    %c0_i32 = arith.constant 0 : i32
    %c0_i32_0 = arith.constant 0 : i32
    return %arg0, %c0_i32 : i32, i32
  }
  func.func @transform_2(%arg0: i32) -> (i32, i32) {
    %c0_i32 = arith.constant 0 : i32
    %c0_i32_0 = arith.constant 0 : i32
    return %arg0, %c0_i32 : i32, i32
  }
  func.func @transform_3(%arg0: i32) -> (i32, i32) {
    %c0_i32 = arith.constant 0 : i32
    %c0_i32_0 = arith.constant 0 : i32
    %c0_i32_1 = arith.constant 0 : i32
    return %c0_i32, %c0_i32_0 : i32, i32
  }
  func.func @transform_4(%arg0: i32) -> (i32, i32) {
    %c0_i32 = arith.constant 0 : i32
    %c0_i32_0 = arith.constant 0 : i32
    %c0_i32_1 = arith.constant 0 : i32
    return %c0_i32, %c0_i32_0 : i32, i32
  }
  func.func @transform_5(%arg0: i32) -> (i32, i32) {
    %c0_i32 = arith.constant 0 : i32
    %c0_i32_0 = arith.constant 0 : i32
    %c0_i32_1 = arith.constant 0 : i32
    return %c0_i32, %c0_i32_0 : i32, i32
  }
  func.func @transform_6(%arg0: i32) -> i32 {
    %c0_i32 = arith.constant 0 : i32
    %c0_i32_0 = arith.constant 0 : i32
    return %c0_i32 : i32
  }
  func.func @transform_7(%arg0: i32) -> i32 {
    %c0_i32 = arith.constant 0 : i32
    %c0_i32_0 = arith.constant 0 : i32
    return %c0_i32 : i32
  }
  func.func @transform_8(%arg0: i32) -> i32 {
    %c0_i32 = arith.constant 0 : i32
    %c0_i32_0 = arith.constant 0 : i32
    return %c0_i32 : i32
  }
  func.func @transform_9(%arg0: i32) -> (i32, i32) {
    %c0_i32 = arith.constant 0 : i32
    %c0_i32_0 = arith.constant 0 : i32
    return %arg0, %c0_i32 : i32, i32
  }
  func.func @transform_10(%arg0: i32) -> (i32, i32, i32) {
    %c0_i32 = arith.constant 0 : i32
    %c0_i32_0 = arith.constant 0 : i32
    %c0_i32_1 = arith.constant 0 : i32
    return %c0_i32, %arg0, %c0_i32_0 : i32, i32, i32
  }
}

module attributes {stable_mosaic.version = 14 : i64} {
  func.func @_tc_f_body(%arg0: i32, %arg1: i32, %arg2: memref<512x64xf32, #tpu.memory_space<vmem>>, %arg3: memref<1280x64xf32, #tpu.memory_space<vmem>>, %arg4: memref<512x1280xf32, #tpu.memory_space<vmem>>) attributes {dimension_semantics = [#tpu.dimension_semantics<arbitrary>, #tpu.dimension_semantics<arbitrary>], iteration_bounds = array<i64: 20, 8>, scalar_prefetch = 0 : i64, scratch_operands = 0 : i64, tpu.core_type = #tpu.core_type<tc>, window_params = [{transform_indices = @transform_0, window_bounds = array<i64: 512, 64>}, {transform_indices = @transform_1, window_bounds = array<i64: 1280, 64>}, {transform_indices = @transform_2, window_bounds = array<i64: 512, 1280>}]} {
    %get3A = arith.constant 0 : index
    %get3A_0 = arith.constant 0 : index
    %get3A_1 = vector.load %arg2[%get3A, %get3A_0] : memref<512x64xf32, #tpu.memory_space<vmem>>, vector<512x64xf32>
    %get3A_2 = arith.constant 0 : index
    %get3A_3 = arith.constant 0 : index
    %get3A_4 = vector.load %arg3[%get3A_2, %get3A_3] : memref<1280x64xf32, #tpu.memory_space<vmem>>, vector<1280x64xf32>
    %dot_general3A = arith.constant dense<0.000000e+00> : vector<512x1280xf32>
    %dot_general3A_5 = tpu.matmul %get3A_1, %get3A_4, %dot_general3A {dimension_numbers = #tpu.dot_dimension_numbers<[1], [1], [0], [0], [0, 0, 1, 0], [], []>, transpose_lhs_hint = false} : vector<512x64xf32>, vector<1280x64xf32>, vector<512x1280xf32> -> vector<512x1280xf32>
    %swap3A = arith.constant 0 : index
    %swap3A_6 = arith.constant 0 : index
    %swap3A_7 = vector.load %arg4[%swap3A, %swap3A_6] : memref<512x1280xf32, #tpu.memory_space<vmem>>, vector<512x1280xf32>
    tpu.vector_store %arg4[%swap3A, %swap3A_6], %dot_general3A_5 {strides = array<i32>} : memref<512x1280xf32, #tpu.memory_space<vmem>>, vector<512x1280xf32>,
    return
  }
  func.func @transform_0(%arg0: i32, %arg1: i32) -> (i32, i32) {
    %c0_i32 = arith.constant 0 : i32
    %c0_i32_0 = arith.constant 0 : i32
    return %arg0, %c0_i32 : i32, i32
  }
  func.func @transform_1(%arg0: i32, %arg1: i32) -> (i32, i32) {
    %c0_i32 = arith.constant 0 : i32
    %c0_i32_0 = arith.constant 0 : i32
    return %arg1, %c0_i32 : i32, i32
  }
  func.func @transform_2(%arg0: i32, %arg1: i32) -> (i32, i32) {
    %c0_i32 = arith.constant 0 : i32
    return %arg0, %arg1 : i32, i32
  }
}

module attributes {stable_mosaic.version = 14 : i64} {
  func.func @_tc_e_body(%arg0: i32, %arg1: memref<2x512x128xf32, #tpu.memory_space<vmem>>, %arg2: memref<2x512x128xf32, #tpu.memory_space<vmem>>, %arg3: memref<512x1xf32, #tpu.memory_space<vmem>>, %arg4: memref<64x128xf32, #tpu.memory_space<vmem>>, %arg5: memref<64x128xf32, #tpu.memory_space<vmem>>, %arg6: memref<128xf32, #tpu.memory_space<vmem>>, %arg7: memref<128xf32, #tpu.memory_space<vmem>>, %arg8: memref<512x128xf32, #tpu.memory_space<vmem>>, %arg9: memref<512x128xf32, #tpu.memory_space<vmem>>, %arg10: memref<512x128xf32, #tpu.memory_space<vmem>>) attributes {dimension_semantics = [#tpu.dimension_semantics<arbitrary>], iteration_bounds = array<i64: 20>, scalar_prefetch = 0 : i64, scratch_operands = 0 : i64, tpu.core_type = #tpu.core_type<tc>, window_params = [{transform_indices = @transform_0, window_bounds = array<i64: 2, 512, 128>}, {transform_indices = @transform_1, window_bounds = array<i64: 2, 512, 128>}, {transform_indices = @transform_2, window_bounds = array<i64: 512, 1>}, {pipeline_mode = #tpu.pipeline_mode<synchronous>, transform_indices = @transform_3, window_bounds = array<i64: 64, 128>}, {pipeline_mode = #tpu.pipeline_mode<synchronous>, transform_indices = @transform_4, window_bounds = array<i64: 64, 128>}, {pipeline_mode = #tpu.pipeline_mode<synchronous>, transform_indices = @transform_5, window_bounds = array<i64: 128>}, {pipeline_mode = #tpu.pipeline_mode<synchronous>, transform_indices = @transform_6, window_bounds = array<i64: 128>}, {transform_indices = @transform_7, window_bounds = array<i64: 512, 128>}, {transform_indices = @transform_8, window_bounds = array<i64: 512, 128>}, {transform_indices = @transform_9, window_bounds = array<i64: 512, 128>}]} {
    %get3A = arith.constant 0 : index
    %get3A_0 = arith.constant 0 : index
    %get3A_1 = vector.load %arg3[%get3A, %get3A_0] : memref<512x1xf32, #tpu.memory_space<vmem>>, vector<512x1xf32>
    %get3A_2 = arith.constant 0 : index
    %get3A_3 = arith.constant 0 : index
    %get3A_4 = arith.constant 0 : index
    %get3A_5 = vector.load %arg1[%get3A_2, %get3A_3, %get3A_4] : memref<2x512x128xf32, #tpu.memory_space<vmem>>, vector<1x512x128xf32>
    %get3A_6 = vector.shape_cast %get3A_5 : vector<1x512x128xf32> to vector<512x128xf32>
    %get3A_7 = arith.constant 1 : index
    %get3A_8 = arith.constant 0 : index
    %get3A_9 = arith.constant 0 : index
    %get3A_10 = vector.load %arg1[%get3A_7, %get3A_8, %get3A_9] : memref<2x512x128xf32, #tpu.memory_space<vmem>>, vector<1x512x128xf32>
    %get3A_11 = vector.shape_cast %get3A_10 : vector<1x512x128xf32> to vector<512x128xf32>
    %concatenate3A = tpu.concatenate %get3A_6, %get3A_11 in 1 : vector<512x128xf32>, vector<512x128xf32> -> vector<512x256xf32>
    %get3A_12 = arith.constant 0 : index
    %get3A_13 = arith.constant 0 : index
    %get3A_14 = arith.constant 0 : index
    %get3A_15 = vector.load %arg2[%get3A_12, %get3A_13, %get3A_14] : memref<2x512x128xf32, #tpu.memory_space<vmem>>, vector<1x512x128xf32>
    %get3A_16 = vector.shape_cast %get3A_15 : vector<1x512x128xf32> to vector<512x128xf32>
    %get3A_17 = arith.constant 1 : index
    %get3A_18 = arith.constant 0 : index
    %get3A_19 = arith.constant 0 : index
    %get3A_20 = vector.load %arg2[%get3A_17, %get3A_18, %get3A_19] : memref<2x512x128xf32, #tpu.memory_space<vmem>>, vector<1x512x128xf32>
    %get3A_21 = vector.shape_cast %get3A_20 : vector<1x512x128xf32> to vector<512x128xf32>
    %concatenate3A_22 = tpu.concatenate %get3A_16, %get3A_21 in 1 : vector<512x128xf32>, vector<512x128xf32> -> vector<512x256xf32>
    %add3A = arith.addf %concatenate3A, %concatenate3A_22 : vector<512x256xf32>
    %mul3A = vector.broadcast %get3A_1 : vector<512x1xf32> to vector<512x256xf32>
    %mul3A_23 = arith.mulf %mul3A, %add3A : vector<512x256xf32>
    %get3A_24 = arith.constant 0 : index
    %get3A_25 = arith.constant 0 : index
    %get3A_26 = vector.load %arg4[%get3A_24, %get3A_25] : memref<64x128xf32, #tpu.memory_space<vmem>>, vector<64x128xf32>
    %get3A_27 = arith.constant 0 : index
    %get3A_28 = vector.load %arg6[%get3A_27] : memref<128xf32, #tpu.memory_space<vmem>>, vector<128xf32>
    %broadcast_in_dim3A = vector.shape_cast %get3A_28 : vector<128xf32> to vector<1x128xf32>
    %slice3A = vector.extract_strided_slice %mul3A_23 {offsets = [0, 0], sizes = [512, 64], strides = [1, 1]} : vector<512x256xf32> to vector<512x64xf32>
    %dot_general3A = arith.constant dense<0.000000e+00> : vector<512x128xf32>
    %dot_general3A_29 = tpu.matmul %slice3A, %get3A_26, %dot_general3A {dimension_numbers = #tpu.dot_dimension_numbers<[1], [0], [0], [1], [0, 0, 1, 1], [], []>, transpose_lhs_hint = false} : vector<512x64xf32>, vector<64x128xf32>, vector<512x128xf32> -> vector<512x128xf32>
    %add3A_30 = vector.broadcast %broadcast_in_dim3A : vector<1x128xf32> to vector<512x128xf32>
    %add3A_31 = arith.addf %dot_general3A_29, %add3A_30 : vector<512x128xf32>
    %swap3A = arith.constant 0 : index
    %swap3A_32 = arith.constant 0 : index
    %swap3A_33 = vector.load %arg8[%swap3A, %swap3A_32] : memref<512x128xf32, #tpu.memory_space<vmem>>, vector<512x128xf32>
    tpu.vector_store %arg8[%swap3A, %swap3A_32], %add3A_31 {strides = array<i32>} : memref<512x128xf32, #tpu.memory_space<vmem>>, vector<512x128xf32>,
    %slice3A_34 = vector.extract_strided_slice %mul3A_23 {offsets = [0, 64], sizes = [512, 64], strides = [1, 1]} : vector<512x256xf32> to vector<512x64xf32>
    %get3A_35 = arith.constant 0 : index
    %get3A_36 = arith.constant 0 : index
    %get3A_37 = vector.load %arg5[%get3A_35, %get3A_36] : memref<64x128xf32, #tpu.memory_space<vmem>>, vector<64x128xf32>
    %dot_general3A_38 = arith.constant dense<0.000000e+00> : vector<512x128xf32>
    %dot_general3A_39 = tpu.matmul %slice3A_34, %get3A_37, %dot_general3A_38 {dimension_numbers = #tpu.dot_dimension_numbers<[1], [0], [0], [1], [0, 0, 1, 1], [], []>, transpose_lhs_hint = false} : vector<512x64xf32>, vector<64x128xf32>, vector<512x128xf32> -> vector<512x128xf32>
    %get3A_40 = arith.constant 0 : index
    %get3A_41 = vector.load %arg7[%get3A_40] : memref<128xf32, #tpu.memory_space<vmem>>, vector<128xf32>
    %broadcast_in_dim3A_42 = vector.shape_cast %get3A_41 : vector<128xf32> to vector<1x128xf32>
    %add3A_43 = vector.broadcast %broadcast_in_dim3A_42 : vector<1x128xf32> to vector<512x128xf32>
    %add3A_44 = arith.addf %dot_general3A_39, %add3A_43 : vector<512x128xf32>
    %swap3A_45 = arith.constant 0 : index
    %swap3A_46 = arith.constant 0 : index
    %swap3A_47 = vector.load %arg9[%swap3A_45, %swap3A_46] : memref<512x128xf32, #tpu.memory_space<vmem>>, vector<512x128xf32>
    tpu.vector_store %arg9[%swap3A_45, %swap3A_46], %add3A_44 {strides = array<i32>} : memref<512x128xf32, #tpu.memory_space<vmem>>, vector<512x128xf32>,
    %slice3A_48 = vector.extract_strided_slice %mul3A_23 {offsets = [0, 128], sizes = [512, 64], strides = [1, 1]} : vector<512x256xf32> to vector<512x64xf32>
    %dot_general3A_49 = arith.constant dense<0.000000e+00> : vector<512x128xf32>
    %dot_general3A_50 = tpu.matmul %slice3A_48, %get3A_26, %dot_general3A_49 {dimension_numbers = #tpu.dot_dimension_numbers<[1], [0], [0], [1], [0, 0, 1, 1], [], []>, transpose_lhs_hint = false} : vector<512x64xf32>, vector<64x128xf32>, vector<512x128xf32> -> vector<512x128xf32>
    %add3A_51 = vector.broadcast %broadcast_in_dim3A : vector<1x128xf32> to vector<512x128xf32>
    %add3A_52 = arith.addf %dot_general3A_50, %add3A_51 : vector<512x128xf32>
    %swap3A_53 = arith.constant 0 : index
    %swap3A_54 = arith.constant 0 : index
    %swap3A_55 = vector.load %arg10[%swap3A_53, %swap3A_54] : memref<512x128xf32, #tpu.memory_space<vmem>>, vector<512x128xf32>
    tpu.vector_store %arg10[%swap3A_53, %swap3A_54], %add3A_52 {strides = array<i32>} : memref<512x128xf32, #tpu.memory_space<vmem>>, vector<512x128xf32>,
    return
  }
  func.func @transform_0(%arg0: i32) -> (i32, i32, i32) {
    %c0_i32 = arith.constant 0 : i32
    %c0_i32_0 = arith.constant 0 : i32
    %c0_i32_1 = arith.constant 0 : i32
    return %c0_i32, %arg0, %c0_i32_0 : i32, i32, i32
  }
  func.func @transform_1(%arg0: i32) -> (i32, i32, i32) {
    %c0_i32 = arith.constant 0 : i32
    %c0_i32_0 = arith.constant 0 : i32
    %c0_i32_1 = arith.constant 0 : i32
    return %c0_i32, %arg0, %c0_i32_0 : i32, i32, i32
  }
  func.func @transform_2(%arg0: i32) -> (i32, i32) {
    %c0_i32 = arith.constant 0 : i32
    %c0_i32_0 = arith.constant 0 : i32
    return %arg0, %c0_i32 : i32, i32
  }
  func.func @transform_3(%arg0: i32) -> (i32, i32) {
    %c0_i32 = arith.constant 0 : i32
    %c0_i32_0 = arith.constant 0 : i32
    %c0_i32_1 = arith.constant 0 : i32
    return %c0_i32, %c0_i32_0 : i32, i32
  }
  func.func @transform_4(%arg0: i32) -> (i32, i32) {
    %c0_i32 = arith.constant 0 : i32
    %c0_i32_0 = arith.constant 0 : i32
    %c0_i32_1 = arith.constant 0 : i32
    return %c0_i32, %c0_i32_0 : i32, i32
  }
  func.func @transform_5(%arg0: i32) -> i32 {
    %c0_i32 = arith.constant 0 : i32
    %c0_i32_0 = arith.constant 0 : i32
    return %c0_i32 : i32
  }
  func.func @transform_6(%arg0: i32) -> i32 {
    %c0_i32 = arith.constant 0 : i32
    %c0_i32_0 = arith.constant 0 : i32
    return %c0_i32 : i32
  }
  func.func @transform_7(%arg0: i32) -> (i32, i32) {
    %c0_i32 = arith.constant 0 : i32
    %c0_i32_0 = arith.constant 0 : i32
    return %arg0, %c0_i32 : i32, i32
  }
  func.func @transform_8(%arg0: i32) -> (i32, i32) {
    %c0_i32 = arith.constant 0 : i32
    %c0_i32_0 = arith.constant 0 : i32
    return %arg0, %c0_i32 : i32, i32
  }
  func.func @transform_9(%arg0: i32) -> (i32, i32) {
    %c0_i32 = arith.constant 0 : i32
    %c0_i32_0 = arith.constant 0 : i32
    return %arg0, %c0_i32 : i32, i32
  }
}

</mosaic_0001>

<sc_bundles>
// kernel: kernel.13.cloned.1.call-start
scs
__scs_entry_jumppad:
0x0: {  	(pc) =	sbr.rel $0x88, $3  }
0x1: {  	(tag) =	ssettag $0x0;
	lr =	simm.s32 $0x1  }
0x2: {  	[smem:$0x3F91] =	sst lr;
	_ =	strace $0xD0000000  }
0x3: {  	_ = 	snop  }
0x4: {  	_ = 	snop  }
0x5: {  	_ = 	snop  }
0x6: {  	_ = 	snop  }
0x7: {  	_ = 	snop  }
__scs_overlays_trampoline_lowered:
0x8: {  	[smem:$0x3FA0] =	sst s0  }
0x9: {  	[smem:$0x3FA1] =	sst s1  }
0xa: {  	[smem:$0x3FA2] =	sst s2  }
0xb: {  	[smem:$0x3FA3] =	sst s3  }
0xc: {  	[smem:$0x3FA4] =	sst s4  }
0xd: {  	[smem:$0x3FA5] =	sst s5  }
0xe: {  	[smem:$0x3FA6] =	sst s6  }
0xf: {  	[smem:$0x3FA7] =	sst s7  }
0x10: {  	[smem:$0x3FA8] =	sst s8  }
0x11: {  	[smem:$0x3FA9] =	sst s9;
	s0 =	simm.s32 @!p0 $0x0  }
0x12: {  	s1 =	sld [smem:$0x3F8F];
	s0 =	simm.s32 @p0 $0x1  }
0x13: {  	[smem:$0x3FAA] =	sst s0;
	s0 =	simm.s32 @!p1 $0x0  }
0x14: {  	s2 =	sld [smem:$0x3F8E];
	s0 =	simm.s32 @p1 $0x1  }
0x15: {  	[smem:$0x3FAB] =	sst s0;
	s0 =	simm.s32 @!p2 $0x0  }
0x16: {  	s3 =	sld [smem:$0x3FDB];
	s0 =	simm.s32 @p2 $0x1  }
0x17: {  	s4 =	simm.s32 $0x1BF5;
	[smem:$0x3FAD] =	sst s0  }
0x18: {  	s0 =	sld [smem:$0x3F90];
	_ =	swait.ge [sflag:s4], $0x0  }
0x19: {  	s7 =	sld [smem:$0x3F91]  }
0x1a: {  	s8 =	sadd.s32 $0xFFFFE003, lr  }
0x1b: {  	s9 =	sadd.s32 $0xFFFFFEF7, lr;
	s5 =	simm.s32 $0xFFFFFFFF;
	p2 =	slt.u32 s8, $0xFFFFF086  }
0x1c: {  	p1 =	slt.u32 s9, $0xF7A;
	s5 =	simm.s32 @!p2 $0x0  }
0x1d: {  	s5 =	simm.s32 @p1 $0x1;
	p0 =	seq.s32 s7, s2  }
0x1e: {  	s7 =	smul.u32 @!p0 $0xF7A, s2;
	p2 =	seq.s32 @!p0 s5, $0x0  }
0x1f: {  	s9 =	smul.u32 $0xF7A, s1;
	s8 =	simm.s32 @!p0 $0x1BF5;
	p2 =	por !p2, p0  }
0x20: {  	[sflag:s8] =	ssyncset.s32 @!p0 $0xFFFFF086;
	s6 =	sadd.s32 @!p0 s3, s7;
	s7 =	simm.s32 @!p0 $0x108  }
0x21: {  	s3 =	sadd.s32 s3, s9;
	s6 =	sadd.s32 @!p0 $0x88, s6;
	s7 =	simm.s32 @p2 $0x1082  }
0x22: {  	[simem:s7], [sflag:s8] =	dma.local @!p0 [hbm:s6], $0xF7A  }
0x23: {  	s9 =	sor.u32 $0xD0000000, s2;
	s6 =	simm.s32 $0x108;
	_ =	swait.ge @!p0 [sflag:s8], $0x0  }
0x24: {  	s3 =	sadd.s32 $0x88, s3;
	s6 =	simm.s32 @!p1 $0x1082;
	[sflag:s4] =	ssyncset.s32 $0xFFFFF086  }
0x25: {  	[simem:s6], [sflag:s4] =	dma.local [hbm:s3], $0xF7A  }
0x26: {  	[smem:$0x3F91] =	sst s1;
	(tag) =	ssettag s2;
	_ =	strace s9  }
0x27: {  	s1 =	sld [smem:$0x3FA1]  }
0x28: {  	s2 =	sld [smem:$0x3FA2]  }
0x29: {  	s4 =	sld [smem:$0x3FA4]  }
0x2a: {  	p0 =	seq.s32 s5, $0x0;
	s5 =	sld [smem:$0x3FA5]  }
0x2b: {  	s6 =	sld [smem:$0x3FA6]  }
0x2c: {  	s7 =	sld [smem:$0x3FA7]  }
0x2d: {  	s3 =	simm.s32 $0x108;
	s8 =	sld [smem:$0x3FA8]  }
0x2e: {  	s3 =	simm.s32 @!p0 $0x1082;
	s9 =	sld [smem:$0x3FA9]  }
0x2f: {  	lr =	sadd.s32 s0, s3;
	s0 =	sld [smem:$0x3FA0]  }
0x30: {  	s3 =	sld [smem:$0x3FA3]  }
0x31: {  	[smem:$0x3FAC] =	sst s10  }
0x32: {  	s10 =	sld [smem:$0x3FAA];
	_ =	sdelay $0x3  }
0x33: {  	p0 =	seq.s32 s10, $0x1;
	s10 =	sld [smem:$0x3FAC];
	_ =	sdelay $0x3  }
0x34: {  	[smem:$0x3FAC] =	sst s10  }
0x35: {  	s10 =	sld [smem:$0x3FAB];
	_ =	sdelay $0x3  }
0x36: {  	p1 =	seq.s32 s10, $0x1;
	s10 =	sld [smem:$0x3FAC];
	_ =	sdelay $0x3  }
0x37: {  	[smem:$0x3FAC] =	sst s10  }
0x38: {  	s10 =	sld [smem:$0x3FAD]  }
0x39: {  	_ = 	snop;
	(pc) =	sbr.ind lr, $3  }
0x3a: {  	_ = 	snop  }
0x3b: {  	_ = 	snop  }
0x3c: {  	p2 =	seq.s32 s10, $0x1;
	s10 =	sld [smem:$0x3FAC]  }
0x3d: {  	_ =	shalt  }
0x3e: {  	_ =	shalt  }
0x3f: {  	_ =	shalt  }
0x40: {  	_ =	shalt  }
0x41: {  	_ =	shalt  }
0x42: {  	_ =	shalt  }
0x43: {  	_ =	shalt  }
0x44: {  	_ =	shalt  }
0x45: {  	_ =	shalt  }
0x46: {  	_ =	shalt  }
0x47: {  	_ =	shalt  }
0x48: {  	_ =	shalt  }
0x49: {  	_ =	shalt  }
0x4a: {  	_ =	shalt  }
0x4b: {  	_ =	shalt  }
0x4c: {  	_ =	shalt  }
0x4d: {  	_ =	shalt  }
0x4e: {  	_ =	shalt  }
0x4f: {  	_ =	shalt  }
0x50: {  	_ =	shalt  }
0x51: {  	_ =	shalt  }
0x52: {  	_ =	shalt  }
0x53: {  	_ =	shalt  }
0x54: {  	_ =	shalt  }
0x55: {  	_ =	shalt  }
0x56: {  	_ =	shalt  }
0x57: {  	_ =	shalt  }
0x58: {  	_ =	shalt  }
0x59: {  	_ =	shalt  }
0x5a: {  	_ =	shalt  }
0x5b: {  	_ =	shalt  }
0x5c: {  	_ =	shalt  }
0x5d: {  	_ =	shalt  }
0x5e: {  	_ =	shalt  }
0x5f: {  	_ =	shalt  }
0x60: {  	_ =	shalt  }
0x61: {  	_ =	shalt  }
0x62: {  	_ =	shalt  }
0x63: {  	_ =	shalt  }
0x64: {  	_ =	shalt  }
0x65: {  	_ =	shalt  }
0x66: {  	_ =	shalt  }
0x67: {  	_ =	shalt  }
0x68: {  	_ =	shalt  }
0x69: {  	_ =	shalt  }
0x6a: {  	_ =	shalt  }
0x6b: {  	_ =	shalt  }
0x6c: {  	_ =	shalt  }
0x6d: {  	_ =	shalt  }
0x6e: {  	_ =	shalt  }
0x6f: {  	_ =	shalt  }
0x70: {  	_ =	shalt  }
0x71: {  	_ =	shalt  }
0x72: {  	_ =	shalt  }
0x73: {  	_ =	shalt  }
0x74: {  	_ =	shalt  }
0x75: {  	_ =	shalt  }
0x76: {  	_ =	shalt  }
0x77: {  	_ =	shalt  }
0x78: {  	_ =	shalt  }
0x79: {  	_ =	shalt  }
0x7a: {  	_ =	shalt  }
0x7b: {  	_ =	shalt  }
0x7c: {  	_ =	shalt  }
0x7d: {  	_ =	shalt  }
0x7e: {  	_ =	shalt  }
0x7f: {  	_ =	shalt  }
0x80: {  	_ =	shalt  }
0x81: {  	_ =	shalt  }
0x82: {  	_ =	shalt  }
0x83: {  	_ =	shalt  }
0x84: {  	_ =	shalt  }
0x85: {  	_ =	shalt  }
0x86: {  	_ =	shalt  }
0x87: {  	_ =	shalt  }
.Lfunc_end0:
.L_simem_size_0:
called_computation_lowered:
.L_overlay_start_0:
0x88: {  	s2 =	sld [smem:$0x3FD9]  }
0x89: {  	s3 =	sld [smem:$0x3FFE];
	_ =	sdelay $0x1  }
0x8a: {  	s1 =	srdreg.scid  }
0x8b: {  	s0 =	sand.u32 $0x1, s1  }
0x8c: {  	s15 =	sshll.u32 s0, $0xA;
	s2 =	sadd.s32 s3, s2  }
0x8d: {  	s2 =	sadd.s32 s2, s15  }
0x8e: {  	[smem:$0x3FB8] =	sst s2  }
0x8f: {  	_ = 	snop  }
0x90: {  	s2 =	sld [smem:$0x3FD0];
	_ =	sdelay $0x2  }
0x91: {  	s16 =	simm.s32 $0xA;
	s4 =	simm.s32 $0x10  }
0x92: {  	[smem:s4], [sflag:s16] =	dma.local [hbm:s2], $0x1  }
0x93: {  	_ =	swait.eq [sflag:s16], $0x1  }
0x94: {  	s17 =	sld [smem:$0x10]  }
0x95: {  	s18 =	sld [smem:$0x12];
	[sflag:s16] =	ssyncset.done $0x0  }
0x96: {  	s5 =	sld [smem:$0x13];
	[sflag:s16] =	ssyncadd.s32 $0xFFFFFFFF  }
0x97: {  	s19 =	sld [smem:$0x15];
	(tm) =	ssettm $0x1  }
0x98: {  	s6 =	sld [smem:$0x3FFB];
	_ =	sdelay $0x3  }
0x99: {  	_ =	strace s6  }
0x9a: {  	s6 =	sld [smem:$0x3FFC];
	_ =	sdelay $0x3  }
0x9b: {  	_ =	strace s6  }
0x9c: {  	s6 =	sld [smem:$0x3FFD];
	_ =	sdelay $0x3  }
0x9d: {  	_ =	strace s6  }
0x9e: {  	_ =	strace $0x8FFFFFFF  }
0x9f: {  	s20 =	sld [smem:$0x3FDB];
	_ =	sdelay $0x1  }
0xa0: {  	s7 =	simm.s32 $_scs_section_size  }
0xa1: {  	s8 =	simm.s32 $_size__tile_overlayer_lowered;
	s9 =	simm.s32 $_tile_overlayer_lowered  }
0xa2: {  	s23 =	simm.s32 $0x1BFF;
	s22 =	sshll.u32 s9, $0x1;
	s6 =	sadd.s32 s7, s20  }
0xa3: {  	s10 =	simm.s32 $0x0;
	s21 =	sshll.u32 s8, $0x1;
	s8 =	sadd.s32 s22, s6  }
0xa4: {  	[timem:s10], [sflag:s23] =	dma.local [hbm:s8], s21  }
0xa5: {  	_ =	swait.ge [sflag:s23], s21  }
0xa6: {  	s7 =	ssub.s32 $0x0, s21;
	[sflag:s23] =	ssyncset.done $0x0  }
0xa7: {  	[sflag:s23] =	ssyncadd.s32 s7;
	_ =	sdelay $0x1  }
0xa8: {  	s24 =	simm.s32 $0x1B8B  }
0xa9: {  	_ =	swait.ge [sflag:s24], $0x1  }
0xaa: {  	[sflag:s24] =	ssyncset.done $0x0  }
0xab: {  	s25 =	simm.s32 $0x1B8E;
	[sflag:s24] =	ssyncadd.s32 $0xFFFFFFFF  }
0xac: {  	s26 =	simm.s32 $execute0_lowered;
	[smem:$0x3FD2] =	sst s25  }
0xad: {  	s7 =	sshll.u32 s26, $0x1;
	_ =	strace $0x80000046;
	[dreg:$0x1] =	wrdreg $0xFFFFFFFF  }
0xae: {  	s28 =	simm.s32 $_size_execute0_lowered;
	s6 =	sadd.s32 s6, s7;
	[dreg:$0x0] =	wrdreg $0x0  }
0xaf: {  	s7 =	sshll.u32 s28, $0x1;
	[dreg:$0x2] =	wrdreg s6  }
0xb0: {  	[dreg:$0x3] =	wrdreg s7  }
0xb1: {  	[dreg:$0x4] =	wrdreg $0xC0  }
0xb2: {  	_ =	task [dreg:s10], $0x5FFFF  }
0xb3: {  	[dreg:$0x1] =	wrdreg $0xFFFFFFFF  }
0xb4: {  	[dreg:$0x0] =	wrdreg $0x60  }
0xb5: {  	[dreg:$0x2] =	wrdreg s17  }
0xb6: {  	[dreg:$0x3] =	wrdreg s5  }
0xb7: {  	[dreg:$0x4] =	wrdreg s18  }
0xb8: {  	[dreg:$0x5] =	wrdreg s19  }
0xb9: {  	[dreg:$0x6] =	wrdreg $0x38800  }
0xba: {  	[dreg:$0x7] =	wrdreg $0x9  }
0xbb: {  	_ =	task.clear_ibuf [dreg:s10], $0x8FFFF;
	_ =	strace $0x90000046  }
0xbc: {  	s29 =	simm.s32 $0x9;
	_ =	strace $0x80000048  }
0xbd: {  	_ =	swait.ge [sflag:s29], $0x1  }
0xbe: {  	[sflag:s29] =	ssyncadd.s32 $0xFFFFFFFF  }
0xbf: {  	_ =	strace $0x90000048  }
0xc0: {  	_ =	sfence  }
0xc1: {  	s30 =	sld [smem:$0x0];
	_ =	sdelay $0x2  }
0xc2: {  	s31 =	sshll.u32 s1, $0xD;
	s1 =	sshrl.u32 s1, $0x2  }
0xc3: {  	s3 =	sand.u32 $0x4000, s31;
	s1 =	sadd.s32 s1, s30  }
0xc4: {  	s0 =	sor.u32 s3, s0;
	s1 =	sshll.u32 s1, $0x11  }
0xc5: {  	s0 =	sor.u32 s1, s0  }
0xc6: {  	s0 =	sadd.s32 $0x8F2B, s0  }
0xc7: {  	[sflag:s0] =	ssyncadd.remote.s32 $0x1  }
0xc8: {  	_ =	sfence.sel $0xFFFF  }
0xc9: {  	[dreg:$0x0] =	wrdreg $0xFFFFFFFF;
	(pc) =	sbr.abs _section_cstart, $3  }
0xca: {  	[dreg:$0x1] =	wrdreg $0xFFFFFFFF  }
0xcb: {  	_ =	task.clear_ibuf [dreg:s10], $0x2FFFF;
	_ =	strace $0x9FFFFFFF  }
0xcc: {  	(tm) =	ssettm $0x7FFFFFFF  }
0xcd: {  	_ =	shalt  }
tec
execute0_lowered:
.L_overlay_start_1:
0x0: {  	(tag) =	ssettag $0x1  }
0x1: {  	s0 =	rddreg [dreg:$0x0]  }
0x2: {  	s9 =	rddreg [dreg:$0x1]  }
0x3: {  	s2 =	rddreg [dreg:$0x2]  }
0x4: {  	s7 =	rddreg [dreg:$0x3]  }
0x5: {  	s3 =	srdreg.scid;
	s1 =	stileid.u32  }
0x6: {  	s4 =	rddreg [dreg:$0x4];
	s5 =	simm.s32 $0x0;
	s8 =	smul.u32 $0x50000, s1  }
0x7: {  	s6 =	sand.u32 $0x1, s3;
	s3 =	rddreg [dreg:$0x5];
	s12 =	smul.u32 $0x14000, s1  }
0x8: {  	[smem:$0x7FF] =	sst s5;
	s26 =	smul.u32 $0x2760, s1;
	s29 =	sshll.u32 s1, $0x6  }
0x9: {  	s10 =	smul.u32 $0x140000, s6;
	s11 =	ssub.s32 $0x2, s6;
	_ =	strace $0x80000047  }
0xa: {  	s14 =	smul.u32 $0x27600, s6;
	s13 =	sshrl.u32 s11, $0x1;
	s25 =	sshrl.u32 s8, $0x2  }
0xb: {  	s6 =	sor.u32 $0x1C01, s29;
	s11 =	ssub.s32 s11, s13;
	s28 =	sadd.s32 s25, s4  }
0xc: {  	s10 =	sadd.s32 s12, s10;
	s30 =	sadd.s32 s26, s14;
	s12 =	simm.s32 $0x80  }
0xd: {  	s13 =	simm.s32 $0x70;
	s14 =	simm.s32 $0x0;
	s10 =	sshrl.u32 s10, $0x3  }
0xe: {  	s8 =	smax.u32 s11, $0x1;
	s31 =	sshrl.u32 s30, $0x3;
	s11 =	simm.s32 $0x1  }
0xf: {  	s7 =	sadd.s32 s7, s10;
	s9 =	sadd.s32 s31, s9;
	s10 =	sshrl.u32 s28, $0x3  }
.LBB2_1:
0x10: {  	[spmem:s10], [sflag:s6] =	dma.local [hbm:s2], $0x2800  }
0x11: {  	_ =	swait.ge [sflag:s11], $0x2800  }
0x12: {  	[sflag:s11] =	ssyncset.done $0x0  }
0x13: {  	[sflag:s11] =	ssyncadd.s32 $0xFFFFD800  }
0x14: {  	[tilespmem:s12], [sflag:$0x1] =	stream.linear.gather [hbm4b:s0+s5], $0x3800, $0x38;
	[tilespmem:$0x17880] =	vst v63  }
0x15: {  	_ =	swait.ge [sflag:s11], $0x3800  }
0x16: {  	[sflag:s11] =	ssyncset.done $0x0  }
0x17: {  	[sflag:s11] =	ssyncadd.s32 $0xFFFFC800  }
0x18: {  	s15 =	sadd.s32 $0x0, s9;
	[bflag:$0x0] =	sbarrier.arrive $0xFFFF  }
0x19: {  	[tilespmem:s5], [sflag:$0x1] =	stream.linear.gather [hbm4b:s15+s5], $0x70, $0x38;
	[tilespmem:$0x17880] =	vst v63  }
0x1a: {  	_ =	swait.ge [sflag:s11], $0x70  }
0x1b: {  	[sflag:s11] =	ssyncset.done $0x0  }
0x1c: {  	[sflag:s11] =	ssyncadd.s32 $0xFFFFFF90  }
0x1d: {  	[spmem:s4] =	stream.indirect.scatter.add.f32 [tilespmem:s12], [sflag:$0x1], $0x80, s5, s13, $0xb8;
	[tilespmem:$0x17880] =	vst v63  }
0x1e: {  	_ =	swait.ge [sflag:s11], $0x3800  }
0x1f: {  	s16 =	simm.s32 $0x1C;
	s15 =	simm.s32 $0xE;
	[sflag:s11] =	ssyncset.done $0x0  }
.LBB2_2:
0x20: {  	s17 =	sadd.s32 s15, s9  }
0x21: {  	[sflag:s11] =	ssyncadd.s32 $0xFFFFC800;
	s15 =	smov.u32 s16;
	s18 =	sadd.s32 $0xE, s16  }
0x22: {  	[tilespmem:s5], [sflag:$0x1] =	stream.linear.gather [hbm4b:s17+s5], $0x70, $0x38;
	[tilespmem:$0x17880] =	vst v63  }
0x23: {  	p0 =	sne.s32 s16, $0x4DE;
	_ =	swait.ge [sflag:s11], $0x70  }
.Ltmp0:
0x24: {  	[sflag:s11] =	ssyncset.done $0x0;
	(pc) =	sbr.rel @p0 .LBB2_2-.Ltmp0, $4  }
0x25: {  	[sflag:s11] =	ssyncadd.s32 $0xFFFFFF90  }
0x26: {  	[spmem:s4] =	stream.indirect.scatter.add.f32 [tilespmem:s12], [sflag:$0x1], $0x80, s5, s13, $0xb8;
	[tilespmem:$0x17880] =	vst v63  }
0x27: {  	_ =	swait.ge [sflag:s11], $0x3800  }
0x28: {  	s16 =	smov.u32 s18;
	[sflag:s11] =	ssyncset.done $0x0  }
0x29: {  	s15 =	sadd.s32 s15, s9;
	[sflag:s11] =	ssyncadd.s32 $0xFFFFC800  }
0x2a: {  	[tilespmem:s5], [sflag:$0x1] =	stream.linear.gather [hbm4b:s15+s5], $0x70, $0x38;
	[tilespmem:$0x17880] =	vst v63  }
0x2b: {  	_ =	swait.ge [sflag:s11], $0x70  }
0x2c: {  	[sflag:s11] =	ssyncset.done $0x0  }
0x2d: {  	[sflag:s11] =	ssyncadd.s32 $0xFFFFFF90  }
0x2e: {  	[spmem:s4] =	stream.indirect.scatter.add.f32 [tilespmem:s12], [sflag:$0x1], $0x80, s5, s13, $0xb8;
	[tilespmem:$0x17880] =	vst v63  }
0x2f: {  	_ =	swait.ge [sflag:s11], $0x3800  }
0x30: {  	s14 =	sadd.s32 $0x1, s14;
	[sflag:s11] =	ssyncset.done $0x0  }
0x31: {  	p0 =	sne.s32 s14, s8;
	[sflag:s11] =	ssyncadd.s32 $0xFFFFC800  }
.Ltmp1:
0x32: {  	[bflag:$0x0] =	sbarrier.arrive $0xFFFF;
	(pc) =	sbr.rel @p0 .LBB2_1-.Ltmp1, $4  }
0x33: {  	[hbm:s7], [sflag:s6] =	dma.local [spmem:s10], $0x2800  }
0x34: {  	_ =	swait.ge [sflag:s11], $0x2800  }
0x35: {  	[sflag:s11] =	ssyncset.done $0x0  }
0x36: {  	[sflag:s11] =	ssyncadd.s32 $0xFFFFD800  }
0x37: {  	_ =	sfence.sel $0x180000  }
0x38: {  	[bflag:$0x0] =	sbarrier.arrive $0xFFFF  }
0x39: {  	p0 =	sne.s32 s1, $0x0;
	_ =	strace $0x90000047  }
0x3a: {  	s0 =	sadd.s32 @!p0 $0x100000, s3;
	[bflag:$0x2] =	sbarrier.arrive $0xFFFF  }
0x3b: {  	[sflag:s0] =	ssyncadd.tile.s32 @!p0 $0x1;
	_ =	shalt  }
.Lfunc_end2:
_tile_overlayer_lowered:
.L_overlay_start_2:
0x3c: {  	(tag) =	ssettag $0x2  }
0x3d: {  	s0 =	rddreg [dreg:$0x0];
	s2 =	stileid.u32  }
0x3e: {  	s1 =	rddreg [dreg:$0x1];
	p0 =	sne.s32 s2, $0x0  }
0x3f: {  	s3 =	rddreg [dreg:$0x2];
	[bflag:$0x3] =	sbarrier.arrive $0xFFFF;
	s2 =	simm.s32 @!p0 $0x1C01  }
0x40: {  	[timem:s3], [sflag:s2] =	dma.local @!p0 [hbm:s0], s1  }
0x41: {  	s0 =	simm.s32 @!p0 $0x1  }
0x42: {  	_ =	swait.ge @!p0 [sflag:s0], s1  }
0x43: {  	s1 =	ssub.s32 @!p0 $0x0, s1;
	[sflag:s0] =	ssyncset.done @!p0 $0x0  }
0x44: {  	[sflag:s0] =	ssyncadd.s32 @!p0 s1  }
0x45: {  	[bflag:$0x3] =	sbarrier.arrive $0xFFFF  }
0x46: {  	_ =	shalt  }

// kernel: kernel.16.cloned.1.call-start
scs
__scs_entry_jumppad:
0x0: {  	(pc) =	sbr.rel $0x88, $3  }
0x1: {  	(tag) =	ssettag $0x0;
	lr =	simm.s32 $0x1  }
0x2: {  	[smem:$0x3F91] =	sst lr;
	_ =	strace $0xD0000000  }
0x3: {  	_ = 	snop  }
0x4: {  	_ = 	snop  }
0x5: {  	_ = 	snop  }
0x6: {  	_ = 	snop  }
0x7: {  	_ = 	snop  }
__scs_overlays_trampoline_lowered:
0x8: {  	[smem:$0x3FA0] =	sst s0  }
0x9: {  	[smem:$0x3FA1] =	sst s1  }
0xa: {  	[smem:$0x3FA2] =	sst s2  }
0xb: {  	[smem:$0x3FA3] =	sst s3  }
0xc: {  	[smem:$0x3FA4] =	sst s4  }
0xd: {  	[smem:$0x3FA5] =	sst s5  }
0xe: {  	[smem:$0x3FA6] =	sst s6  }
0xf: {  	[smem:$0x3FA7] =	sst s7  }
0x10: {  	[smem:$0x3FA8] =	sst s8  }
0x11: {  	[smem:$0x3FA9] =	sst s9;
	s0 =	simm.s32 @!p0 $0x0  }
0x12: {  	s1 =	sld [smem:$0x3F8F];
	s0 =	simm.s32 @p0 $0x1  }
0x13: {  	[smem:$0x3FAA] =	sst s0;
	s0 =	simm.s32 @!p1 $0x0  }
0x14: {  	s2 =	sld [smem:$0x3F8E];
	s0 =	simm.s32 @p1 $0x1  }
0x15: {  	[smem:$0x3FAB] =	sst s0;
	s0 =	simm.s32 @!p2 $0x0  }
0x16: {  	s3 =	sld [smem:$0x3FDB];
	s0 =	simm.s32 @p2 $0x1  }
0x17: {  	s4 =	simm.s32 $0x1BF5;
	[smem:$0x3FAD] =	sst s0  }
0x18: {  	s0 =	sld [smem:$0x3F90];
	_ =	swait.ge [sflag:s4], $0x0  }
0x19: {  	s7 =	sld [smem:$0x3F91]  }
0x1a: {  	s8 =	sadd.s32 $0xFFFFE003, lr  }
0x1b: {  	s9 =	sadd.s32 $0xFFFFFEF7, lr;
	s5 =	simm.s32 $0xFFFFFFFF;
	p2 =	slt.u32 s8, $0xFFFFF086  }
0x1c: {  	p1 =	slt.u32 s9, $0xF7A;
	s5 =	simm.s32 @!p2 $0x0  }
0x1d: {  	s5 =	simm.s32 @p1 $0x1;
	p0 =	seq.s32 s7, s2  }
0x1e: {  	s7 =	smul.u32 @!p0 $0xF7A, s2;
	p2 =	seq.s32 @!p0 s5, $0x0  }
0x1f: {  	s9 =	smul.u32 $0xF7A, s1;
	s8 =	simm.s32 @!p0 $0x1BF5;
	p2 =	por !p2, p0  }
0x20: {  	[sflag:s8] =	ssyncset.s32 @!p0 $0xFFFFF086;
	s6 =	sadd.s32 @!p0 s3, s7;
	s7 =	simm.s32 @!p0 $0x108  }
0x21: {  	s3 =	sadd.s32 s3, s9;
	s6 =	sadd.s32 @!p0 $0x88, s6;
	s7 =	simm.s32 @p2 $0x1082  }
0x22: {  	[simem:s7], [sflag:s8] =	dma.local @!p0 [hbm:s6], $0xF7A  }
0x23: {  	s9 =	sor.u32 $0xD0000000, s2;
	s6 =	simm.s32 $0x108;
	_ =	swait.ge @!p0 [sflag:s8], $0x0  }
0x24: {  	s3 =	sadd.s32 $0x88, s3;
	s6 =	simm.s32 @!p1 $0x1082;
	[sflag:s4] =	ssyncset.s32 $0xFFFFF086  }
0x25: {  	[simem:s6], [sflag:s4] =	dma.local [hbm:s3], $0xF7A  }
0x26: {  	[smem:$0x3F91] =	sst s1;
	(tag) =	ssettag s2;
	_ =	strace s9  }
0x27: {  	s1 =	sld [smem:$0x3FA1]  }
0x28: {  	s2 =	sld [smem:$0x3FA2]  }
0x29: {  	s4 =	sld [smem:$0x3FA4]  }
0x2a: {  	p0 =	seq.s32 s5, $0x0;
	s5 =	sld [smem:$0x3FA5]  }
0x2b: {  	s6 =	sld [smem:$0x3FA6]  }
0x2c: {  	s7 =	sld [smem:$0x3FA7]  }
0x2d: {  	s3 =	simm.s32 $0x108;
	s8 =	sld [smem:$0x3FA8]  }
0x2e: {  	s3 =	simm.s32 @!p0 $0x1082;
	s9 =	sld [smem:$0x3FA9]  }
0x2f: {  	lr =	sadd.s32 s0, s3;
	s0 =	sld [smem:$0x3FA0]  }
0x30: {  	s3 =	sld [smem:$0x3FA3]  }
0x31: {  	[smem:$0x3FAC] =	sst s10  }
0x32: {  	s10 =	sld [smem:$0x3FAA];
	_ =	sdelay $0x3  }
0x33: {  	p0 =	seq.s32 s10, $0x1;
	s10 =	sld [smem:$0x3FAC];
	_ =	sdelay $0x3  }
0x34: {  	[smem:$0x3FAC] =	sst s10  }
0x35: {  	s10 =	sld [smem:$0x3FAB];
	_ =	sdelay $0x3  }
0x36: {  	p1 =	seq.s32 s10, $0x1;
	s10 =	sld [smem:$0x3FAC];
	_ =	sdelay $0x3  }
0x37: {  	[smem:$0x3FAC] =	sst s10  }
0x38: {  	s10 =	sld [smem:$0x3FAD]  }
0x39: {  	_ = 	snop;
	(pc) =	sbr.ind lr, $3  }
0x3a: {  	_ = 	snop  }
0x3b: {  	_ = 	snop  }
0x3c: {  	p2 =	seq.s32 s10, $0x1;
	s10 =	sld [smem:$0x3FAC]  }
0x3d: {  	_ =	shalt  }
0x3e: {  	_ =	shalt  }
0x3f: {  	_ =	shalt  }
0x40: {  	_ =	shalt  }
0x41: {  	_ =	shalt  }
0x42: {  	_ =	shalt  }
0x43: {  	_ =	shalt  }
0x44: {  	_ =	shalt  }
0x45: {  	_ =	shalt  }
0x46: {  	_ =	shalt  }
0x47: {  	_ =	shalt  }
0x48: {  	_ =	shalt  }
0x49: {  	_ =	shalt  }
0x4a: {  	_ =	shalt  }
0x4b: {  	_ =	shalt  }
0x4c: {  	_ =	shalt  }
0x4d: {  	_ =	shalt  }
0x4e: {  	_ =	shalt  }
0x4f: {  	_ =	shalt  }
0x50: {  	_ =	shalt  }
0x51: {  	_ =	shalt  }
0x52: {  	_ =	shalt  }
0x53: {  	_ =	shalt  }
0x54: {  	_ =	shalt  }
0x55: {  	_ =	shalt  }
0x56: {  	_ =	shalt  }
0x57: {  	_ =	shalt  }
0x58: {  	_ =	shalt  }
0x59: {  	_ =	shalt  }
0x5a: {  	_ =	shalt  }
0x5b: {  	_ =	shalt  }
0x5c: {  	_ =	shalt  }
0x5d: {  	_ =	shalt  }
0x5e: {  	_ =	shalt  }
0x5f: {  	_ =	shalt  }
0x60: {  	_ =	shalt  }
0x61: {  	_ =	shalt  }
0x62: {  	_ =	shalt  }
0x63: {  	_ =	shalt  }
0x64: {  	_ =	shalt  }
0x65: {  	_ =	shalt  }
0x66: {  	_ =	shalt  }
0x67: {  	_ =	shalt  }
0x68: {  	_ =	shalt  }
0x69: {  	_ =	shalt  }
0x6a: {  	_ =	shalt  }
0x6b: {  	_ =	shalt  }
0x6c: {  	_ =	shalt  }
0x6d: {  	_ =	shalt  }
0x6e: {  	_ =	shalt  }
0x6f: {  	_ =	shalt  }
0x70: {  	_ =	shalt  }
0x71: {  	_ =	shalt  }
0x72: {  	_ =	shalt  }
0x73: {  	_ =	shalt  }
0x74: {  	_ =	shalt  }
0x75: {  	_ =	shalt  }
0x76: {  	_ =	shalt  }
0x77: {  	_ =	shalt  }
0x78: {  	_ =	shalt  }
0x79: {  	_ =	shalt  }
0x7a: {  	_ =	shalt  }
0x7b: {  	_ =	shalt  }
0x7c: {  	_ =	shalt  }
0x7d: {  	_ =	shalt  }
0x7e: {  	_ =	shalt  }
0x7f: {  	_ =	shalt  }
0x80: {  	_ =	shalt  }
0x81: {  	_ =	shalt  }
0x82: {  	_ =	shalt  }
0x83: {  	_ =	shalt  }
0x84: {  	_ =	shalt  }
0x85: {  	_ =	shalt  }
0x86: {  	_ =	shalt  }
0x87: {  	_ =	shalt  }
.Lfunc_end0:
.L_simem_size_0:
called_computation.1_lowered:
.L_overlay_start_0:
0x88: {  	s2 =	sld [smem:$0x3FD9]  }
0x89: {  	s3 =	sld [smem:$0x3FFE];
	_ =	sdelay $0x1  }
0x8a: {  	s1 =	srdreg.scid  }
0x8b: {  	s0 =	sand.u32 $0x1, s1  }
0x8c: {  	s14 =	sshll.u32 s0, $0xA;
	s2 =	sadd.s32 s3, s2  }
0x8d: {  	s2 =	sadd.s32 s2, s14  }
0x8e: {  	[smem:$0x3FB8] =	sst s2  }
0x8f: {  	_ = 	snop  }
0x90: {  	s2 =	sld [smem:$0x3FD0];
	_ =	sdelay $0x2  }
0x91: {  	s15 =	simm.s32 $0xA;
	s4 =	simm.s32 $0x10  }
0x92: {  	[smem:s4], [sflag:s15] =	dma.local [hbm:s2], $0x1  }
0x93: {  	_ =	swait.eq [sflag:s15], $0x1  }
0x94: {  	s16 =	sld [smem:$0x11]  }
0x95: {  	s17 =	sld [smem:$0x12];
	[sflag:s15] =	ssyncset.done $0x0  }
0x96: {  	s5 =	sld [smem:$0x13];
	[sflag:s15] =	ssyncadd.s32 $0xFFFFFFFF  }
0x97: {  	s18 =	sld [smem:$0x15];
	(tm) =	ssettm $0x1  }
0x98: {  	s6 =	sld [smem:$0x3FFB];
	_ =	sdelay $0x3  }
0x99: {  	_ =	strace s6  }
0x9a: {  	s6 =	sld [smem:$0x3FFC];
	_ =	sdelay $0x3  }
0x9b: {  	_ =	strace s6  }
0x9c: {  	s6 =	sld [smem:$0x3FFD];
	_ =	sdelay $0x3  }
0x9d: {  	_ =	strace s6  }
0x9e: {  	_ =	strace $0x8FFFFFFF  }
0x9f: {  	s19 =	sld [smem:$0x3FDB];
	_ =	sdelay $0x1  }
0xa0: {  	s7 =	simm.s32 $_scs_section_size  }
0xa1: {  	s8 =	simm.s32 $_size__tile_overlayer_lowered;
	s9 =	simm.s32 $_tile_overlayer_lowered  }
0xa2: {  	s22 =	simm.s32 $0x1BFF;
	s21 =	sshll.u32 s9, $0x1;
	s6 =	sadd.s32 s7, s19  }
0xa3: {  	s10 =	simm.s32 $0x0;
	s20 =	sshll.u32 s8, $0x1;
	s8 =	sadd.s32 s21, s6  }
0xa4: {  	[timem:s10], [sflag:s22] =	dma.local [hbm:s8], s20  }
0xa5: {  	_ =	swait.ge [sflag:s22], s20  }
0xa6: {  	s7 =	ssub.s32 $0x0, s20;
	[sflag:s22] =	ssyncset.done $0x0  }
0xa7: {  	[sflag:s22] =	ssyncadd.s32 s7;
	_ =	sdelay $0x1  }
0xa8: {  	s23 =	simm.s32 $0x1B8B  }
0xa9: {  	_ =	swait.ge [sflag:s23], $0x1  }
0xaa: {  	[sflag:s23] =	ssyncset.done $0x0  }
0xab: {  	s25 =	simm.s32 $0x1B8E;
	s24 =	sld [smem:$0x3FFE];
	[sflag:s23] =	ssyncadd.s32 $0xFFFFFFFF  }
0xac: {  	s26 =	simm.s32 $execute0_lowered;
	[smem:$0x3FD2] =	sst s25  }
0xad: {  	s8 =	sshll.u32 s26, $0x1;
	_ =	strace $0x80000049;
	[dreg:$0x1] =	wrdreg $0xFFFFFFFF  }
0xae: {  	s28 =	simm.s32 $_size_execute0_lowered;
	s6 =	sadd.s32 s6, s8;
	[dreg:$0x0] =	wrdreg $0x0  }
0xaf: {  	s8 =	sshll.u32 s28, $0x1;
	[dreg:$0x2] =	wrdreg s6  }
0xb0: {  	[dreg:$0x3] =	wrdreg s8  }
0xb1: {  	[dreg:$0x4] =	wrdreg $0xC0  }
0xb2: {  	_ =	task [dreg:s10], $0x5FFFF  }
0xb3: {  	[dreg:$0x1] =	wrdreg $0xFFFFFFFF  }
0xb4: {  	[dreg:$0x0] =	wrdreg $0x60  }
0xb5: {  	[dreg:$0x2] =	wrdreg s24  }
0xb6: {  	[dreg:$0x3] =	wrdreg s16  }
0xb7: {  	[dreg:$0x4] =	wrdreg s5  }
0xb8: {  	[dreg:$0x5] =	wrdreg s17  }
0xb9: {  	[dreg:$0x6] =	wrdreg s18  }
0xba: {  	[dreg:$0x7] =	wrdreg $0x72000  }
0xbb: {  	[dreg:$0x8] =	wrdreg $0x9  }
0xbc: {  	_ =	task.clear_ibuf [dreg:s10], $0x9FFFF;
	_ =	strace $0x90000049  }
0xbd: {  	s29 =	simm.s32 $0x9;
	_ =	strace $0x8000004B  }
0xbe: {  	_ =	swait.ge [sflag:s29], $0x1  }
0xbf: {  	[sflag:s29] =	ssyncadd.s32 $0xFFFFFFFF  }
0xc0: {  	_ =	strace $0x9000004B  }
0xc1: {  	_ =	sfence  }
0xc2: {  	s30 =	sld [smem:$0x0];
	_ =	sdelay $0x2  }
0xc3: {  	s31 =	sshll.u32 s1, $0xD;
	s1 =	sshrl.u32 s1, $0x2  }
0xc4: {  	s3 =	sand.u32 $0x4000, s31;
	s1 =	sadd.s32 s1, s30  }
0xc5: {  	s0 =	sor.u32 s3, s0;
	s1 =	sshll.u32 s1, $0x11  }
0xc6: {  	s0 =	sor.u32 s1, s0  }
0xc7: {  	s0 =	sadd.s32 $0x8F2B, s0  }
0xc8: {  	[sflag:s0] =	ssyncadd.remote.s32 $0x1  }
0xc9: {  	_ =	sfence.sel $0xFFFF  }
0xca: {  	[dreg:$0x0] =	wrdreg $0xFFFFFFFF;
	(pc) =	sbr.abs _section_cstart, $3  }
0xcb: {  	[dreg:$0x1] =	wrdreg $0xFFFFFFFF  }
0xcc: {  	_ =	task.clear_ibuf [dreg:s10], $0x2FFFF;
	_ =	strace $0x9FFFFFFF  }
0xcd: {  	(tm) =	ssettm $0x7FFFFFFF  }
tec
execute0_lowered:
.L_overlay_start_1:
0x0: {  	(tag) =	ssettag $0x1  }
0x1: {  	s7 =	rddreg [dreg:$0x0]  }
0x2: {  	s1 =	rddreg [dreg:$0x1]  }
0x3: {  	s2 =	rddreg [dreg:$0x2]  }
0x4: {  	s3 =	rddreg [dreg:$0x3]  }
0x5: {  	s12 =	rddreg [dreg:$0x4]  }
0x6: {  	s4 =	rddreg [dreg:$0x5]  }
0x7: {  	s0 =	rddreg [dreg:$0x6];
	s6 =	simm.s32 $0x0;
	s8 =	srdreg.scid  }
0x8: {  	s5 =	stileid.u32;
	s18 =	simm.s32 $0x100;
	s19 =	simm.s32 $0x70  }
0x9: {  	s20 =	simm.s32 $0x200;
	s21 =	simm.s32 $0x80;
	s22 =	simm.s32 $0x180  }
0xa: {  	s23 =	simm.s32 $0x3A00;
	s24 =	simm.s32 $0x1;
	s25 =	simm.s32 $0x2  }
0xb: {  	s26 =	simm.s32 $0x0;
	[smem:$0x7FF] =	sst s6;
	s10 =	smul.u32 $0x50000, s5  }
0xc: {  	s8 =	sand.u32 $0x1, s8;
	s7 =	sadd.s32 $0x4E00, s7;
	s13 =	smul.u32 $0x1A40, s5  }
0xd: {  	s31 =	sshll.u32 s5, $0x6;
	s15 =	smul.u32 $0x14000, s5;
	_ =	strace $0x8000004A  }
0xe: {  	s9 =	ssub.s32 $0x2, s8;
	p0 =	seq.s32 s8, $0x0;
	s30 =	smul.u32 $0x140000, s8  }
0xf: {  	s11 =	sshrl.u32 s9, $0x1;
	s29 =	sshrl.u32 s10, $0x2;
	s10 =	smul.u32 $0x3480, s5  }
0x10: {  	s8 =	sor.u32 $0x1C03, s31;
	s14 =	ssub.s32 s9, s11;
	s11 =	sadd.s32 $0x34800, s13  }
0x11: {  	s16 =	sadd.s32 s29, s4;
	s13 =	sadd.s32 s15, s30;
	s11 =	smov.u32 @p0 s10  }
0x12: {  	s10 =	simm.s32 $0x3C;
	s13 =	sshrl.u32 s13, $0x3;
	s16 =	sshrl.u32 s16, $0x3  }
0x13: {  	s17 =	sshrl.u32 s11, $0x3;
	s10 =	simm.s32 @!p0 $0x1E;
	s12 =	sadd.s32 s12, s13  }
0x14: {  	s13 =	smax.u32 s14, $0x1;
	s9 =	sadd.s32 s1, s17;
	s11 =	sadd.s32 s2, s17  }
0x15: {  	s14 =	sadd.s32 $0x1C, s17;
	s15 =	sadd.s32 $0xE, s17;
	s17 =	simm.s32 $0x3  }
.LBB2_1:
0x16: {  	[spmem:s16], [sflag:s8] =	dma.local [hbm:s3], $0x2800  }
0x17: {  	_ =	swait.ge [sflag:s17], $0x2800  }
0x18: {  	[sflag:s17] =	ssyncset.done $0x0  }
0x19: {  	[sflag:s17] =	ssyncadd.s32 $0xFFFFD800  }
0x1a: {  	[bflag:$0x0] =	sbarrier.arrive $0xFFFF  }
0x1b: {  	[tilespmem:s6], [sflag:$0x3] =	stream.linear.gather [hbm4b:s9+s6], $0x70, $0x38;
	[tilespmem:$0x1B200] =	vst v63  }
0x1c: {  	_ =	swait.ge [sflag:s17], $0x70  }
0x1d: {  	[sflag:s17] =	ssyncset.done $0x0  }
0x1e: {  	p1 =	sne.s32 s10, $0x1;
	[sflag:s17] =	ssyncadd.s32 $0xFFFFFF90  }
0x1f: {  	[tilespmem:s18], [sflag:$0x3] =	stream.linear.gather [hbm4b:s11+s6], $0x70, $0x38;
	[tilespmem:$0x1B200] =	vst v63  }
.Ltmp0:
0x20: {  	_ = 	snop;
	(pc) =	sbr.rel @!p1 .LBB2_5-.Ltmp0, $4  }
0x21: {  	_ =	swait.ge [sflag:s17], $0x70  }
0x22: {  	s30 =	sadd.s32 $0xFFFFFFFF, s10;
	p0 =	por $0x0, $0x0;
	[sflag:s17] =	ssyncset.done $0x0  }
0x23: {  	s28 =	smov.u32 s1;
	s29 =	smov.u32 s2;
	[sflag:s17] =	ssyncadd.s32 $0xFFFFFF90  }
0x24: {  	[tilespmem:s20], [sflag:$0x1] =	stream.indirect.gather [hbm4b:s7+s19], $0x80, s6, s19, $0xb8;
	[tilespmem:$0x1B200] =	vst v63  }
0x25: {  	s28 =	sadd.s32 s1, s15  }
0x26: {  	[tilespmem:s21], [sflag:$0x3] =	stream.linear.gather [hbm4b:s28+s6], $0x70, $0x38;
	[tilespmem:$0x1B200] =	vst v63  }
0x27: {  	_ =	swait.ge [sflag:s17], $0x70  }
0x28: {  	[sflag:s17] =	ssyncset.done $0x0  }
0x29: {  	s28 =	sadd.s32 s2, s15;
	[sflag:s17] =	ssyncadd.s32 $0xFFFFFF90  }
0x2a: {  	[tilespmem:s22], [sflag:$0x3] =	stream.linear.gather [hbm4b:s28+s6], $0x70, $0x38;
	[tilespmem:$0x1B200] =	vst v63  }
0x2b: {  	_ =	swait.ge [sflag:s17], $0x70  }
0x2c: {  	[sflag:s17] =	ssyncset.done $0x0  }
0x2d: {  	[sflag:s17] =	ssyncadd.s32 $0xFFFFFF90  }
0x2e: {  	[tilespmem:s23], [sflag:$0x2] =	stream.indirect.gather [hbm4b:s7+s19], $0x80, s21, s19, $0xb8;
	[tilespmem:$0x1B200] =	vst v63  }
0x2f: {  	_ =	swait.ge [sflag:s24], $0x3800  }
0x30: {  	[sflag:s24] =	ssyncset.done $0x0  }
0x31: {  	[sflag:s24] =	ssyncadd.s32 $0xFFFFC800  }
0x32: {  	[spmem:s4] =	stream.indirect.scatter.add.f32 [tilespmem:s20], [sflag:$0x3], $0x80, s18, s19, $0xb8;
	[tilespmem:$0x1B200] =	vst v63  }
0x33: {  	_ =	swait.ge [sflag:s17], $0x3800  }
0x34: {  	[sflag:s17] =	ssyncset.done $0x0  }
0x35: {  	s28 =	sadd.s32 s1, s14;
	[sflag:s17] =	ssyncadd.s32 $0xFFFFC800  }
0x36: {  	[tilespmem:s6], [sflag:$0x3] =	stream.linear.gather [hbm4b:s28+s6], $0x70, $0x38;
	[tilespmem:$0x1B200] =	vst v63  }
0x37: {  	_ =	swait.ge [sflag:s17], $0x70  }
0x38: {  	[sflag:s17] =	ssyncset.done $0x0  }
0x39: {  	s28 =	sadd.s32 s2, s14;
	[sflag:s17] =	ssyncadd.s32 $0xFFFFFF90  }
0x3a: {  	[tilespmem:s18], [sflag:$0x3] =	stream.linear.gather [hbm4b:s28+s6], $0x70, $0x38;
	[tilespmem:$0x1B200] =	vst v63  }
0x3b: {  	_ =	swait.ge [sflag:s17], $0x70  }
0x3c: {  	[sflag:s17] =	ssyncset.done $0x0  }
0x3d: {  	[sflag:s17] =	ssyncadd.s32 $0xFFFFFF90  }
0x3e: {  	[tilespmem:s20], [sflag:$0x1] =	stream.indirect.gather [hbm4b:s7+s19], $0x80, s6, s19, $0xb8;
	[tilespmem:$0x1B200] =	vst v63  }
0x3f: {  	p1 =	sne.s32 s30, $0x1;
	_ =	swait.ge [sflag:s25], $0x3800  }
.Ltmp1:
0x40: {  	[sflag:s25] =	ssyncset.done $0x0;
	(pc) =	sbr.rel @!p1 .LBB2_3-.Ltmp1, $4  }
0x41: {  	[sflag:s25] =	ssyncadd.s32 $0xFFFFC800  }
0x42: {  	[spmem:s4] =	stream.indirect.scatter.add.f32 [tilespmem:s23], [sflag:$0x3], $0x80, s22, s19, $0xb8;
	[tilespmem:$0x1B200] =	vst v63  }
0x43: {  	s30 =	sadd.s32 $0xFFFFFFFF, s30;
	p0 =	por $0x1, $0x1;
	_ =	swait.ge [sflag:s17], $0x3800  }
0x44: {  	s29 =	smov.u32 s2;
	s28 =	sadd.s32 $0x1C, s1;
	[sflag:s17] =	ssyncset.done $0x0  }
.LBB2_4:
0x45: {  	s31 =	sadd.s32 s28, s15;
	[sflag:s17] =	ssyncadd.s32 $0xFFFFC800;
	s29 =	sadd.s32 $0x1C, s29  }
0x46: {  	[tilespmem:s21], [sflag:$0x3] =	stream.linear.gather [hbm4b:s31+s6], $0x70, $0x38;
	[tilespmem:$0x1B200] =	vst v63  }
0x47: {  	p1 =	sne.s32 s30, $0x1;
	s30 =	sadd.s32 $0xFFFFFFFF, s30;
	_ =	swait.ge [sflag:s17], $0x70  }
0x48: {  	[sflag:s17] =	ssyncset.done $0x0  }
0x49: {  	s31 =	sadd.s32 s29, s15;
	[sflag:s17] =	ssyncadd.s32 $0xFFFFFF90  }
0x4a: {  	[tilespmem:s22], [sflag:$0x3] =	stream.linear.gather [hbm4b:s31+s6], $0x70, $0x38;
	[tilespmem:$0x1B200] =	vst v63  }
0x4b: {  	_ =	swait.ge [sflag:s17], $0x70  }
0x4c: {  	[sflag:s17] =	ssyncset.done $0x0  }
0x4d: {  	[sflag:s17] =	ssyncadd.s32 $0xFFFFFF90  }
0x4e: {  	[tilespmem:s23], [sflag:$0x2] =	stream.indirect.gather [hbm4b:s7+s19], $0x80, s21, s19, $0xb8;
	[tilespmem:$0x1B200] =	vst v63  }
0x4f: {  	_ =	swait.ge [sflag:s24], $0x3800  }
0x50: {  	[sflag:s24] =	ssyncset.done $0x0  }
0x51: {  	[sflag:s24] =	ssyncadd.s32 $0xFFFFC800  }
0x52: {  	[spmem:s4] =	stream.indirect.scatter.add.f32 [tilespmem:s20], [sflag:$0x3], $0x80, s18, s19, $0xb8;
	[tilespmem:$0x1B200] =	vst v63  }
0x53: {  	_ =	swait.ge [sflag:s17], $0x3800  }
0x54: {  	[sflag:s17] =	ssyncset.done $0x0  }
0x55: {  	s31 =	sadd.s32 s28, s14;
	[sflag:s17] =	ssyncadd.s32 $0xFFFFC800  }
0x56: {  	[tilespmem:s6], [sflag:$0x3] =	stream.linear.gather [hbm4b:s31+s6], $0x70, $0x38;
	[tilespmem:$0x1B200] =	vst v63  }
0x57: {  	_ =	swait.ge [sflag:s17], $0x70  }
0x58: {  	[sflag:s17] =	ssyncset.done $0x0  }
0x59: {  	s31 =	sadd.s32 s29, s14;
	[sflag:s17] =	ssyncadd.s32 $0xFFFFFF90  }
0x5a: {  	[tilespmem:s18], [sflag:$0x3] =	stream.linear.gather [hbm4b:s31+s6], $0x70, $0x38;
	[tilespmem:$0x1B200] =	vst v63  }
0x5b: {  	_ =	swait.ge [sflag:s17], $0x70  }
0x5c: {  	[sflag:s17] =	ssyncset.done $0x0  }
0x5d: {  	[sflag:s17] =	ssyncadd.s32 $0xFFFFFF90  }
0x5e: {  	[tilespmem:s20], [sflag:$0x1] =	stream.indirect.gather [hbm4b:s7+s19], $0x80, s6, s19, $0xb8;
	[tilespmem:$0x1B200] =	vst v63  }
0x5f: {  	_ =	swait.ge [sflag:s25], $0x3800  }
.Ltmp2:
0x60: {  	[sflag:s25] =	ssyncset.done $0x0;
	(pc) =	sbr.rel @p1 .LBB2_4-.Ltmp2, $4  }
0x61: {  	[sflag:s25] =	ssyncadd.s32 $0xFFFFC800  }
0x62: {  	[spmem:s4] =	stream.indirect.scatter.add.f32 [tilespmem:s23], [sflag:$0x3], $0x80, s22, s19, $0xb8;
	[tilespmem:$0x1B200] =	vst v63  }
0x63: {  	_ =	swait.ge [sflag:s17], $0x3800  }
0x64: {  	s28 =	sadd.s32 $0x1C, s28;
	[sflag:s17] =	ssyncset.done $0x0  }
.LBB2_5:
0x65: {  	s30 =	sadd.s32 s28, s15;
	[sflag:s17] =	ssyncadd.s32 @p0 $0xFFFFC800  }
0x66: {  	[tilespmem:s21], [sflag:$0x3] =	stream.linear.gather [hbm4b:s30+s6], $0x70, $0x38;
	[tilespmem:$0x1B200] =	vst v63  }
0x67: {  	s29 =	sadd.s32 @p0 $0x1C, s29;
	s30 =	smov.u32 s2;
	_ =	swait.ge [sflag:s17], $0x70  }
0x68: {  	s30 =	smov.u32 @p0 s29;
	[sflag:s17] =	ssyncset.done $0x0  }
0x69: {  	s29 =	sadd.s32 s30, s15;
	[sflag:s17] =	ssyncadd.s32 $0xFFFFFF90  }
0x6a: {  	[tilespmem:s22], [sflag:$0x3] =	stream.linear.gather [hbm4b:s29+s6], $0x70, $0x38;
	[tilespmem:$0x1B200] =	vst v63  }
0x6b: {  	_ =	swait.ge [sflag:s17], $0x70  }
0x6c: {  	[sflag:s17] =	ssyncset.done $0x0  }
0x6d: {  	[sflag:s17] =	ssyncadd.s32 $0xFFFFFF90  }
0x6e: {  	[tilespmem:s23], [sflag:$0x2] =	stream.indirect.gather [hbm4b:s7+s19], $0x80, s21, s19, $0xb8;
	[tilespmem:$0x1B200] =	vst v63  }
0x6f: {  	_ =	swait.ge [sflag:s24], $0x3800  }
0x70: {  	[sflag:s24] =	ssyncset.done $0x0  }
0x71: {  	[sflag:s24] =	ssyncadd.s32 $0xFFFFC800  }
0x72: {  	[spmem:s4] =	stream.indirect.scatter.add.f32 [tilespmem:s20], [sflag:$0x3], $0x80, s18, s19, $0xb8;
	[tilespmem:$0x1B200] =	vst v63  }
0x73: {  	_ =	swait.ge [sflag:s17], $0x3800  }
0x74: {  	[sflag:s17] =	ssyncset.done $0x0  }
0x75: {  	s29 =	sadd.s32 s28, s14;
	[sflag:s17] =	ssyncadd.s32 $0xFFFFC800  }
0x76: {  	[tilespmem:s6], [sflag:$0x3] =	stream.linear.gather [hbm4b:s29+s6], $0x70, $0x38;
	[tilespmem:$0x1B200] =	vst v63  }
0x77: {  	_ =	swait.ge [sflag:s17], $0x70  }
0x78: {  	[sflag:s17] =	ssyncset.done $0x0  }
0x79: {  	s31 =	sadd.s32 s30, s14;
	[sflag:s17] =	ssyncadd.s32 $0xFFFFFF90  }
0x7a: {  	[tilespmem:s18], [sflag:$0x3] =	stream.linear.gather [hbm4b:s31+s6], $0x70, $0x38;
	[tilespmem:$0x1B200] =	vst v63  }
0x7b: {  	_ =	swait.ge [sflag:s17], $0x70  }
0x7c: {  	[sflag:s17] =	ssyncset.done $0x0  }
0x7d: {  	[sflag:s17] =	ssyncadd.s32 $0xFFFFFF90  }
0x7e: {  	[tilespmem:s20], [sflag:$0x1] =	stream.indirect.gather [hbm4b:s7+s19], $0x80, s6, s19, $0xb8;
	[tilespmem:$0x1B200] =	vst v63  }
0x7f: {  	_ =	swait.ge [sflag:s25], $0x3800  }
0x80: {  	[sflag:s25] =	ssyncset.done $0x0  }
0x81: {  	[sflag:s25] =	ssyncadd.s32 $0xFFFFC800  }
0x82: {  	[spmem:s4] =	stream.indirect.scatter.add.f32 [tilespmem:s23], [sflag:$0x3], $0x80, s22, s19, $0xb8;
	[tilespmem:$0x1B200] =	vst v63  }
0x83: {  	_ =	swait.ge [sflag:s17], $0x3800  }
0x84: {  	[sflag:s17] =	ssyncset.done $0x0  }
0x85: {  	[sflag:s17] =	ssyncadd.s32 $0xFFFFC800  }
0x86: {  	_ =	swait.ge [sflag:s24], $0x3800  }
0x87: {  	[sflag:s24] =	ssyncset.done $0x0  }
0x88: {  	s26 =	sadd.s32 $0x1, s26;
	[sflag:s24] =	ssyncadd.s32 $0xFFFFC800  }
0x89: {  	p0 =	sne.s32 s26, s13;
	[bflag:$0x0] =	sbarrier.arrive $0xFFFF  }
0x8a: {  	[hbm:s12], [sflag:s8] =	dma.local [spmem:s16], $0x2800  }
.Ltmp3:
0x8b: {  	_ = 	snop;
	(pc) =	sbr.rel @p0 .LBB2_1-.Ltmp3, $4  }
.Ltmp4:
0x8c: {  	_ = 	snop;
	(pc) =	sbr.rel @!p0 .LBB2_6-.Ltmp4, $4  }
0x8d: {  	_ =	swait.ge [sflag:s17], $0x2800  }
0x8e: {  	[sflag:s17] =	ssyncset.done $0x0  }
0x8f: {  	[sflag:s17] =	ssyncadd.s32 $0xFFFFD800  }
0x90: {  	_ = 	snop  }
.LBB2_3:
.Ltmp5:
0x91: {  	(pc) =	sbr.rel .LBB2_5-.Ltmp5, $2  }
0x92: {  	_ =	sdelay $0x2  }
0x93: {  	s29 =	smov.u32 s2  }
.LBB2_6:
0x94: {  	_ =	sfence.sel $0x180000  }
0x95: {  	[bflag:$0x0] =	sbarrier.arrive $0xFFFF  }
0x96: {  	p0 =	sne.s32 s5, $0x0;
	_ =	strace $0x9000004A  }
0x97: {  	s0 =	sadd.s32 @!p0 $0x100000, s0;
	[bflag:$0x2] =	sbarrier.arrive $0xFFFF  }
0x98: {  	[sflag:s0] =	ssyncadd.tile.s32 @!p0 $0x1;
	_ =	shalt  }
.Lfunc_end2:
_tile_overlayer_lowered:
.L_overlay_start_2:
0x99: {  	(tag) =	ssettag $0x2  }
0x9a: {  	s0 =	rddreg [dreg:$0x0];
	s2 =	stileid.u32  }
0x9b: {  	s1 =	rddreg [dreg:$0x1];
	p0 =	sne.s32 s2, $0x0  }
0x9c: {  	s3 =	rddreg [dreg:$0x2];
	[bflag:$0x3] =	sbarrier.arrive $0xFFFF;
	s2 =	simm.s32 @!p0 $0x1C03  }
0x9d: {  	[timem:s3], [sflag:s2] =	dma.local @!p0 [hbm:s0], s1  }
0x9e: {  	s0 =	simm.s32 @!p0 $0x3  }
0x9f: {  	_ =	swait.ge @!p0 [sflag:s0], s1  }
0xa0: {  	s1 =	ssub.s32 @!p0 $0x0, s1;
	[sflag:s0] =	ssyncset.done @!p0 $0x0  }
0xa1: {  	[sflag:s0] =	ssyncadd.s32 @!p0 s1  }
0xa2: {  	[bflag:$0x3] =	sbarrier.arrive $0xFFFF  }
0xa3: {  	_ =	shalt  }

// kernel: kernel.19.cloned.1.call-start
scs
__scs_entry_jumppad:
0x0: {  	(pc) =	sbr.rel $0x88, $3  }
0x1: {  	(tag) =	ssettag $0x0;
	lr =	simm.s32 $0x1  }
0x2: {  	[smem:$0x3F91] =	sst lr;
	_ =	strace $0xD0000000  }
0x3: {  	_ = 	snop  }
0x4: {  	_ = 	snop  }
0x5: {  	_ = 	snop  }
0x6: {  	_ = 	snop  }
0x7: {  	_ = 	snop  }
__scs_overlays_trampoline_lowered:
0x8: {  	[smem:$0x3FA0] =	sst s0  }
0x9: {  	[smem:$0x3FA1] =	sst s1  }
0xa: {  	[smem:$0x3FA2] =	sst s2  }
0xb: {  	[smem:$0x3FA3] =	sst s3  }
0xc: {  	[smem:$0x3FA4] =	sst s4  }
0xd: {  	[smem:$0x3FA5] =	sst s5  }
0xe: {  	[smem:$0x3FA6] =	sst s6  }
0xf: {  	[smem:$0x3FA7] =	sst s7  }
0x10: {  	[smem:$0x3FA8] =	sst s8  }
0x11: {  	[smem:$0x3FA9] =	sst s9;
	s0 =	simm.s32 @!p0 $0x0  }
0x12: {  	s1 =	sld [smem:$0x3F8F];
	s0 =	simm.s32 @p0 $0x1  }
0x13: {  	[smem:$0x3FAA] =	sst s0;
	s0 =	simm.s32 @!p1 $0x0  }
0x14: {  	s2 =	sld [smem:$0x3F8E];
	s0 =	simm.s32 @p1 $0x1  }
0x15: {  	[smem:$0x3FAB] =	sst s0;
	s0 =	simm.s32 @!p2 $0x0  }
0x16: {  	s3 =	sld [smem:$0x3FDB];
	s0 =	simm.s32 @p2 $0x1  }
0x17: {  	s4 =	simm.s32 $0x1BF5;
	[smem:$0x3FAD] =	sst s0  }
0x18: {  	s0 =	sld [smem:$0x3F90];
	_ =	swait.ge [sflag:s4], $0x0  }
0x19: {  	s7 =	sld [smem:$0x3F91]  }
0x1a: {  	s8 =	sadd.s32 $0xFFFFE003, lr  }
0x1b: {  	s9 =	sadd.s32 $0xFFFFFEF7, lr;
	s5 =	simm.s32 $0xFFFFFFFF;
	p2 =	slt.u32 s8, $0xFFFFF086  }
0x1c: {  	p1 =	slt.u32 s9, $0xF7A;
	s5 =	simm.s32 @!p2 $0x0  }
0x1d: {  	s5 =	simm.s32 @p1 $0x1;
	p0 =	seq.s32 s7, s2  }
0x1e: {  	s7 =	smul.u32 @!p0 $0xF7A, s2;
	p2 =	seq.s32 @!p0 s5, $0x0  }
0x1f: {  	s9 =	smul.u32 $0xF7A, s1;
	s8 =	simm.s32 @!p0 $0x1BF5;
	p2 =	por !p2, p0  }
0x20: {  	[sflag:s8] =	ssyncset.s32 @!p0 $0xFFFFF086;
	s6 =	sadd.s32 @!p0 s3, s7;
	s7 =	simm.s32 @!p0 $0x108  }
0x21: {  	s3 =	sadd.s32 s3, s9;
	s6 =	sadd.s32 @!p0 $0x88, s6;
	s7 =	simm.s32 @p2 $0x1082  }
0x22: {  	[simem:s7], [sflag:s8] =	dma.local @!p0 [hbm:s6], $0xF7A  }
0x23: {  	s9 =	sor.u32 $0xD0000000, s2;
	s6 =	simm.s32 $0x108;
	_ =	swait.ge @!p0 [sflag:s8], $0x0  }
0x24: {  	s3 =	sadd.s32 $0x88, s3;
	s6 =	simm.s32 @!p1 $0x1082;
	[sflag:s4] =	ssyncset.s32 $0xFFFFF086  }
0x25: {  	[simem:s6], [sflag:s4] =	dma.local [hbm:s3], $0xF7A  }
0x26: {  	[smem:$0x3F91] =	sst s1;
	(tag) =	ssettag s2;
	_ =	strace s9  }
0x27: {  	s1 =	sld [smem:$0x3FA1]  }
0x28: {  	s2 =	sld [smem:$0x3FA2]  }
0x29: {  	s4 =	sld [smem:$0x3FA4]  }
0x2a: {  	p0 =	seq.s32 s5, $0x0;
	s5 =	sld [smem:$0x3FA5]  }
0x2b: {  	s6 =	sld [smem:$0x3FA6]  }
0x2c: {  	s7 =	sld [smem:$0x3FA7]  }
0x2d: {  	s3 =	simm.s32 $0x108;
	s8 =	sld [smem:$0x3FA8]  }
0x2e: {  	s3 =	simm.s32 @!p0 $0x1082;
	s9 =	sld [smem:$0x3FA9]  }
0x2f: {  	lr =	sadd.s32 s0, s3;
	s0 =	sld [smem:$0x3FA0]  }
0x30: {  	s3 =	sld [smem:$0x3FA3]  }
0x31: {  	[smem:$0x3FAC] =	sst s10  }
0x32: {  	s10 =	sld [smem:$0x3FAA];
	_ =	sdelay $0x3  }
0x33: {  	p0 =	seq.s32 s10, $0x1;
	s10 =	sld [smem:$0x3FAC];
	_ =	sdelay $0x3  }
0x34: {  	[smem:$0x3FAC] =	sst s10  }
0x35: {  	s10 =	sld [smem:$0x3FAB];
	_ =	sdelay $0x3  }
0x36: {  	p1 =	seq.s32 s10, $0x1;
	s10 =	sld [smem:$0x3FAC];
	_ =	sdelay $0x3  }
0x37: {  	[smem:$0x3FAC] =	sst s10  }
0x38: {  	s10 =	sld [smem:$0x3FAD]  }
0x39: {  	_ = 	snop;
	(pc) =	sbr.ind lr, $3  }
0x3a: {  	_ = 	snop  }
0x3b: {  	_ = 	snop  }
0x3c: {  	p2 =	seq.s32 s10, $0x1;
	s10 =	sld [smem:$0x3FAC]  }
0x3d: {  	_ =	shalt  }
0x3e: {  	_ =	shalt  }
0x3f: {  	_ =	shalt  }
0x40: {  	_ =	shalt  }
0x41: {  	_ =	shalt  }
0x42: {  	_ =	shalt  }
0x43: {  	_ =	shalt  }
0x44: {  	_ =	shalt  }
0x45: {  	_ =	shalt  }
0x46: {  	_ =	shalt  }
0x47: {  	_ =	shalt  }
0x48: {  	_ =	shalt  }
0x49: {  	_ =	shalt  }
0x4a: {  	_ =	shalt  }
0x4b: {  	_ =	shalt  }
0x4c: {  	_ =	shalt  }
0x4d: {  	_ =	shalt  }
0x4e: {  	_ =	shalt  }
0x4f: {  	_ =	shalt  }
0x50: {  	_ =	shalt  }
0x51: {  	_ =	shalt  }
0x52: {  	_ =	shalt  }
0x53: {  	_ =	shalt  }
0x54: {  	_ =	shalt  }
0x55: {  	_ =	shalt  }
0x56: {  	_ =	shalt  }
0x57: {  	_ =	shalt  }
0x58: {  	_ =	shalt  }
0x59: {  	_ =	shalt  }
0x5a: {  	_ =	shalt  }
0x5b: {  	_ =	shalt  }
0x5c: {  	_ =	shalt  }
0x5d: {  	_ =	shalt  }
0x5e: {  	_ =	shalt  }
0x5f: {  	_ =	shalt  }
0x60: {  	_ =	shalt  }
0x61: {  	_ =	shalt  }
0x62: {  	_ =	shalt  }
0x63: {  	_ =	shalt  }
0x64: {  	_ =	shalt  }
0x65: {  	_ =	shalt  }
0x66: {  	_ =	shalt  }
0x67: {  	_ =	shalt  }
0x68: {  	_ =	shalt  }
0x69: {  	_ =	shalt  }
0x6a: {  	_ =	shalt  }
0x6b: {  	_ =	shalt  }
0x6c: {  	_ =	shalt  }
0x6d: {  	_ =	shalt  }
0x6e: {  	_ =	shalt  }
0x6f: {  	_ =	shalt  }
0x70: {  	_ =	shalt  }
0x71: {  	_ =	shalt  }
0x72: {  	_ =	shalt  }
0x73: {  	_ =	shalt  }
0x74: {  	_ =	shalt  }
0x75: {  	_ =	shalt  }
0x76: {  	_ =	shalt  }
0x77: {  	_ =	shalt  }
0x78: {  	_ =	shalt  }
0x79: {  	_ =	shalt  }
0x7a: {  	_ =	shalt  }
0x7b: {  	_ =	shalt  }
0x7c: {  	_ =	shalt  }
0x7d: {  	_ =	shalt  }
0x7e: {  	_ =	shalt  }
0x7f: {  	_ =	shalt  }
0x80: {  	_ =	shalt  }
0x81: {  	_ =	shalt  }
0x82: {  	_ =	shalt  }
0x83: {  	_ =	shalt  }
0x84: {  	_ =	shalt  }
0x85: {  	_ =	shalt  }
0x86: {  	_ =	shalt  }
0x87: {  	_ =	shalt  }
.Lfunc_end0:
.L_simem_size_0:
called_computation.2_lowered:
.L_overlay_start_0:
0x88: {  	s2 =	sld [smem:$0x3FD9]  }
0x89: {  	s3 =	sld [smem:$0x3FFE];
	_ =	sdelay $0x1  }
0x8a: {  	s1 =	srdreg.scid  }
0x8b: {  	s0 =	sand.u32 $0x1, s1  }
0x8c: {  	s14 =	sshll.u32 s0, $0xA;
	s2 =	sadd.s32 s3, s2  }
0x8d: {  	s2 =	sadd.s32 s2, s14  }
0x8e: {  	[smem:$0x3FB8] =	sst s2  }
0x8f: {  	_ = 	snop  }
0x90: {  	s2 =	sld [smem:$0x3FD0];
	_ =	sdelay $0x2  }
0x91: {  	s15 =	simm.s32 $0xA;
	s4 =	simm.s32 $0x10  }
0x92: {  	[smem:s4], [sflag:s15] =	dma.local [hbm:s2], $0x1  }
0x93: {  	_ =	swait.eq [sflag:s15], $0x1  }
0x94: {  	s16 =	sld [smem:$0x11]  }
0x95: {  	s17 =	sld [smem:$0x12];
	[sflag:s15] =	ssyncset.done $0x0  }
0x96: {  	s5 =	sld [smem:$0x13];
	[sflag:s15] =	ssyncadd.s32 $0xFFFFFFFF  }
0x97: {  	s18 =	sld [smem:$0x15];
	(tm) =	ssettm $0x1  }
0x98: {  	s6 =	sld [smem:$0x3FFB];
	_ =	sdelay $0x3  }
0x99: {  	_ =	strace s6  }
0x9a: {  	s6 =	sld [smem:$0x3FFC];
	_ =	sdelay $0x3  }
0x9b: {  	_ =	strace s6  }
0x9c: {  	s6 =	sld [smem:$0x3FFD];
	_ =	sdelay $0x3  }
0x9d: {  	_ =	strace s6  }
0x9e: {  	_ =	strace $0x8FFFFFFF  }
0x9f: {  	s19 =	sld [smem:$0x3FDB];
	_ =	sdelay $0x1  }
0xa0: {  	s7 =	simm.s32 $_scs_section_size  }
0xa1: {  	s8 =	simm.s32 $_size__tile_overlayer_lowered;
	s9 =	simm.s32 $_tile_overlayer_lowered  }
0xa2: {  	s22 =	simm.s32 $0x1BFF;
	s21 =	sshll.u32 s9, $0x1;
	s6 =	sadd.s32 s7, s19  }
0xa3: {  	s10 =	simm.s32 $0x0;
	s20 =	sshll.u32 s8, $0x1;
	s8 =	sadd.s32 s21, s6  }
0xa4: {  	[timem:s10], [sflag:s22] =	dma.local [hbm:s8], s20  }
0xa5: {  	_ =	swait.ge [sflag:s22], s20  }
0xa6: {  	s7 =	ssub.s32 $0x0, s20;
	[sflag:s22] =	ssyncset.done $0x0  }
0xa7: {  	[sflag:s22] =	ssyncadd.s32 s7;
	_ =	sdelay $0x1  }
0xa8: {  	s23 =	simm.s32 $0x1B8B  }
0xa9: {  	_ =	swait.ge [sflag:s23], $0x1  }
0xaa: {  	[sflag:s23] =	ssyncset.done $0x0  }
0xab: {  	s25 =	simm.s32 $0x1B8E;
	s24 =	sld [smem:$0x3FFE];
	[sflag:s23] =	ssyncadd.s32 $0xFFFFFFFF  }
0xac: {  	s26 =	simm.s32 $execute0_lowered;
	[smem:$0x3FD2] =	sst s25  }
0xad: {  	s8 =	sshll.u32 s26, $0x1;
	_ =	strace $0x8000004C;
	[dreg:$0x1] =	wrdreg $0xFFFFFFFF  }
0xae: {  	s28 =	simm.s32 $_size_execute0_lowered;
	s6 =	sadd.s32 s6, s8;
	[dreg:$0x0] =	wrdreg $0x0  }
0xaf: {  	s8 =	sshll.u32 s28, $0x1;
	[dreg:$0x2] =	wrdreg s6  }
0xb0: {  	[dreg:$0x3] =	wrdreg s8  }
0xb1: {  	[dreg:$0x4] =	wrdreg $0xC0  }
0xb2: {  	_ =	task [dreg:s10], $0x5FFFF  }
0xb3: {  	[dreg:$0x1] =	wrdreg $0xFFFFFFFF  }
0xb4: {  	[dreg:$0x0] =	wrdreg $0x60  }
0xb5: {  	[dreg:$0x2] =	wrdreg s24  }
0xb6: {  	[dreg:$0x3] =	wrdreg s16  }
0xb7: {  	[dreg:$0x4] =	wrdreg s5  }
0xb8: {  	[dreg:$0x5] =	wrdreg s17  }
0xb9: {  	[dreg:$0x6] =	wrdreg s18  }
0xba: {  	[dreg:$0x7] =	wrdreg $0x72000  }
0xbb: {  	[dreg:$0x8] =	wrdreg $0x9  }
0xbc: {  	_ =	task.clear_ibuf [dreg:s10], $0x9FFFF;
	_ =	strace $0x9000004C  }
0xbd: {  	s29 =	simm.s32 $0x9;
	_ =	strace $0x8000004E  }
0xbe: {  	_ =	swait.ge [sflag:s29], $0x1  }
0xbf: {  	[sflag:s29] =	ssyncadd.s32 $0xFFFFFFFF  }
0xc0: {  	_ =	strace $0x9000004E  }
0xc1: {  	_ =	sfence  }
0xc2: {  	s30 =	sld [smem:$0x0];
	_ =	sdelay $0x2  }
0xc3: {  	s31 =	sshll.u32 s1, $0xD;
	s1 =	sshrl.u32 s1, $0x2  }
0xc4: {  	s3 =	sand.u32 $0x4000, s31;
	s1 =	sadd.s32 s1, s30  }
0xc5: {  	s0 =	sor.u32 s3, s0;
	s1 =	sshll.u32 s1, $0x11  }
0xc6: {  	s0 =	sor.u32 s1, s0  }
0xc7: {  	s0 =	sadd.s32 $0x8F2B, s0  }
0xc8: {  	[sflag:s0] =	ssyncadd.remote.s32 $0x1  }
0xc9: {  	_ =	sfence.sel $0xFFFF  }
0xca: {  	[dreg:$0x0] =	wrdreg $0xFFFFFFFF;
	(pc) =	sbr.abs _section_cstart, $3  }
0xcb: {  	[dreg:$0x1] =	wrdreg $0xFFFFFFFF  }
0xcc: {  	_ =	task.clear_ibuf [dreg:s10], $0x2FFFF;
	_ =	strace $0x9FFFFFFF  }
0xcd: {  	(tm) =	ssettm $0x7FFFFFFF  }
tec
execute0_lowered:
.L_overlay_start_1:
0x0: {  	(tag) =	ssettag $0x1  }
0x1: {  	s7 =	rddreg [dreg:$0x0]  }
0x2: {  	s1 =	rddreg [dreg:$0x1]  }
0x3: {  	s2 =	rddreg [dreg:$0x2]  }
0x4: {  	s3 =	rddreg [dreg:$0x3]  }
0x5: {  	s12 =	rddreg [dreg:$0x4]  }
0x6: {  	s4 =	rddreg [dreg:$0x5]  }
0x7: {  	s0 =	rddreg [dreg:$0x6];
	s6 =	simm.s32 $0x0;
	s8 =	srdreg.scid  }
0x8: {  	s5 =	stileid.u32;
	s18 =	simm.s32 $0x100;
	s19 =	simm.s32 $0x70  }
0x9: {  	s20 =	simm.s32 $0x200;
	s21 =	simm.s32 $0x80;
	s22 =	simm.s32 $0x180  }
0xa: {  	s23 =	simm.s32 $0x3A00;
	s24 =	simm.s32 $0x1;
	s25 =	simm.s32 $0x2  }
0xb: {  	s26 =	simm.s32 $0x0;
	[smem:$0x7FF] =	sst s6;
	s10 =	smul.u32 $0x50000, s5  }
0xc: {  	s8 =	sand.u32 $0x1, s8;
	s7 =	sadd.s32 $0x4E00, s7;
	s13 =	smul.u32 $0x1A40, s5  }
0xd: {  	s31 =	sshll.u32 s5, $0x6;
	s15 =	smul.u32 $0x14000, s5;
	_ =	strace $0x8000004D  }
0xe: {  	s9 =	ssub.s32 $0x2, s8;
	p0 =	seq.s32 s8, $0x0;
	s30 =	smul.u32 $0x140000, s8  }
0xf: {  	s11 =	sshrl.u32 s9, $0x1;
	s29 =	sshrl.u32 s10, $0x2;
	s10 =	smul.u32 $0x3480, s5  }
0x10: {  	s8 =	sor.u32 $0x1C03, s31;
	s14 =	ssub.s32 s9, s11;
	s11 =	sadd.s32 $0x34800, s13  }
0x11: {  	s16 =	sadd.s32 s29, s4;
	s13 =	sadd.s32 s15, s30;
	s11 =	smov.u32 @p0 s10  }
0x12: {  	s10 =	simm.s32 $0x3C;
	s13 =	sshrl.u32 s13, $0x3;
	s16 =	sshrl.u32 s16, $0x3  }
0x13: {  	s17 =	sshrl.u32 s11, $0x3;
	s10 =	simm.s32 @!p0 $0x1E;
	s12 =	sadd.s32 s12, s13  }
0x14: {  	s13 =	smax.u32 s14, $0x1;
	s9 =	sadd.s32 s1, s17;
	s11 =	sadd.s32 s2, s17  }
0x15: {  	s14 =	sadd.s32 $0x1C, s17;
	s15 =	sadd.s32 $0xE, s17;
	s17 =	simm.s32 $0x3  }
.LBB2_1:
0x16: {  	[spmem:s16], [sflag:s8] =	dma.local [hbm:s3], $0x2800  }
0x17: {  	_ =	swait.ge [sflag:s17], $0x2800  }
0x18: {  	[sflag:s17] =	ssyncset.done $0x0  }
0x19: {  	[sflag:s17] =	ssyncadd.s32 $0xFFFFD800  }
0x1a: {  	[bflag:$0x0] =	sbarrier.arrive $0xFFFF  }
0x1b: {  	[tilespmem:s6], [sflag:$0x3] =	stream.linear.gather [hbm4b:s9+s6], $0x70, $0x38;
	[tilespmem:$0x1B200] =	vst v63  }
0x1c: {  	_ =	swait.ge [sflag:s17], $0x70  }
0x1d: {  	[sflag:s17] =	ssyncset.done $0x0  }
0x1e: {  	p1 =	sne.s32 s10, $0x1;
	[sflag:s17] =	ssyncadd.s32 $0xFFFFFF90  }
0x1f: {  	[tilespmem:s18], [sflag:$0x3] =	stream.linear.gather [hbm4b:s11+s6], $0x70, $0x38;
	[tilespmem:$0x1B200] =	vst v63  }
.Ltmp0:
0x20: {  	_ = 	snop;
	(pc) =	sbr.rel @!p1 .LBB2_5-.Ltmp0, $4  }
0x21: {  	_ =	swait.ge [sflag:s17], $0x70  }
0x22: {  	s30 =	sadd.s32 $0xFFFFFFFF, s10;
	p0 =	por $0x0, $0x0;
	[sflag:s17] =	ssyncset.done $0x0  }
0x23: {  	s28 =	smov.u32 s1;
	s29 =	smov.u32 s2;
	[sflag:s17] =	ssyncadd.s32 $0xFFFFFF90  }
0x24: {  	[tilespmem:s20], [sflag:$0x1] =	stream.indirect.gather [hbm4b:s7+s19], $0x80, s6, s19, $0xb8;
	[tilespmem:$0x1B200] =	vst v63  }
0x25: {  	s28 =	sadd.s32 s1, s15  }
0x26: {  	[tilespmem:s21], [sflag:$0x3] =	stream.linear.gather [hbm4b:s28+s6], $0x70, $0x38;
	[tilespmem:$0x1B200] =	vst v63  }
0x27: {  	_ =	swait.ge [sflag:s17], $0x70  }
0x28: {  	[sflag:s17] =	ssyncset.done $0x0  }
0x29: {  	s28 =	sadd.s32 s2, s15;
	[sflag:s17] =	ssyncadd.s32 $0xFFFFFF90  }
0x2a: {  	[tilespmem:s22], [sflag:$0x3] =	stream.linear.gather [hbm4b:s28+s6], $0x70, $0x38;
	[tilespmem:$0x1B200] =	vst v63  }
0x2b: {  	_ =	swait.ge [sflag:s17], $0x70  }
0x2c: {  	[sflag:s17] =	ssyncset.done $0x0  }
0x2d: {  	[sflag:s17] =	ssyncadd.s32 $0xFFFFFF90  }
0x2e: {  	[tilespmem:s23], [sflag:$0x2] =	stream.indirect.gather [hbm4b:s7+s19], $0x80, s21, s19, $0xb8;
	[tilespmem:$0x1B200] =	vst v63  }
0x2f: {  	_ =	swait.ge [sflag:s24], $0x3800  }
0x30: {  	[sflag:s24] =	ssyncset.done $0x0  }
0x31: {  	[sflag:s24] =	ssyncadd.s32 $0xFFFFC800  }
0x32: {  	[spmem:s4] =	stream.indirect.scatter.add.f32 [tilespmem:s20], [sflag:$0x3], $0x80, s18, s19, $0xb8;
	[tilespmem:$0x1B200] =	vst v63  }
0x33: {  	_ =	swait.ge [sflag:s17], $0x3800  }
0x34: {  	[sflag:s17] =	ssyncset.done $0x0  }
0x35: {  	s28 =	sadd.s32 s1, s14;
	[sflag:s17] =	ssyncadd.s32 $0xFFFFC800  }
0x36: {  	[tilespmem:s6], [sflag:$0x3] =	stream.linear.gather [hbm4b:s28+s6], $0x70, $0x38;
	[tilespmem:$0x1B200] =	vst v63  }
0x37: {  	_ =	swait.ge [sflag:s17], $0x70  }
0x38: {  	[sflag:s17] =	ssyncset.done $0x0  }
0x39: {  	s28 =	sadd.s32 s2, s14;
	[sflag:s17] =	ssyncadd.s32 $0xFFFFFF90  }
0x3a: {  	[tilespmem:s18], [sflag:$0x3] =	stream.linear.gather [hbm4b:s28+s6], $0x70, $0x38;
	[tilespmem:$0x1B200] =	vst v63  }
0x3b: {  	_ =	swait.ge [sflag:s17], $0x70  }
0x3c: {  	[sflag:s17] =	ssyncset.done $0x0  }
0x3d: {  	[sflag:s17] =	ssyncadd.s32 $0xFFFFFF90  }
0x3e: {  	[tilespmem:s20], [sflag:$0x1] =	stream.indirect.gather [hbm4b:s7+s19], $0x80, s6, s19, $0xb8;
	[tilespmem:$0x1B200] =	vst v63  }
0x3f: {  	p1 =	sne.s32 s30, $0x1;
	_ =	swait.ge [sflag:s25], $0x3800  }
.Ltmp1:
0x40: {  	[sflag:s25] =	ssyncset.done $0x0;
	(pc) =	sbr.rel @!p1 .LBB2_3-.Ltmp1, $4  }
0x41: {  	[sflag:s25] =	ssyncadd.s32 $0xFFFFC800  }
0x42: {  	[spmem:s4] =	stream.indirect.scatter.add.f32 [tilespmem:s23], [sflag:$0x3], $0x80, s22, s19, $0xb8;
	[tilespmem:$0x1B200] =	vst v63  }
0x43: {  	s30 =	sadd.s32 $0xFFFFFFFF, s30;
	p0 =	por $0x1, $0x1;
	_ =	swait.ge [sflag:s17], $0x3800  }
0x44: {  	s29 =	smov.u32 s2;
	s28 =	sadd.s32 $0x1C, s1;
	[sflag:s17] =	ssyncset.done $0x0  }
.LBB2_4:
0x45: {  	s31 =	sadd.s32 s28, s15;
	[sflag:s17] =	ssyncadd.s32 $0xFFFFC800;
	s29 =	sadd.s32 $0x1C, s29  }
0x46: {  	[tilespmem:s21], [sflag:$0x3] =	stream.linear.gather [hbm4b:s31+s6], $0x70, $0x38;
	[tilespmem:$0x1B200] =	vst v63  }
0x47: {  	p1 =	sne.s32 s30, $0x1;
	s30 =	sadd.s32 $0xFFFFFFFF, s30;
	_ =	swait.ge [sflag:s17], $0x70  }
0x48: {  	[sflag:s17] =	ssyncset.done $0x0  }
0x49: {  	s31 =	sadd.s32 s29, s15;
	[sflag:s17] =	ssyncadd.s32 $0xFFFFFF90  }
0x4a: {  	[tilespmem:s22], [sflag:$0x3] =	stream.linear.gather [hbm4b:s31+s6], $0x70, $0x38;
	[tilespmem:$0x1B200] =	vst v63  }
0x4b: {  	_ =	swait.ge [sflag:s17], $0x70  }
0x4c: {  	[sflag:s17] =	ssyncset.done $0x0  }
0x4d: {  	[sflag:s17] =	ssyncadd.s32 $0xFFFFFF90  }
0x4e: {  	[tilespmem:s23], [sflag:$0x2] =	stream.indirect.gather [hbm4b:s7+s19], $0x80, s21, s19, $0xb8;
	[tilespmem:$0x1B200] =	vst v63  }
0x4f: {  	_ =	swait.ge [sflag:s24], $0x3800  }
0x50: {  	[sflag:s24] =	ssyncset.done $0x0  }
0x51: {  	[sflag:s24] =	ssyncadd.s32 $0xFFFFC800  }
0x52: {  	[spmem:s4] =	stream.indirect.scatter.add.f32 [tilespmem:s20], [sflag:$0x3], $0x80, s18, s19, $0xb8;
	[tilespmem:$0x1B200] =	vst v63  }
0x53: {  	_ =	swait.ge [sflag:s17], $0x3800  }
0x54: {  	[sflag:s17] =	ssyncset.done $0x0  }
0x55: {  	s31 =	sadd.s32 s28, s14;
	[sflag:s17] =	ssyncadd.s32 $0xFFFFC800  }
0x56: {  	[tilespmem:s6], [sflag:$0x3] =	stream.linear.gather [hbm4b:s31+s6], $0x70, $0x38;
	[tilespmem:$0x1B200] =	vst v63  }
0x57: {  	_ =	swait.ge [sflag:s17], $0x70  }
0x58: {  	[sflag:s17] =	ssyncset.done $0x0  }
0x59: {  	s31 =	sadd.s32 s29, s14;
	[sflag:s17] =	ssyncadd.s32 $0xFFFFFF90  }
0x5a: {  	[tilespmem:s18], [sflag:$0x3] =	stream.linear.gather [hbm4b:s31+s6], $0x70, $0x38;
	[tilespmem:$0x1B200] =	vst v63  }
0x5b: {  	_ =	swait.ge [sflag:s17], $0x70  }
0x5c: {  	[sflag:s17] =	ssyncset.done $0x0  }
0x5d: {  	[sflag:s17] =	ssyncadd.s32 $0xFFFFFF90  }
0x5e: {  	[tilespmem:s20], [sflag:$0x1] =	stream.indirect.gather [hbm4b:s7+s19], $0x80, s6, s19, $0xb8;
	[tilespmem:$0x1B200] =	vst v63  }
0x5f: {  	_ =	swait.ge [sflag:s25], $0x3800  }
.Ltmp2:
0x60: {  	[sflag:s25] =	ssyncset.done $0x0;
	(pc) =	sbr.rel @p1 .LBB2_4-.Ltmp2, $4  }
0x61: {  	[sflag:s25] =	ssyncadd.s32 $0xFFFFC800  }
0x62: {  	[spmem:s4] =	stream.indirect.scatter.add.f32 [tilespmem:s23], [sflag:$0x3], $0x80, s22, s19, $0xb8;
	[tilespmem:$0x1B200] =	vst v63  }
0x63: {  	_ =	swait.ge [sflag:s17], $0x3800  }
0x64: {  	s28 =	sadd.s32 $0x1C, s28;
	[sflag:s17] =	ssyncset.done $0x0  }
.LBB2_5:
0x65: {  	s30 =	sadd.s32 s28, s15;
	[sflag:s17] =	ssyncadd.s32 @p0 $0xFFFFC800  }
0x66: {  	[tilespmem:s21], [sflag:$0x3] =	stream.linear.gather [hbm4b:s30+s6], $0x70, $0x38;
	[tilespmem:$0x1B200] =	vst v63  }
0x67: {  	s29 =	sadd.s32 @p0 $0x1C, s29;
	s30 =	smov.u32 s2;
	_ =	swait.ge [sflag:s17], $0x70  }
0x68: {  	s30 =	smov.u32 @p0 s29;
	[sflag:s17] =	ssyncset.done $0x0  }
0x69: {  	s29 =	sadd.s32 s30, s15;
	[sflag:s17] =	ssyncadd.s32 $0xFFFFFF90  }
0x6a: {  	[tilespmem:s22], [sflag:$0x3] =	stream.linear.gather [hbm4b:s29+s6], $0x70, $0x38;
	[tilespmem:$0x1B200] =	vst v63  }
0x6b: {  	_ =	swait.ge [sflag:s17], $0x70  }
0x6c: {  	[sflag:s17] =	ssyncset.done $0x0  }
0x6d: {  	[sflag:s17] =	ssyncadd.s32 $0xFFFFFF90  }
0x6e: {  	[tilespmem:s23], [sflag:$0x2] =	stream.indirect.gather [hbm4b:s7+s19], $0x80, s21, s19, $0xb8;
	[tilespmem:$0x1B200] =	vst v63  }
0x6f: {  	_ =	swait.ge [sflag:s24], $0x3800  }
0x70: {  	[sflag:s24] =	ssyncset.done $0x0  }
0x71: {  	[sflag:s24] =	ssyncadd.s32 $0xFFFFC800  }
0x72: {  	[spmem:s4] =	stream.indirect.scatter.add.f32 [tilespmem:s20], [sflag:$0x3], $0x80, s18, s19, $0xb8;
	[tilespmem:$0x1B200] =	vst v63  }
0x73: {  	_ =	swait.ge [sflag:s17], $0x3800  }
0x74: {  	[sflag:s17] =	ssyncset.done $0x0  }
0x75: {  	s29 =	sadd.s32 s28, s14;
	[sflag:s17] =	ssyncadd.s32 $0xFFFFC800  }
0x76: {  	[tilespmem:s6], [sflag:$0x3] =	stream.linear.gather [hbm4b:s29+s6], $0x70, $0x38;
	[tilespmem:$0x1B200] =	vst v63  }
0x77: {  	_ =	swait.ge [sflag:s17], $0x70  }
0x78: {  	[sflag:s17] =	ssyncset.done $0x0  }
0x79: {  	s31 =	sadd.s32 s30, s14;
	[sflag:s17] =	ssyncadd.s32 $0xFFFFFF90  }
0x7a: {  	[tilespmem:s18], [sflag:$0x3] =	stream.linear.gather [hbm4b:s31+s6], $0x70, $0x38;
	[tilespmem:$0x1B200] =	vst v63  }
0x7b: {  	_ =	swait.ge [sflag:s17], $0x70  }
0x7c: {  	[sflag:s17] =	ssyncset.done $0x0  }
0x7d: {  	[sflag:s17] =	ssyncadd.s32 $0xFFFFFF90  }
0x7e: {  	[tilespmem:s20], [sflag:$0x1] =	stream.indirect.gather [hbm4b:s7+s19], $0x80, s6, s19, $0xb8;
	[tilespmem:$0x1B200] =	vst v63  }
0x7f: {  	_ =	swait.ge [sflag:s25], $0x3800  }
0x80: {  	[sflag:s25] =	ssyncset.done $0x0  }
0x81: {  	[sflag:s25] =	ssyncadd.s32 $0xFFFFC800  }
0x82: {  	[spmem:s4] =	stream.indirect.scatter.add.f32 [tilespmem:s23], [sflag:$0x3], $0x80, s22, s19, $0xb8;
	[tilespmem:$0x1B200] =	vst v63  }
0x83: {  	_ =	swait.ge [sflag:s17], $0x3800  }
0x84: {  	[sflag:s17] =	ssyncset.done $0x0  }
0x85: {  	[sflag:s17] =	ssyncadd.s32 $0xFFFFC800  }
0x86: {  	_ =	swait.ge [sflag:s24], $0x3800  }
0x87: {  	[sflag:s24] =	ssyncset.done $0x0  }
0x88: {  	s26 =	sadd.s32 $0x1, s26;
	[sflag:s24] =	ssyncadd.s32 $0xFFFFC800  }
0x89: {  	p0 =	sne.s32 s26, s13;
	[bflag:$0x0] =	sbarrier.arrive $0xFFFF  }
0x8a: {  	[hbm:s12], [sflag:s8] =	dma.local [spmem:s16], $0x2800  }
.Ltmp3:
0x8b: {  	_ = 	snop;
	(pc) =	sbr.rel @p0 .LBB2_1-.Ltmp3, $4  }
.Ltmp4:
0x8c: {  	_ = 	snop;
	(pc) =	sbr.rel @!p0 .LBB2_6-.Ltmp4, $4  }
0x8d: {  	_ =	swait.ge [sflag:s17], $0x2800  }
0x8e: {  	[sflag:s17] =	ssyncset.done $0x0  }
0x8f: {  	[sflag:s17] =	ssyncadd.s32 $0xFFFFD800  }
0x90: {  	_ = 	snop  }
.LBB2_3:
.Ltmp5:
0x91: {  	(pc) =	sbr.rel .LBB2_5-.Ltmp5, $2  }
0x92: {  	_ =	sdelay $0x2  }
0x93: {  	s29 =	smov.u32 s2  }
.LBB2_6:
0x94: {  	_ =	sfence.sel $0x180000  }
0x95: {  	[bflag:$0x0] =	sbarrier.arrive $0xFFFF  }
0x96: {  	p0 =	sne.s32 s5, $0x0;
	_ =	strace $0x9000004D  }
0x97: {  	s0 =	sadd.s32 @!p0 $0x100000, s0;
	[bflag:$0x2] =	sbarrier.arrive $0xFFFF  }
0x98: {  	[sflag:s0] =	ssyncadd.tile.s32 @!p0 $0x1;
	_ =	shalt  }
.Lfunc_end2:
_tile_overlayer_lowered:
.L_overlay_start_2:
0x99: {  	(tag) =	ssettag $0x2  }
0x9a: {  	s0 =	rddreg [dreg:$0x0];
	s2 =	stileid.u32  }
0x9b: {  	s1 =	rddreg [dreg:$0x1];
	p0 =	sne.s32 s2, $0x0  }
0x9c: {  	s3 =	rddreg [dreg:$0x2];
	[bflag:$0x3] =	sbarrier.arrive $0xFFFF;
	s2 =	simm.s32 @!p0 $0x1C03  }
0x9d: {  	[timem:s3], [sflag:s2] =	dma.local @!p0 [hbm:s0], s1  }
0x9e: {  	s0 =	simm.s32 @!p0 $0x3  }
0x9f: {  	_ =	swait.ge @!p0 [sflag:s0], s1  }
0xa0: {  	s1 =	ssub.s32 @!p0 $0x0, s1;
	[sflag:s0] =	ssyncset.done @!p0 $0x0  }
0xa1: {  	[sflag:s0] =	ssyncadd.s32 @!p0 s1  }
0xa2: {  	[bflag:$0x3] =	sbarrier.arrive $0xFFFF  }
0xa3: {  	_ =	shalt  }

// kernel: kernel.22.cloned.1.call-start
scs
__scs_entry_jumppad:
0x0: {  	(pc) =	sbr.rel $0x88, $3  }
0x1: {  	(tag) =	ssettag $0x0;
	lr =	simm.s32 $0x1  }
0x2: {  	[smem:$0x3F91] =	sst lr;
	_ =	strace $0xD0000000  }
0x3: {  	_ = 	snop  }
0x4: {  	_ = 	snop  }
0x5: {  	_ = 	snop  }
0x6: {  	_ = 	snop  }
0x7: {  	_ = 	snop  }
__scs_overlays_trampoline_lowered:
0x8: {  	[smem:$0x3FA0] =	sst s0  }
0x9: {  	[smem:$0x3FA1] =	sst s1  }
0xa: {  	[smem:$0x3FA2] =	sst s2  }
0xb: {  	[smem:$0x3FA3] =	sst s3  }
0xc: {  	[smem:$0x3FA4] =	sst s4  }
0xd: {  	[smem:$0x3FA5] =	sst s5  }
0xe: {  	[smem:$0x3FA6] =	sst s6  }
0xf: {  	[smem:$0x3FA7] =	sst s7  }
0x10: {  	[smem:$0x3FA8] =	sst s8  }
0x11: {  	[smem:$0x3FA9] =	sst s9;
	s0 =	simm.s32 @!p0 $0x0  }
0x12: {  	s1 =	sld [smem:$0x3F8F];
	s0 =	simm.s32 @p0 $0x1  }
0x13: {  	[smem:$0x3FAA] =	sst s0;
	s0 =	simm.s32 @!p1 $0x0  }
0x14: {  	s2 =	sld [smem:$0x3F8E];
	s0 =	simm.s32 @p1 $0x1  }
0x15: {  	[smem:$0x3FAB] =	sst s0;
	s0 =	simm.s32 @!p2 $0x0  }
0x16: {  	s3 =	sld [smem:$0x3FDB];
	s0 =	simm.s32 @p2 $0x1  }
0x17: {  	s4 =	simm.s32 $0x1BF5;
	[smem:$0x3FAD] =	sst s0  }
0x18: {  	s0 =	sld [smem:$0x3F90];
	_ =	swait.ge [sflag:s4], $0x0  }
0x19: {  	s7 =	sld [smem:$0x3F91]  }
0x1a: {  	s8 =	sadd.s32 $0xFFFFE003, lr  }
0x1b: {  	s9 =	sadd.s32 $0xFFFFFEF7, lr;
	s5 =	simm.s32 $0xFFFFFFFF;
	p2 =	slt.u32 s8, $0xFFFFF086  }
0x1c: {  	p1 =	slt.u32 s9, $0xF7A;
	s5 =	simm.s32 @!p2 $0x0  }
0x1d: {  	s5 =	simm.s32 @p1 $0x1;
	p0 =	seq.s32 s7, s2  }
0x1e: {  	s7 =	smul.u32 @!p0 $0xF7A, s2;
	p2 =	seq.s32 @!p0 s5, $0x0  }
0x1f: {  	s9 =	smul.u32 $0xF7A, s1;
	s8 =	simm.s32 @!p0 $0x1BF5;
	p2 =	por !p2, p0  }
0x20: {  	[sflag:s8] =	ssyncset.s32 @!p0 $0xFFFFF086;
	s6 =	sadd.s32 @!p0 s3, s7;
	s7 =	simm.s32 @!p0 $0x108  }
0x21: {  	s3 =	sadd.s32 s3, s9;
	s6 =	sadd.s32 @!p0 $0x88, s6;
	s7 =	simm.s32 @p2 $0x1082  }
0x22: {  	[simem:s7], [sflag:s8] =	dma.local @!p0 [hbm:s6], $0xF7A  }
0x23: {  	s9 =	sor.u32 $0xD0000000, s2;
	s6 =	simm.s32 $0x108;
	_ =	swait.ge @!p0 [sflag:s8], $0x0  }
0x24: {  	s3 =	sadd.s32 $0x88, s3;
	s6 =	simm.s32 @!p1 $0x1082;
	[sflag:s4] =	ssyncset.s32 $0xFFFFF086  }
0x25: {  	[simem:s6], [sflag:s4] =	dma.local [hbm:s3], $0xF7A  }
0x26: {  	[smem:$0x3F91] =	sst s1;
	(tag) =	ssettag s2;
	_ =	strace s9  }
0x27: {  	s1 =	sld [smem:$0x3FA1]  }
0x28: {  	s2 =	sld [smem:$0x3FA2]  }
0x29: {  	s4 =	sld [smem:$0x3FA4]  }
0x2a: {  	p0 =	seq.s32 s5, $0x0;
	s5 =	sld [smem:$0x3FA5]  }
0x2b: {  	s6 =	sld [smem:$0x3FA6]  }
0x2c: {  	s7 =	sld [smem:$0x3FA7]  }
0x2d: {  	s3 =	simm.s32 $0x108;
	s8 =	sld [smem:$0x3FA8]  }
0x2e: {  	s3 =	simm.s32 @!p0 $0x1082;
	s9 =	sld [smem:$0x3FA9]  }
0x2f: {  	lr =	sadd.s32 s0, s3;
	s0 =	sld [smem:$0x3FA0]  }
0x30: {  	s3 =	sld [smem:$0x3FA3]  }
0x31: {  	[smem:$0x3FAC] =	sst s10  }
0x32: {  	s10 =	sld [smem:$0x3FAA];
	_ =	sdelay $0x3  }
0x33: {  	p0 =	seq.s32 s10, $0x1;
	s10 =	sld [smem:$0x3FAC];
	_ =	sdelay $0x3  }
0x34: {  	[smem:$0x3FAC] =	sst s10  }
0x35: {  	s10 =	sld [smem:$0x3FAB];
	_ =	sdelay $0x3  }
0x36: {  	p1 =	seq.s32 s10, $0x1;
	s10 =	sld [smem:$0x3FAC];
	_ =	sdelay $0x3  }
0x37: {  	[smem:$0x3FAC] =	sst s10  }
0x38: {  	s10 =	sld [smem:$0x3FAD]  }
0x39: {  	_ = 	snop;
	(pc) =	sbr.ind lr, $3  }
0x3a: {  	_ = 	snop  }
0x3b: {  	_ = 	snop  }
0x3c: {  	p2 =	seq.s32 s10, $0x1;
	s10 =	sld [smem:$0x3FAC]  }
0x3d: {  	_ =	shalt  }
0x3e: {  	_ =	shalt  }
0x3f: {  	_ =	shalt  }
0x40: {  	_ =	shalt  }
0x41: {  	_ =	shalt  }
0x42: {  	_ =	shalt  }
0x43: {  	_ =	shalt  }
0x44: {  	_ =	shalt  }
0x45: {  	_ =	shalt  }
0x46: {  	_ =	shalt  }
0x47: {  	_ =	shalt  }
0x48: {  	_ =	shalt  }
0x49: {  	_ =	shalt  }
0x4a: {  	_ =	shalt  }
0x4b: {  	_ =	shalt  }
0x4c: {  	_ =	shalt  }
0x4d: {  	_ =	shalt  }
0x4e: {  	_ =	shalt  }
0x4f: {  	_ =	shalt  }
0x50: {  	_ =	shalt  }
0x51: {  	_ =	shalt  }
0x52: {  	_ =	shalt  }
0x53: {  	_ =	shalt  }
0x54: {  	_ =	shalt  }
0x55: {  	_ =	shalt  }
0x56: {  	_ =	shalt  }
0x57: {  	_ =	shalt  }
0x58: {  	_ =	shalt  }
0x59: {  	_ =	shalt  }
0x5a: {  	_ =	shalt  }
0x5b: {  	_ =	shalt  }
0x5c: {  	_ =	shalt  }
0x5d: {  	_ =	shalt  }
0x5e: {  	_ =	shalt  }
0x5f: {  	_ =	shalt  }
0x60: {  	_ =	shalt  }
0x61: {  	_ =	shalt  }
0x62: {  	_ =	shalt  }
0x63: {  	_ =	shalt  }
0x64: {  	_ =	shalt  }
0x65: {  	_ =	shalt  }
0x66: {  	_ =	shalt  }
0x67: {  	_ =	shalt  }
0x68: {  	_ =	shalt  }
0x69: {  	_ =	shalt  }
0x6a: {  	_ =	shalt  }
0x6b: {  	_ =	shalt  }
0x6c: {  	_ =	shalt  }
0x6d: {  	_ =	shalt  }
0x6e: {  	_ =	shalt  }
0x6f: {  	_ =	shalt  }
0x70: {  	_ =	shalt  }
0x71: {  	_ =	shalt  }
0x72: {  	_ =	shalt  }
0x73: {  	_ =	shalt  }
0x74: {  	_ =	shalt  }
0x75: {  	_ =	shalt  }
0x76: {  	_ =	shalt  }
0x77: {  	_ =	shalt  }
0x78: {  	_ =	shalt  }
0x79: {  	_ =	shalt  }
0x7a: {  	_ =	shalt  }
0x7b: {  	_ =	shalt  }
0x7c: {  	_ =	shalt  }
0x7d: {  	_ =	shalt  }
0x7e: {  	_ =	shalt  }
0x7f: {  	_ =	shalt  }
0x80: {  	_ =	shalt  }
0x81: {  	_ =	shalt  }
0x82: {  	_ =	shalt  }
0x83: {  	_ =	shalt  }
0x84: {  	_ =	shalt  }
0x85: {  	_ =	shalt  }
0x86: {  	_ =	shalt  }
0x87: {  	_ =	shalt  }
.Lfunc_end0:
.L_simem_size_0:
called_computation.3_lowered:
.L_overlay_start_0:
0x88: {  	s2 =	sld [smem:$0x3FD9]  }
0x89: {  	s3 =	sld [smem:$0x3FFE];
	_ =	sdelay $0x1  }
0x8a: {  	s1 =	srdreg.scid  }
0x8b: {  	s0 =	sand.u32 $0x1, s1  }
0x8c: {  	s14 =	sshll.u32 s0, $0xA;
	s2 =	sadd.s32 s3, s2  }
0x8d: {  	s2 =	sadd.s32 s2, s14  }
0x8e: {  	[smem:$0x3FB8] =	sst s2  }
0x8f: {  	_ = 	snop  }
0x90: {  	s2 =	sld [smem:$0x3FD0];
	_ =	sdelay $0x2  }
0x91: {  	s15 =	simm.s32 $0xA;
	s4 =	simm.s32 $0x10  }
0x92: {  	[smem:s4], [sflag:s15] =	dma.local [hbm:s2], $0x1  }
0x93: {  	_ =	swait.eq [sflag:s15], $0x1  }
0x94: {  	s16 =	sld [smem:$0x11]  }
0x95: {  	s17 =	sld [smem:$0x12];
	[sflag:s15] =	ssyncset.done $0x0  }
0x96: {  	s5 =	sld [smem:$0x13];
	[sflag:s15] =	ssyncadd.s32 $0xFFFFFFFF  }
0x97: {  	s18 =	sld [smem:$0x15];
	(tm) =	ssettm $0x1  }
0x98: {  	s6 =	sld [smem:$0x3FFB];
	_ =	sdelay $0x3  }
0x99: {  	_ =	strace s6  }
0x9a: {  	s6 =	sld [smem:$0x3FFC];
	_ =	sdelay $0x3  }
0x9b: {  	_ =	strace s6  }
0x9c: {  	s6 =	sld [smem:$0x3FFD];
	_ =	sdelay $0x3  }
0x9d: {  	_ =	strace s6  }
0x9e: {  	_ =	strace $0x8FFFFFFF  }
0x9f: {  	s19 =	sld [smem:$0x3FDB];
	_ =	sdelay $0x1  }
0xa0: {  	s7 =	simm.s32 $_scs_section_size  }
0xa1: {  	s8 =	simm.s32 $_size__tile_overlayer_lowered;
	s9 =	simm.s32 $_tile_overlayer_lowered  }
0xa2: {  	s22 =	simm.s32 $0x1BFF;
	s21 =	sshll.u32 s9, $0x1;
	s6 =	sadd.s32 s7, s19  }
0xa3: {  	s10 =	simm.s32 $0x0;
	s20 =	sshll.u32 s8, $0x1;
	s8 =	sadd.s32 s21, s6  }
0xa4: {  	[timem:s10], [sflag:s22] =	dma.local [hbm:s8], s20  }
0xa5: {  	_ =	swait.ge [sflag:s22], s20  }
0xa6: {  	s7 =	ssub.s32 $0x0, s20;
	[sflag:s22] =	ssyncset.done $0x0  }
0xa7: {  	[sflag:s22] =	ssyncadd.s32 s7;
	_ =	sdelay $0x1  }
0xa8: {  	s23 =	simm.s32 $0x1B8B  }
0xa9: {  	_ =	swait.ge [sflag:s23], $0x1  }
0xaa: {  	[sflag:s23] =	ssyncset.done $0x0  }
0xab: {  	s25 =	simm.s32 $0x1B8E;
	s24 =	sld [smem:$0x3FFE];
	[sflag:s23] =	ssyncadd.s32 $0xFFFFFFFF  }
0xac: {  	s26 =	simm.s32 $execute0_lowered;
	[smem:$0x3FD2] =	sst s25  }
0xad: {  	s8 =	sshll.u32 s26, $0x1;
	_ =	strace $0x8000004F;
	[dreg:$0x1] =	wrdreg $0xFFFFFFFF  }
0xae: {  	s28 =	simm.s32 $_size_execute0_lowered;
	s6 =	sadd.s32 s6, s8;
	[dreg:$0x0] =	wrdreg $0x0  }
0xaf: {  	s8 =	sshll.u32 s28, $0x1;
	[dreg:$0x2] =	wrdreg s6  }
0xb0: {  	[dreg:$0x3] =	wrdreg s8  }
0xb1: {  	[dreg:$0x4] =	wrdreg $0xC0  }
0xb2: {  	_ =	task [dreg:s10], $0x5FFFF  }
0xb3: {  	[dreg:$0x1] =	wrdreg $0xFFFFFFFF  }
0xb4: {  	[dreg:$0x0] =	wrdreg $0x60  }
0xb5: {  	[dreg:$0x2] =	wrdreg s24  }
0xb6: {  	[dreg:$0x3] =	wrdreg s16  }
0xb7: {  	[dreg:$0x4] =	wrdreg s5  }
0xb8: {  	[dreg:$0x5] =	wrdreg s17  }
0xb9: {  	[dreg:$0x6] =	wrdreg s18  }
0xba: {  	[dreg:$0x7] =	wrdreg $0x72000  }
0xbb: {  	[dreg:$0x8] =	wrdreg $0x9  }
0xbc: {  	_ =	task.clear_ibuf [dreg:s10], $0x9FFFF;
	_ =	strace $0x9000004F  }
0xbd: {  	s29 =	simm.s32 $0x9;
	_ =	strace $0x80000051  }
0xbe: {  	_ =	swait.ge [sflag:s29], $0x1  }
0xbf: {  	[sflag:s29] =	ssyncadd.s32 $0xFFFFFFFF  }
0xc0: {  	_ =	strace $0x90000051  }
0xc1: {  	_ =	sfence  }
0xc2: {  	s30 =	sld [smem:$0x0];
	_ =	sdelay $0x2  }
0xc3: {  	s31 =	sshll.u32 s1, $0xD;
	s1 =	sshrl.u32 s1, $0x2  }
0xc4: {  	s3 =	sand.u32 $0x4000, s31;
	s1 =	sadd.s32 s1, s30  }
0xc5: {  	s0 =	sor.u32 s3, s0;
	s1 =	sshll.u32 s1, $0x11  }
0xc6: {  	s0 =	sor.u32 s1, s0  }
0xc7: {  	s0 =	sadd.s32 $0x8F2B, s0  }
0xc8: {  	[sflag:s0] =	ssyncadd.remote.s32 $0x1  }
0xc9: {  	_ =	sfence.sel $0xFFFF  }
0xca: {  	[dreg:$0x0] =	wrdreg $0xFFFFFFFF;
	(pc) =	sbr.abs _section_cstart, $3  }
0xcb: {  	[dreg:$0x1] =	wrdreg $0xFFFFFFFF  }
0xcc: {  	_ =	task.clear_ibuf [dreg:s10], $0x2FFFF;
	_ =	strace $0x9FFFFFFF  }
0xcd: {  	(tm) =	ssettm $0x7FFFFFFF  }
tec
execute0_lowered:
.L_overlay_start_1:
0x0: {  	(tag) =	ssettag $0x1  }
0x1: {  	s7 =	rddreg [dreg:$0x0]  }
0x2: {  	s1 =	rddreg [dreg:$0x1]  }
0x3: {  	s2 =	rddreg [dreg:$0x2]  }
0x4: {  	s3 =	rddreg [dreg:$0x3]  }
0x5: {  	s12 =	rddreg [dreg:$0x4]  }
0x6: {  	s4 =	rddreg [dreg:$0x5]  }
0x7: {  	s0 =	rddreg [dreg:$0x6];
	s6 =	simm.s32 $0x0;
	s8 =	srdreg.scid  }
0x8: {  	s5 =	stileid.u32;
	s18 =	simm.s32 $0x100;
	s19 =	simm.s32 $0x70  }
0x9: {  	s20 =	simm.s32 $0x200;
	s21 =	simm.s32 $0x80;
	s22 =	simm.s32 $0x180  }
0xa: {  	s23 =	simm.s32 $0x3A00;
	s24 =	simm.s32 $0x1;
	s25 =	simm.s32 $0x2  }
0xb: {  	s26 =	simm.s32 $0x0;
	[smem:$0x7FF] =	sst s6;
	s10 =	smul.u32 $0x50000, s5  }
0xc: {  	s8 =	sand.u32 $0x1, s8;
	s7 =	sadd.s32 $0x4E00, s7;
	s13 =	smul.u32 $0x1A40, s5  }
0xd: {  	s31 =	sshll.u32 s5, $0x6;
	s15 =	smul.u32 $0x14000, s5;
	_ =	strace $0x80000050  }
0xe: {  	s9 =	ssub.s32 $0x2, s8;
	p0 =	seq.s32 s8, $0x0;
	s30 =	smul.u32 $0x140000, s8  }
0xf: {  	s11 =	sshrl.u32 s9, $0x1;
	s29 =	sshrl.u32 s10, $0x2;
	s10 =	smul.u32 $0x3480, s5  }
0x10: {  	s8 =	sor.u32 $0x1C03, s31;
	s14 =	ssub.s32 s9, s11;
	s11 =	sadd.s32 $0x34800, s13  }
0x11: {  	s16 =	sadd.s32 s29, s4;
	s13 =	sadd.s32 s15, s30;
	s11 =	smov.u32 @p0 s10  }
0x12: {  	s10 =	simm.s32 $0x3C;
	s13 =	sshrl.u32 s13, $0x3;
	s16 =	sshrl.u32 s16, $0x3  }
0x13: {  	s17 =	sshrl.u32 s11, $0x3;
	s10 =	simm.s32 @!p0 $0x1E;
	s12 =	sadd.s32 s12, s13  }
0x14: {  	s13 =	smax.u32 s14, $0x1;
	s9 =	sadd.s32 s1, s17;
	s11 =	sadd.s32 s2, s17  }
0x15: {  	s14 =	sadd.s32 $0x1C, s17;
	s15 =	sadd.s32 $0xE, s17;
	s17 =	simm.s32 $0x3  }
.LBB2_1:
0x16: {  	[spmem:s16], [sflag:s8] =	dma.local [hbm:s3], $0x2800  }
0x17: {  	_ =	swait.ge [sflag:s17], $0x2800  }
0x18: {  	[sflag:s17] =	ssyncset.done $0x0  }
0x19: {  	[sflag:s17] =	ssyncadd.s32 $0xFFFFD800  }
0x1a: {  	[bflag:$0x0] =	sbarrier.arrive $0xFFFF  }
0x1b: {  	[tilespmem:s6], [sflag:$0x3] =	stream.linear.gather [hbm4b:s9+s6], $0x70, $0x38;
	[tilespmem:$0x1B200] =	vst v63  }
0x1c: {  	_ =	swait.ge [sflag:s17], $0x70  }
0x1d: {  	[sflag:s17] =	ssyncset.done $0x0  }
0x1e: {  	p1 =	sne.s32 s10, $0x1;
	[sflag:s17] =	ssyncadd.s32 $0xFFFFFF90  }
0x1f: {  	[tilespmem:s18], [sflag:$0x3] =	stream.linear.gather [hbm4b:s11+s6], $0x70, $0x38;
	[tilespmem:$0x1B200] =	vst v63  }
.Ltmp0:
0x20: {  	_ = 	snop;
	(pc) =	sbr.rel @!p1 .LBB2_5-.Ltmp0, $4  }
0x21: {  	_ =	swait.ge [sflag:s17], $0x70  }
0x22: {  	s30 =	sadd.s32 $0xFFFFFFFF, s10;
	p0 =	por $0x0, $0x0;
	[sflag:s17] =	ssyncset.done $0x0  }
0x23: {  	s28 =	smov.u32 s1;
	s29 =	smov.u32 s2;
	[sflag:s17] =	ssyncadd.s32 $0xFFFFFF90  }
0x24: {  	[tilespmem:s20], [sflag:$0x1] =	stream.indirect.gather [hbm4b:s7+s19], $0x80, s6, s19, $0xb8;
	[tilespmem:$0x1B200] =	vst v63  }
0x25: {  	s28 =	sadd.s32 s1, s15  }
0x26: {  	[tilespmem:s21], [sflag:$0x3] =	stream.linear.gather [hbm4b:s28+s6], $0x70, $0x38;
	[tilespmem:$0x1B200] =	vst v63  }
0x27: {  	_ =	swait.ge [sflag:s17], $0x70  }
0x28: {  	[sflag:s17] =	ssyncset.done $0x0  }
0x29: {  	s28 =	sadd.s32 s2, s15;
	[sflag:s17] =	ssyncadd.s32 $0xFFFFFF90  }
0x2a: {  	[tilespmem:s22], [sflag:$0x3] =	stream.linear.gather [hbm4b:s28+s6], $0x70, $0x38;
	[tilespmem:$0x1B200] =	vst v63  }
0x2b: {  	_ =	swait.ge [sflag:s17], $0x70  }
0x2c: {  	[sflag:s17] =	ssyncset.done $0x0  }
0x2d: {  	[sflag:s17] =	ssyncadd.s32 $0xFFFFFF90  }
0x2e: {  	[tilespmem:s23], [sflag:$0x2] =	stream.indirect.gather [hbm4b:s7+s19], $0x80, s21, s19, $0xb8;
	[tilespmem:$0x1B200] =	vst v63  }
0x2f: {  	_ =	swait.ge [sflag:s24], $0x3800  }
0x30: {  	[sflag:s24] =	ssyncset.done $0x0  }
0x31: {  	[sflag:s24] =	ssyncadd.s32 $0xFFFFC800  }
0x32: {  	[spmem:s4] =	stream.indirect.scatter.add.f32 [tilespmem:s20], [sflag:$0x3], $0x80, s18, s19, $0xb8;
	[tilespmem:$0x1B200] =	vst v63  }
0x33: {  	_ =	swait.ge [sflag:s17], $0x3800  }
0x34: {  	[sflag:s17] =	ssyncset.done $0x0  }
0x35: {  	s28 =	sadd.s32 s1, s14;
	[sflag:s17] =	ssyncadd.s32 $0xFFFFC800  }
0x36: {  	[tilespmem:s6], [sflag:$0x3] =	stream.linear.gather [hbm4b:s28+s6], $0x70, $0x38;
	[tilespmem:$0x1B200] =	vst v63  }
0x37: {  	_ =	swait.ge [sflag:s17], $0x70  }
0x38: {  	[sflag:s17] =	ssyncset.done $0x0  }
0x39: {  	s28 =	sadd.s32 s2, s14;
	[sflag:s17] =	ssyncadd.s32 $0xFFFFFF90  }
0x3a: {  	[tilespmem:s18], [sflag:$0x3] =	stream.linear.gather [hbm4b:s28+s6], $0x70, $0x38;
	[tilespmem:$0x1B200] =	vst v63  }
0x3b: {  	_ =	swait.ge [sflag:s17], $0x70  }
0x3c: {  	[sflag:s17] =	ssyncset.done $0x0  }
0x3d: {  	[sflag:s17] =	ssyncadd.s32 $0xFFFFFF90  }
0x3e: {  	[tilespmem:s20], [sflag:$0x1] =	stream.indirect.gather [hbm4b:s7+s19], $0x80, s6, s19, $0xb8;
	[tilespmem:$0x1B200] =	vst v63  }
0x3f: {  	p1 =	sne.s32 s30, $0x1;
	_ =	swait.ge [sflag:s25], $0x3800  }
.Ltmp1:
0x40: {  	[sflag:s25] =	ssyncset.done $0x0;
	(pc) =	sbr.rel @!p1 .LBB2_3-.Ltmp1, $4  }
0x41: {  	[sflag:s25] =	ssyncadd.s32 $0xFFFFC800  }
0x42: {  	[spmem:s4] =	stream.indirect.scatter.add.f32 [tilespmem:s23], [sflag:$0x3], $0x80, s22, s19, $0xb8;
	[tilespmem:$0x1B200] =	vst v63  }
0x43: {  	s30 =	sadd.s32 $0xFFFFFFFF, s30;
	p0 =	por $0x1, $0x1;
	_ =	swait.ge [sflag:s17], $0x3800  }
0x44: {  	s29 =	smov.u32 s2;
	s28 =	sadd.s32 $0x1C, s1;
	[sflag:s17] =	ssyncset.done $0x0  }
.LBB2_4:
0x45: {  	s31 =	sadd.s32 s28, s15;
	[sflag:s17] =	ssyncadd.s32 $0xFFFFC800;
	s29 =	sadd.s32 $0x1C, s29  }
0x46: {  	[tilespmem:s21], [sflag:$0x3] =	stream.linear.gather [hbm4b:s31+s6], $0x70, $0x38;
	[tilespmem:$0x1B200] =	vst v63  }
0x47: {  	p1 =	sne.s32 s30, $0x1;
	s30 =	sadd.s32 $0xFFFFFFFF, s30;
	_ =	swait.ge [sflag:s17], $0x70  }
0x48: {  	[sflag:s17] =	ssyncset.done $0x0  }
0x49: {  	s31 =	sadd.s32 s29, s15;
	[sflag:s17] =	ssyncadd.s32 $0xFFFFFF90  }
0x4a: {  	[tilespmem:s22], [sflag:$0x3] =	stream.linear.gather [hbm4b:s31+s6], $0x70, $0x38;
	[tilespmem:$0x1B200] =	vst v63  }
0x4b: {  	_ =	swait.ge [sflag:s17], $0x70  }
0x4c: {  	[sflag:s17] =	ssyncset.done $0x0  }
0x4d: {  	[sflag:s17] =	ssyncadd.s32 $0xFFFFFF90  }
0x4e: {  	[tilespmem:s23], [sflag:$0x2] =	stream.indirect.gather [hbm4b:s7+s19], $0x80, s21, s19, $0xb8;
	[tilespmem:$0x1B200] =	vst v63  }
0x4f: {  	_ =	swait.ge [sflag:s24], $0x3800  }
0x50: {  	[sflag:s24] =	ssyncset.done $0x0  }
0x51: {  	[sflag:s24] =	ssyncadd.s32 $0xFFFFC800  }
0x52: {  	[spmem:s4] =	stream.indirect.scatter.add.f32 [tilespmem:s20], [sflag:$0x3], $0x80, s18, s19, $0xb8;
	[tilespmem:$0x1B200] =	vst v63  }
0x53: {  	_ =	swait.ge [sflag:s17], $0x3800  }
0x54: {  	[sflag:s17] =	ssyncset.done $0x0  }
0x55: {  	s31 =	sadd.s32 s28, s14;
	[sflag:s17] =	ssyncadd.s32 $0xFFFFC800  }
0x56: {  	[tilespmem:s6], [sflag:$0x3] =	stream.linear.gather [hbm4b:s31+s6], $0x70, $0x38;
	[tilespmem:$0x1B200] =	vst v63  }
0x57: {  	_ =	swait.ge [sflag:s17], $0x70  }
0x58: {  	[sflag:s17] =	ssyncset.done $0x0  }
0x59: {  	s31 =	sadd.s32 s29, s14;
	[sflag:s17] =	ssyncadd.s32 $0xFFFFFF90  }
0x5a: {  	[tilespmem:s18], [sflag:$0x3] =	stream.linear.gather [hbm4b:s31+s6], $0x70, $0x38;
	[tilespmem:$0x1B200] =	vst v63  }
0x5b: {  	_ =	swait.ge [sflag:s17], $0x70  }
0x5c: {  	[sflag:s17] =	ssyncset.done $0x0  }
0x5d: {  	[sflag:s17] =	ssyncadd.s32 $0xFFFFFF90  }
0x5e: {  	[tilespmem:s20], [sflag:$0x1] =	stream.indirect.gather [hbm4b:s7+s19], $0x80, s6, s19, $0xb8;
	[tilespmem:$0x1B200] =	vst v63  }
0x5f: {  	_ =	swait.ge [sflag:s25], $0x3800  }
.Ltmp2:
0x60: {  	[sflag:s25] =	ssyncset.done $0x0;
	(pc) =	sbr.rel @p1 .LBB2_4-.Ltmp2, $4  }
0x61: {  	[sflag:s25] =	ssyncadd.s32 $0xFFFFC800  }
0x62: {  	[spmem:s4] =	stream.indirect.scatter.add.f32 [tilespmem:s23], [sflag:$0x3], $0x80, s22, s19, $0xb8;
	[tilespmem:$0x1B200] =	vst v63  }
0x63: {  	_ =	swait.ge [sflag:s17], $0x3800  }
0x64: {  	s28 =	sadd.s32 $0x1C, s28;
	[sflag:s17] =	ssyncset.done $0x0  }
.LBB2_5:
0x65: {  	s30 =	sadd.s32 s28, s15;
	[sflag:s17] =	ssyncadd.s32 @p0 $0xFFFFC800  }
0x66: {  	[tilespmem:s21], [sflag:$0x3] =	stream.linear.gather [hbm4b:s30+s6], $0x70, $0x38;
	[tilespmem:$0x1B200] =	vst v63  }
0x67: {  	s29 =	sadd.s32 @p0 $0x1C, s29;
	s30 =	smov.u32 s2;
	_ =	swait.ge [sflag:s17], $0x70  }
0x68: {  	s30 =	smov.u32 @p0 s29;
	[sflag:s17] =	ssyncset.done $0x0  }
0x69: {  	s29 =	sadd.s32 s30, s15;
	[sflag:s17] =	ssyncadd.s32 $0xFFFFFF90  }
0x6a: {  	[tilespmem:s22], [sflag:$0x3] =	stream.linear.gather [hbm4b:s29+s6], $0x70, $0x38;
	[tilespmem:$0x1B200] =	vst v63  }
0x6b: {  	_ =	swait.ge [sflag:s17], $0x70  }
0x6c: {  	[sflag:s17] =	ssyncset.done $0x0  }
0x6d: {  	[sflag:s17] =	ssyncadd.s32 $0xFFFFFF90  }
0x6e: {  	[tilespmem:s23], [sflag:$0x2] =	stream.indirect.gather [hbm4b:s7+s19], $0x80, s21, s19, $0xb8;
	[tilespmem:$0x1B200] =	vst v63  }
0x6f: {  	_ =	swait.ge [sflag:s24], $0x3800  }
0x70: {  	[sflag:s24] =	ssyncset.done $0x0  }
0x71: {  	[sflag:s24] =	ssyncadd.s32 $0xFFFFC800  }
0x72: {  	[spmem:s4] =	stream.indirect.scatter.add.f32 [tilespmem:s20], [sflag:$0x3], $0x80, s18, s19, $0xb8;
	[tilespmem:$0x1B200] =	vst v63  }
0x73: {  	_ =	swait.ge [sflag:s17], $0x3800  }
0x74: {  	[sflag:s17] =	ssyncset.done $0x0  }
0x75: {  	s29 =	sadd.s32 s28, s14;
	[sflag:s17] =	ssyncadd.s32 $0xFFFFC800  }
0x76: {  	[tilespmem:s6], [sflag:$0x3] =	stream.linear.gather [hbm4b:s29+s6], $0x70, $0x38;
	[tilespmem:$0x1B200] =	vst v63  }
0x77: {  	_ =	swait.ge [sflag:s17], $0x70  }
0x78: {  	[sflag:s17] =	ssyncset.done $0x0  }
0x79: {  	s31 =	sadd.s32 s30, s14;
	[sflag:s17] =	ssyncadd.s32 $0xFFFFFF90  }
0x7a: {  	[tilespmem:s18], [sflag:$0x3] =	stream.linear.gather [hbm4b:s31+s6], $0x70, $0x38;
	[tilespmem:$0x1B200] =	vst v63  }
0x7b: {  	_ =	swait.ge [sflag:s17], $0x70  }
0x7c: {  	[sflag:s17] =	ssyncset.done $0x0  }
0x7d: {  	[sflag:s17] =	ssyncadd.s32 $0xFFFFFF90  }
0x7e: {  	[tilespmem:s20], [sflag:$0x1] =	stream.indirect.gather [hbm4b:s7+s19], $0x80, s6, s19, $0xb8;
	[tilespmem:$0x1B200] =	vst v63  }
0x7f: {  	_ =	swait.ge [sflag:s25], $0x3800  }
0x80: {  	[sflag:s25] =	ssyncset.done $0x0  }
0x81: {  	[sflag:s25] =	ssyncadd.s32 $0xFFFFC800  }
0x82: {  	[spmem:s4] =	stream.indirect.scatter.add.f32 [tilespmem:s23], [sflag:$0x3], $0x80, s22, s19, $0xb8;
	[tilespmem:$0x1B200] =	vst v63  }
0x83: {  	_ =	swait.ge [sflag:s17], $0x3800  }
0x84: {  	[sflag:s17] =	ssyncset.done $0x0  }
0x85: {  	[sflag:s17] =	ssyncadd.s32 $0xFFFFC800  }
0x86: {  	_ =	swait.ge [sflag:s24], $0x3800  }
0x87: {  	[sflag:s24] =	ssyncset.done $0x0  }
0x88: {  	s26 =	sadd.s32 $0x1, s26;
	[sflag:s24] =	ssyncadd.s32 $0xFFFFC800  }
0x89: {  	p0 =	sne.s32 s26, s13;
	[bflag:$0x0] =	sbarrier.arrive $0xFFFF  }
0x8a: {  	[hbm:s12], [sflag:s8] =	dma.local [spmem:s16], $0x2800  }
.Ltmp3:
0x8b: {  	_ = 	snop;
	(pc) =	sbr.rel @p0 .LBB2_1-.Ltmp3, $4  }
.Ltmp4:
0x8c: {  	_ = 	snop;
	(pc) =	sbr.rel @!p0 .LBB2_6-.Ltmp4, $4  }
0x8d: {  	_ =	swait.ge [sflag:s17], $0x2800  }
0x8e: {  	[sflag:s17] =	ssyncset.done $0x0  }
0x8f: {  	[sflag:s17] =	ssyncadd.s32 $0xFFFFD800  }
0x90: {  	_ = 	snop  }
.LBB2_3:
.Ltmp5:
0x91: {  	(pc) =	sbr.rel .LBB2_5-.Ltmp5, $2  }
0x92: {  	_ =	sdelay $0x2  }
0x93: {  	s29 =	smov.u32 s2  }
.LBB2_6:
0x94: {  	_ =	sfence.sel $0x180000  }
0x95: {  	[bflag:$0x0] =	sbarrier.arrive $0xFFFF  }
0x96: {  	p0 =	sne.s32 s5, $0x0;
	_ =	strace $0x90000050  }
0x97: {  	s0 =	sadd.s32 @!p0 $0x100000, s0;
	[bflag:$0x2] =	sbarrier.arrive $0xFFFF  }
0x98: {  	[sflag:s0] =	ssyncadd.tile.s32 @!p0 $0x1;
	_ =	shalt  }
.Lfunc_end2:
_tile_overlayer_lowered:
.L_overlay_start_2:
0x99: {  	(tag) =	ssettag $0x2  }
0x9a: {  	s0 =	rddreg [dreg:$0x0];
	s2 =	stileid.u32  }
0x9b: {  	s1 =	rddreg [dreg:$0x1];
	p0 =	sne.s32 s2, $0x0  }
0x9c: {  	s3 =	rddreg [dreg:$0x2];
	[bflag:$0x3] =	sbarrier.arrive $0xFFFF;
	s2 =	simm.s32 @!p0 $0x1C03  }
0x9d: {  	[timem:s3], [sflag:s2] =	dma.local @!p0 [hbm:s0], s1  }
0x9e: {  	s0 =	simm.s32 @!p0 $0x3  }
0x9f: {  	_ =	swait.ge @!p0 [sflag:s0], s1  }
0xa0: {  	s1 =	ssub.s32 @!p0 $0x0, s1;
	[sflag:s0] =	ssyncset.done @!p0 $0x0  }
0xa1: {  	[sflag:s0] =	ssyncadd.s32 @!p0 s1  }
0xa2: {  	[bflag:$0x3] =	sbarrier.arrive $0xFFFF  }
0xa3: {  	_ =	shalt  }

// kernel: kernel.25.cloned.1.call-start
scs
__scs_entry_jumppad:
0x0: {  	(pc) =	sbr.rel $0x88, $3  }
0x1: {  	(tag) =	ssettag $0x0;
	lr =	simm.s32 $0x1  }
0x2: {  	[smem:$0x3F91] =	sst lr;
	_ =	strace $0xD0000000  }
0x3: {  	_ = 	snop  }
0x4: {  	_ = 	snop  }
0x5: {  	_ = 	snop  }
0x6: {  	_ = 	snop  }
0x7: {  	_ = 	snop  }
__scs_overlays_trampoline_lowered:
0x8: {  	[smem:$0x3FA0] =	sst s0  }
0x9: {  	[smem:$0x3FA1] =	sst s1  }
0xa: {  	[smem:$0x3FA2] =	sst s2  }
0xb: {  	[smem:$0x3FA3] =	sst s3  }
0xc: {  	[smem:$0x3FA4] =	sst s4  }
0xd: {  	[smem:$0x3FA5] =	sst s5  }
0xe: {  	[smem:$0x3FA6] =	sst s6  }
0xf: {  	[smem:$0x3FA7] =	sst s7  }
0x10: {  	[smem:$0x3FA8] =	sst s8  }
0x11: {  	[smem:$0x3FA9] =	sst s9;
	s0 =	simm.s32 @!p0 $0x0  }
0x12: {  	s1 =	sld [smem:$0x3F8F];
	s0 =	simm.s32 @p0 $0x1  }
0x13: {  	[smem:$0x3FAA] =	sst s0;
	s0 =	simm.s32 @!p1 $0x0  }
0x14: {  	s2 =	sld [smem:$0x3F8E];
	s0 =	simm.s32 @p1 $0x1  }
0x15: {  	[smem:$0x3FAB] =	sst s0;
	s0 =	simm.s32 @!p2 $0x0  }
0x16: {  	s3 =	sld [smem:$0x3FDB];
	s0 =	simm.s32 @p2 $0x1  }
0x17: {  	s4 =	simm.s32 $0x1BF5;
	[smem:$0x3FAD] =	sst s0  }
0x18: {  	s0 =	sld [smem:$0x3F90];
	_ =	swait.ge [sflag:s4], $0x0  }
0x19: {  	s7 =	sld [smem:$0x3F91]  }
0x1a: {  	s8 =	sadd.s32 $0xFFFFE003, lr  }
0x1b: {  	s9 =	sadd.s32 $0xFFFFFEF7, lr;
	s5 =	simm.s32 $0xFFFFFFFF;
	p2 =	slt.u32 s8, $0xFFFFF086  }
0x1c: {  	p1 =	slt.u32 s9, $0xF7A;
	s5 =	simm.s32 @!p2 $0x0  }
0x1d: {  	s5 =	simm.s32 @p1 $0x1;
	p0 =	seq.s32 s7, s2  }
0x1e: {  	s7 =	smul.u32 @!p0 $0xF7A, s2;
	p2 =	seq.s32 @!p0 s5, $0x0  }
0x1f: {  	s9 =	smul.u32 $0xF7A, s1;
	s8 =	simm.s32 @!p0 $0x1BF5;
	p2 =	por !p2, p0  }
0x20: {  	[sflag:s8] =	ssyncset.s32 @!p0 $0xFFFFF086;
	s6 =	sadd.s32 @!p0 s3, s7;
	s7 =	simm.s32 @!p0 $0x108  }
0x21: {  	s3 =	sadd.s32 s3, s9;
	s6 =	sadd.s32 @!p0 $0x88, s6;
	s7 =	simm.s32 @p2 $0x1082  }
0x22: {  	[simem:s7], [sflag:s8] =	dma.local @!p0 [hbm:s6], $0xF7A  }
0x23: {  	s9 =	sor.u32 $0xD0000000, s2;
	s6 =	simm.s32 $0x108;
	_ =	swait.ge @!p0 [sflag:s8], $0x0  }
0x24: {  	s3 =	sadd.s32 $0x88, s3;
	s6 =	simm.s32 @!p1 $0x1082;
	[sflag:s4] =	ssyncset.s32 $0xFFFFF086  }
0x25: {  	[simem:s6], [sflag:s4] =	dma.local [hbm:s3], $0xF7A  }
0x26: {  	[smem:$0x3F91] =	sst s1;
	(tag) =	ssettag s2;
	_ =	strace s9  }
0x27: {  	s1 =	sld [smem:$0x3FA1]  }
0x28: {  	s2 =	sld [smem:$0x3FA2]  }
0x29: {  	s4 =	sld [smem:$0x3FA4]  }
0x2a: {  	p0 =	seq.s32 s5, $0x0;
	s5 =	sld [smem:$0x3FA5]  }
0x2b: {  	s6 =	sld [smem:$0x3FA6]  }
0x2c: {  	s7 =	sld [smem:$0x3FA7]  }
0x2d: {  	s3 =	simm.s32 $0x108;
	s8 =	sld [smem:$0x3FA8]  }
0x2e: {  	s3 =	simm.s32 @!p0 $0x1082;
	s9 =	sld [smem:$0x3FA9]  }
0x2f: {  	lr =	sadd.s32 s0, s3;
	s0 =	sld [smem:$0x3FA0]  }
0x30: {  	s3 =	sld [smem:$0x3FA3]  }
0x31: {  	[smem:$0x3FAC] =	sst s10  }
0x32: {  	s10 =	sld [smem:$0x3FAA];
	_ =	sdelay $0x3  }
0x33: {  	p0 =	seq.s32 s10, $0x1;
	s10 =	sld [smem:$0x3FAC];
	_ =	sdelay $0x3  }
0x34: {  	[smem:$0x3FAC] =	sst s10  }
0x35: {  	s10 =	sld [smem:$0x3FAB];
	_ =	sdelay $0x3  }
0x36: {  	p1 =	seq.s32 s10, $0x1;
	s10 =	sld [smem:$0x3FAC];
	_ =	sdelay $0x3  }
0x37: {  	[smem:$0x3FAC] =	sst s10  }
0x38: {  	s10 =	sld [smem:$0x3FAD]  }
0x39: {  	_ = 	snop;
	(pc) =	sbr.ind lr, $3  }
0x3a: {  	_ = 	snop  }
0x3b: {  	_ = 	snop  }
0x3c: {  	p2 =	seq.s32 s10, $0x1;
	s10 =	sld [smem:$0x3FAC]  }
0x3d: {  	_ =	shalt  }
0x3e: {  	_ =	shalt  }
0x3f: {  	_ =	shalt  }
0x40: {  	_ =	shalt  }
0x41: {  	_ =	shalt  }
0x42: {  	_ =	shalt  }
0x43: {  	_ =	shalt  }
0x44: {  	_ =	shalt  }
0x45: {  	_ =	shalt  }
0x46: {  	_ =	shalt  }
0x47: {  	_ =	shalt  }
0x48: {  	_ =	shalt  }
0x49: {  	_ =	shalt  }
0x4a: {  	_ =	shalt  }
0x4b: {  	_ =	shalt  }
0x4c: {  	_ =	shalt  }
0x4d: {  	_ =	shalt  }
0x4e: {  	_ =	shalt  }
0x4f: {  	_ =	shalt  }
0x50: {  	_ =	shalt  }
0x51: {  	_ =	shalt  }
0x52: {  	_ =	shalt  }
0x53: {  	_ =	shalt  }
0x54: {  	_ =	shalt  }
0x55: {  	_ =	shalt  }
0x56: {  	_ =	shalt  }
0x57: {  	_ =	shalt  }
0x58: {  	_ =	shalt  }
0x59: {  	_ =	shalt  }
0x5a: {  	_ =	shalt  }
0x5b: {  	_ =	shalt  }
0x5c: {  	_ =	shalt  }
0x5d: {  	_ =	shalt  }
0x5e: {  	_ =	shalt  }
0x5f: {  	_ =	shalt  }
0x60: {  	_ =	shalt  }
0x61: {  	_ =	shalt  }
0x62: {  	_ =	shalt  }
0x63: {  	_ =	shalt  }
0x64: {  	_ =	shalt  }
0x65: {  	_ =	shalt  }
0x66: {  	_ =	shalt  }
0x67: {  	_ =	shalt  }
0x68: {  	_ =	shalt  }
0x69: {  	_ =	shalt  }
0x6a: {  	_ =	shalt  }
0x6b: {  	_ =	shalt  }
0x6c: {  	_ =	shalt  }
0x6d: {  	_ =	shalt  }
0x6e: {  	_ =	shalt  }
0x6f: {  	_ =	shalt  }
0x70: {  	_ =	shalt  }
0x71: {  	_ =	shalt  }
0x72: {  	_ =	shalt  }
0x73: {  	_ =	shalt  }
0x74: {  	_ =	shalt  }
0x75: {  	_ =	shalt  }
0x76: {  	_ =	shalt  }
0x77: {  	_ =	shalt  }
0x78: {  	_ =	shalt  }
0x79: {  	_ =	shalt  }
0x7a: {  	_ =	shalt  }
0x7b: {  	_ =	shalt  }
0x7c: {  	_ =	shalt  }
0x7d: {  	_ =	shalt  }
0x7e: {  	_ =	shalt  }
0x7f: {  	_ =	shalt  }
0x80: {  	_ =	shalt  }
0x81: {  	_ =	shalt  }
0x82: {  	_ =	shalt  }
0x83: {  	_ =	shalt  }
0x84: {  	_ =	shalt  }
0x85: {  	_ =	shalt  }
0x86: {  	_ =	shalt  }
0x87: {  	_ =	shalt  }
.Lfunc_end0:
.L_simem_size_0:
called_computation.4_lowered:
.L_overlay_start_0:
0x88: {  	s2 =	sld [smem:$0x3FD9]  }
0x89: {  	s3 =	sld [smem:$0x3FFE];
	_ =	sdelay $0x1  }
0x8a: {  	s1 =	srdreg.scid  }
0x8b: {  	s0 =	sand.u32 $0x1, s1  }
0x8c: {  	s14 =	sshll.u32 s0, $0xA;
	s2 =	sadd.s32 s3, s2  }
0x8d: {  	s2 =	sadd.s32 s2, s14  }
0x8e: {  	[smem:$0x3FB8] =	sst s2  }
0x8f: {  	_ = 	snop  }
0x90: {  	s2 =	sld [smem:$0x3FD0];
	_ =	sdelay $0x2  }
0x91: {  	s15 =	simm.s32 $0xA;
	s4 =	simm.s32 $0x10  }
0x92: {  	[smem:s4], [sflag:s15] =	dma.local [hbm:s2], $0x1  }
0x93: {  	_ =	swait.eq [sflag:s15], $0x1  }
0x94: {  	s16 =	sld [smem:$0x12];
	[sflag:s15] =	ssyncset.done $0x0  }
0x95: {  	s17 =	sld [smem:$0x13];
	[sflag:s15] =	ssyncadd.s32 $0xFFFFFFFF  }
0x96: {  	s18 =	sld [smem:$0x14];
	(tm) =	ssettm $0x1  }
0x97: {  	s5 =	sld [smem:$0x3FFB];
	_ =	sdelay $0x3  }
0x98: {  	_ =	strace s5  }
0x99: {  	s5 =	sld [smem:$0x3FFC];
	_ =	sdelay $0x3  }
0x9a: {  	_ =	strace s5  }
0x9b: {  	s5 =	sld [smem:$0x3FFD];
	_ =	sdelay $0x3  }
0x9c: {  	_ =	strace s5  }
0x9d: {  	_ =	strace $0x8FFFFFFF  }
0x9e: {  	s19 =	sld [smem:$0x3FDB];
	_ =	sdelay $0x1  }
0x9f: {  	s6 =	simm.s32 $_scs_section_size  }
0xa0: {  	s7 =	simm.s32 $_size__tile_overlayer_lowered;
	s8 =	simm.s32 $_tile_overlayer_lowered  }
0xa1: {  	s22 =	simm.s32 $0x1BFF;
	s21 =	sshll.u32 s8, $0x1;
	s5 =	sadd.s32 s6, s19  }
0xa2: {  	s9 =	simm.s32 $0x0;
	s20 =	sshll.u32 s7, $0x1;
	s7 =	sadd.s32 s21, s5  }
0xa3: {  	[timem:s9], [sflag:s22] =	dma.local [hbm:s7], s20  }
0xa4: {  	_ =	swait.ge [sflag:s22], s20  }
0xa5: {  	s6 =	ssub.s32 $0x0, s20;
	[sflag:s22] =	ssyncset.done $0x0  }
0xa6: {  	[sflag:s22] =	ssyncadd.s32 s6;
	_ =	sdelay $0x1  }
0xa7: {  	s23 =	simm.s32 $0x1B8B  }
0xa8: {  	_ =	swait.ge [sflag:s23], $0x1  }
0xa9: {  	[sflag:s23] =	ssyncset.done $0x0  }
0xaa: {  	s25 =	simm.s32 $0x1B8E;
	s24 =	sld [smem:$0x3FFE];
	[sflag:s23] =	ssyncadd.s32 $0xFFFFFFFF  }
0xab: {  	s26 =	simm.s32 $execute0_lowered;
	[smem:$0x3FD2] =	sst s25  }
0xac: {  	s7 =	sshll.u32 s26, $0x1;
	_ =	strace $0x80000052;
	[dreg:$0x1] =	wrdreg $0xFFFFFFFF  }
0xad: {  	s28 =	simm.s32 $_size_execute0_lowered;
	s5 =	sadd.s32 s5, s7;
	[dreg:$0x0] =	wrdreg $0x0  }
0xae: {  	s7 =	sshll.u32 s28, $0x1;
	[dreg:$0x2] =	wrdreg s5  }
0xaf: {  	[dreg:$0x3] =	wrdreg s7  }
0xb0: {  	[dreg:$0x4] =	wrdreg $0xC0  }
0xb1: {  	_ =	task [dreg:s9], $0x5FFFF  }
0xb2: {  	[dreg:$0x1] =	wrdreg $0xFFFFFFFF  }
0xb3: {  	[dreg:$0x0] =	wrdreg $0x60  }
0xb4: {  	[dreg:$0x2] =	wrdreg s24  }
0xb5: {  	[dreg:$0x3] =	wrdreg s18  }
0xb6: {  	[dreg:$0x4] =	wrdreg s17  }
0xb7: {  	[dreg:$0x5] =	wrdreg s16  }
0xb8: {  	[dreg:$0x6] =	wrdreg $0x72000  }
0xb9: {  	[dreg:$0x7] =	wrdreg $0x9  }
0xba: {  	_ =	task.clear_ibuf [dreg:s9], $0x8FFFF;
	_ =	strace $0x90000052  }
0xbb: {  	s29 =	simm.s32 $0x9;
	_ =	strace $0x80000054  }
0xbc: {  	_ =	swait.ge [sflag:s29], $0x1  }
0xbd: {  	[sflag:s29] =	ssyncadd.s32 $0xFFFFFFFF  }
0xbe: {  	_ =	strace $0x90000054  }
0xbf: {  	_ =	sfence  }
0xc0: {  	s30 =	sld [smem:$0x0];
	_ =	sdelay $0x2  }
0xc1: {  	s31 =	sshll.u32 s1, $0xD;
	s1 =	sshrl.u32 s1, $0x2  }
0xc2: {  	s3 =	sand.u32 $0x4000, s31;
	s1 =	sadd.s32 s1, s30  }
0xc3: {  	s0 =	sor.u32 s3, s0;
	s1 =	sshll.u32 s1, $0x11  }
0xc4: {  	s0 =	sor.u32 s1, s0  }
0xc5: {  	s0 =	sadd.s32 $0x8F2B, s0  }
0xc6: {  	[sflag:s0] =	ssyncadd.remote.s32 $0x1  }
0xc7: {  	_ =	sfence.sel $0xFFFF  }
0xc8: {  	[dreg:$0x0] =	wrdreg $0xFFFFFFFF;
	(pc) =	sbr.abs _section_cstart, $3  }
0xc9: {  	[dreg:$0x1] =	wrdreg $0xFFFFFFFF  }
0xca: {  	_ =	task.clear_ibuf [dreg:s9], $0x2FFFF;
	_ =	strace $0x9FFFFFFF  }
0xcb: {  	(tm) =	ssettm $0x7FFFFFFF  }
tec
execute0_lowered:
.L_overlay_start_1:
0x0: {  	(tag) =	ssettag $0x1  }
0x1: {  	s7 =	rddreg [dreg:$0x0]  }
0x2: {  	s1 =	rddreg [dreg:$0x1]  }
0x3: {  	s12 =	rddreg [dreg:$0x2]  }
0x4: {  	s2 =	rddreg [dreg:$0x3]  }
0x5: {  	s3 =	rddreg [dreg:$0x4];
	s4 =	srdreg.scid  }
0x6: {  	s5 =	simm.s32 $0x0;
	s18 =	simm.s32 $0x70;
	s19 =	simm.s32 $0x200  }
0x7: {  	s20 =	simm.s32 $0x80;
	s21 =	simm.s32 $0x180;
	s8 =	sand.u32 $0x1, s4  }
0x8: {  	s22 =	simm.s32 $0x3A00;
	s4 =	stileid.u32;
	s9 =	smul.u32 $0x140000, s8  }
0x9: {  	s23 =	simm.s32 $0x1;
	s24 =	simm.s32 $0x2;
	s10 =	smul.u32 $0x14000, s4  }
0xa: {  	[smem:$0x7FF] =	sst s5;
	s6 =	sadd.s32 $0x4E00, s7;
	s11 =	smul.u32 $0x50000, s4  }
0xb: {  	_ =	strace $0x80000053;
	s25 =	ssub.s32 $0x2, s8;
	s13 =	smul.u32 $0x4EC0, s4  }
0xc: {  	s8 =	smul.u32 $0x4EC00, s8;
	s28 =	sshll.u32 s4, $0x6;
	s14 =	sshrl.u32 s25, $0x1  }
0xd: {  	s30 =	smul.u32 $0x9D8, s4;
	s9 =	sadd.s32 s10, s9;
	s14 =	ssub.s32 s25, s14  }
0xe: {  	s26 =	sshrl.u32 s11, $0x2;
	s17 =	sadd.s32 s13, s8;
	s29 =	sshrl.u32 s13, $0x3  }
0xf: {  	s25 =	simm.s32 $0x0;
	s9 =	sshrl.u32 s9, $0x3;
	s16 =	sadd.s32 s26, s3  }
0x10: {  	s8 =	sshrl.u32 s17, $0x3;
	s11 =	smax.u32 s14, $0x1;
	s31 =	sadd.s32 $0x70, s17  }
0x11: {  	s13 =	sadd.s32 $0xE0, s17;
	s17 =	simm.s32 $0x100;
	s15 =	sadd.s32 s9, s7  }
0x12: {  	s7 =	sor.u32 $0x1C03, s28;
	s8 =	sadd.s32 s1, s8;
	s9 =	sadd.s32 s12, s29  }
0x13: {  	s12 =	sadd.s32 s30, s12;
	s14 =	sshrl.u32 s31, $0x3;
	s10 =	sadd.s32 $0x54E00, s15  }
0x14: {  	s14 =	sadd.s32 s14, s1;
	s15 =	sshrl.u32 s16, $0x3;
	s16 =	simm.s32 $0x3  }
.LBB2_1:
0x15: {  	[spmem:s15], [sflag:s7] =	dma.local [hbm:s2], $0x2800  }
0x16: {  	_ =	swait.ge [sflag:s16], $0x2800  }
0x17: {  	[sflag:s16] =	ssyncset.done $0x0  }
0x18: {  	[sflag:s16] =	ssyncadd.s32 $0xFFFFD800  }
0x19: {  	[bflag:$0x0] =	sbarrier.arrive $0xFFFF  }
0x1a: {  	[tilespmem:s5], [sflag:$0x3] =	stream.linear.gather [hbm4b:s8+s5], $0x70, $0x38;
	[tilespmem:$0x1B200] =	vst v63  }
0x1b: {  	_ =	swait.ge [sflag:s16], $0x70  }
0x1c: {  	[sflag:s16] =	ssyncset.done $0x0  }
0x1d: {  	[sflag:s16] =	ssyncadd.s32 $0xFFFFFF90  }
0x1e: {  	[tilespmem:s17], [sflag:$0x3] =	stream.linear.gather [hbm4b:s9+s5], $0x70, $0x38;
	[tilespmem:$0x1B200] =	vst v63  }
0x1f: {  	_ =	swait.ge [sflag:s16], $0x70  }
0x20: {  	[sflag:s16] =	ssyncset.done $0x0  }
0x21: {  	[sflag:s16] =	ssyncadd.s32 $0xFFFFFF90  }
0x22: {  	[tilespmem:s19], [sflag:$0x1] =	stream.indirect.gather [hbm4b:s6+s18], $0x80, s5, s18, $0xb8;
	[tilespmem:$0x1B200] =	vst v63  }
0x23: {  	s26 =	sadd.s32 $0x0, s14  }
0x24: {  	[tilespmem:s20], [sflag:$0x3] =	stream.linear.gather [hbm4b:s26+s5], $0x70, $0x38;
	[tilespmem:$0x1B200] =	vst v63  }
0x25: {  	_ =	swait.ge [sflag:s16], $0x70  }
0x26: {  	s31 =	sadd.s32 $0x0, s12;
	[sflag:s16] =	ssyncset.done $0x0  }
0x27: {  	s28 =	sadd.s32 $0xE, s31;
	[sflag:s16] =	ssyncadd.s32 $0xFFFFFF90  }
0x28: {  	[tilespmem:s21], [sflag:$0x3] =	stream.linear.gather [hbm4b:s28+s5], $0x70, $0x38;
	[tilespmem:$0x1B200] =	vst v63  }
0x29: {  	_ =	swait.ge [sflag:s16], $0x70  }
0x2a: {  	[sflag:s16] =	ssyncset.done $0x0  }
0x2b: {  	[sflag:s16] =	ssyncadd.s32 $0xFFFFFF90  }
0x2c: {  	[tilespmem:s22], [sflag:$0x2] =	stream.indirect.gather [hbm4b:s6+s18], $0x80, s20, s18, $0xb8;
	[tilespmem:$0x1B200] =	vst v63  }
0x2d: {  	_ =	swait.ge [sflag:s23], $0x3800  }
0x2e: {  	[sflag:s23] =	ssyncset.done $0x0  }
0x2f: {  	[sflag:s23] =	ssyncadd.s32 $0xFFFFC800  }
0x30: {  	[spmem:s3] =	stream.indirect.scatter.add.f32 [tilespmem:s19], [sflag:$0x3], $0x80, s17, s18, $0xb8;
	[tilespmem:$0x1B200] =	vst v63  }
0x31: {  	_ =	swait.ge [sflag:s16], $0x3800  }
0x32: {  	s28 =	sshrl.u32 s13, $0x3;
	[sflag:s16] =	ssyncset.done $0x0  }
0x33: {  	s28 =	sadd.s32 s1, s28;
	[sflag:s16] =	ssyncadd.s32 $0xFFFFC800  }
0x34: {  	[tilespmem:s5], [sflag:$0x3] =	stream.linear.gather [hbm4b:s28+s5], $0x70, $0x38;
	[tilespmem:$0x1B200] =	vst v63  }
0x35: {  	_ =	swait.ge [sflag:s16], $0x70  }
0x36: {  	[sflag:s16] =	ssyncset.done $0x0  }
0x37: {  	s26 =	sadd.s32 $0x1C, s31;
	[sflag:s16] =	ssyncadd.s32 $0xFFFFFF90  }
0x38: {  	[tilespmem:s17], [sflag:$0x3] =	stream.linear.gather [hbm4b:s26+s5], $0x70, $0x38;
	[tilespmem:$0x1B200] =	vst v63  }
0x39: {  	_ =	swait.ge [sflag:s16], $0x70  }
0x3a: {  	[sflag:s16] =	ssyncset.done $0x0  }
0x3b: {  	[sflag:s16] =	ssyncadd.s32 $0xFFFFFF90  }
0x3c: {  	[tilespmem:s19], [sflag:$0x1] =	stream.indirect.gather [hbm4b:s6+s18], $0x80, s5, s18, $0xb8;
	[tilespmem:$0x1B200] =	vst v63  }
0x3d: {  	_ =	swait.ge [sflag:s24], $0x3800  }
0x3e: {  	[sflag:s24] =	ssyncset.done $0x0  }
0x3f: {  	[sflag:s24] =	ssyncadd.s32 $0xFFFFC800  }
0x40: {  	[spmem:s3] =	stream.indirect.scatter.add.f32 [tilespmem:s22], [sflag:$0x3], $0x80, s21, s18, $0xb8;
	[tilespmem:$0x1B200] =	vst v63  }
0x41: {  	s30 =	simm.s32 $0x38;
	_ =	swait.ge [sflag:s16], $0x3800  }
0x42: {  	s28 =	simm.s32 $0x1C;
	s26 =	sadd.s32 $0xE0, s13;
	[sflag:s16] =	ssyncset.done $0x0  }
.LBB2_2:
0x43: {  	s31 =	sadd.s32 s28, s14  }
0x44: {  	[sflag:s16] =	ssyncadd.s32 $0xFFFFC800;
	s0 =	smov.u32 s30;
	s29 =	sadd.s32 $0x1C, s30  }
0x45: {  	[tilespmem:s20], [sflag:$0x3] =	stream.linear.gather [hbm4b:s31+s5], $0x70, $0x38;
	[tilespmem:$0x1B200] =	vst v63  }
0x46: {  	p0 =	sne.s32 s30, $0x9BC;
	_ =	swait.ge [sflag:s16], $0x70  }
0x47: {  	s30 =	sadd.s32 s28, s12;
	s28 =	smov.u32 s0;
	[sflag:s16] =	ssyncset.done $0x0  }
0x48: {  	s0 =	sadd.s32 $0xE, s30;
	[sflag:s16] =	ssyncadd.s32 $0xFFFFFF90  }
0x49: {  	[tilespmem:s21], [sflag:$0x3] =	stream.linear.gather [hbm4b:s0+s5], $0x70, $0x38;
	[tilespmem:$0x1B200] =	vst v63  }
0x4a: {  	_ =	swait.ge [sflag:s16], $0x70  }
0x4b: {  	[sflag:s16] =	ssyncset.done $0x0  }
0x4c: {  	[sflag:s16] =	ssyncadd.s32 $0xFFFFFF90  }
0x4d: {  	[tilespmem:s22], [sflag:$0x2] =	stream.indirect.gather [hbm4b:s6+s18], $0x80, s20, s18, $0xb8;
	[tilespmem:$0x1B200] =	vst v63  }
0x4e: {  	_ =	swait.ge [sflag:s23], $0x3800  }
0x4f: {  	[sflag:s23] =	ssyncset.done $0x0  }
0x50: {  	[sflag:s23] =	ssyncadd.s32 $0xFFFFC800  }
0x51: {  	[spmem:s3] =	stream.indirect.scatter.add.f32 [tilespmem:s19], [sflag:$0x3], $0x80, s17, s18, $0xb8;
	[tilespmem:$0x1B200] =	vst v63  }
0x52: {  	_ =	swait.ge [sflag:s16], $0x3800  }
0x53: {  	s0 =	sshrl.u32 s26, $0x3;
	[sflag:s16] =	ssyncset.done $0x0  }
0x54: {  	s0 =	sadd.s32 s1, s0;
	[sflag:s16] =	ssyncadd.s32 $0xFFFFC800  }
0x55: {  	[tilespmem:s5], [sflag:$0x3] =	stream.linear.gather [hbm4b:s0+s5], $0x70, $0x38;
	[tilespmem:$0x1B200] =	vst v63  }
0x56: {  	_ =	swait.ge [sflag:s16], $0x70  }
0x57: {  	[sflag:s16] =	ssyncset.done $0x0  }
0x58: {  	s0 =	sadd.s32 $0x1C, s30;
	[sflag:s16] =	ssyncadd.s32 $0xFFFFFF90  }
0x59: {  	[tilespmem:s17], [sflag:$0x3] =	stream.linear.gather [hbm4b:s0+s5], $0x70, $0x38;
	[tilespmem:$0x1B200] =	vst v63  }
0x5a: {  	_ =	swait.ge [sflag:s16], $0x70  }
0x5b: {  	[sflag:s16] =	ssyncset.done $0x0  }
0x5c: {  	[sflag:s16] =	ssyncadd.s32 $0xFFFFFF90  }
0x5d: {  	[tilespmem:s19], [sflag:$0x1] =	stream.indirect.gather [hbm4b:s6+s18], $0x80, s5, s18, $0xb8;
	[tilespmem:$0x1B200] =	vst v63  }
0x5e: {  	_ =	swait.ge [sflag:s24], $0x3800  }
.Ltmp0:
0x5f: {  	[sflag:s24] =	ssyncset.done $0x0;
	(pc) =	sbr.rel @p0 .LBB2_2-.Ltmp0, $4  }
0x60: {  	[sflag:s24] =	ssyncadd.s32 $0xFFFFC800  }
0x61: {  	[spmem:s3] =	stream.indirect.scatter.add.f32 [tilespmem:s22], [sflag:$0x3], $0x80, s21, s18, $0xb8;
	[tilespmem:$0x1B200] =	vst v63  }
0x62: {  	_ =	swait.ge [sflag:s16], $0x3800  }
0x63: {  	s26 =	sadd.s32 $0xE0, s26;
	s30 =	smov.u32 s29;
	[sflag:s16] =	ssyncset.done $0x0  }
0x64: {  	s0 =	sadd.s32 s28, s14;
	[sflag:s16] =	ssyncadd.s32 $0xFFFFC800  }
0x65: {  	[tilespmem:s20], [sflag:$0x3] =	stream.linear.gather [hbm4b:s0+s5], $0x70, $0x38;
	[tilespmem:$0x1B200] =	vst v63  }
0x66: {  	_ =	swait.ge [sflag:s16], $0x70  }
0x67: {  	s31 =	sadd.s32 s28, s12;
	[sflag:s16] =	ssyncset.done $0x0  }
0x68: {  	s28 =	sadd.s32 $0xE, s31;
	[sflag:s16] =	ssyncadd.s32 $0xFFFFFF90  }
0x69: {  	[tilespmem:s21], [sflag:$0x3] =	stream.linear.gather [hbm4b:s28+s5], $0x70, $0x38;
	[tilespmem:$0x1B200] =	vst v63  }
0x6a: {  	_ =	swait.ge [sflag:s16], $0x70  }
0x6b: {  	[sflag:s16] =	ssyncset.done $0x0  }
0x6c: {  	[sflag:s16] =	ssyncadd.s32 $0xFFFFFF90  }
0x6d: {  	[tilespmem:s22], [sflag:$0x2] =	stream.indirect.gather [hbm4b:s6+s18], $0x80, s20, s18, $0xb8;
	[tilespmem:$0x1B200] =	vst v63  }
0x6e: {  	_ =	swait.ge [sflag:s23], $0x3800  }
0x6f: {  	[sflag:s23] =	ssyncset.done $0x0  }
0x70: {  	[sflag:s23] =	ssyncadd.s32 $0xFFFFC800  }
0x71: {  	[spmem:s3] =	stream.indirect.scatter.add.f32 [tilespmem:s19], [sflag:$0x3], $0x80, s17, s18, $0xb8;
	[tilespmem:$0x1B200] =	vst v63  }
0x72: {  	_ =	swait.ge [sflag:s16], $0x3800  }
0x73: {  	s26 =	sshrl.u32 s26, $0x3;
	[sflag:s16] =	ssyncset.done $0x0  }
0x74: {  	s26 =	sadd.s32 s1, s26;
	[sflag:s16] =	ssyncadd.s32 $0xFFFFC800  }
0x75: {  	[tilespmem:s5], [sflag:$0x3] =	stream.linear.gather [hbm4b:s26+s5], $0x70, $0x38;
	[tilespmem:$0x1B200] =	vst v63  }
0x76: {  	_ =	swait.ge [sflag:s16], $0x70  }
0x77: {  	[sflag:s16] =	ssyncset.done $0x0  }
0x78: {  	s0 =	sadd.s32 $0x1C, s31;
	[sflag:s16] =	ssyncadd.s32 $0xFFFFFF90  }
0x79: {  	[tilespmem:s17], [sflag:$0x3] =	stream.linear.gather [hbm4b:s0+s5], $0x70, $0x38;
	[tilespmem:$0x1B200] =	vst v63  }
0x7a: {  	_ =	swait.ge [sflag:s16], $0x70  }
0x7b: {  	[sflag:s16] =	ssyncset.done $0x0  }
0x7c: {  	[sflag:s16] =	ssyncadd.s32 $0xFFFFFF90  }
0x7d: {  	[tilespmem:s19], [sflag:$0x1] =	stream.indirect.gather [hbm4b:s6+s18], $0x80, s5, s18, $0xb8;
	[tilespmem:$0x1B200] =	vst v63  }
0x7e: {  	_ =	swait.ge [sflag:s24], $0x3800  }
0x7f: {  	[sflag:s24] =	ssyncset.done $0x0  }
0x80: {  	[sflag:s24] =	ssyncadd.s32 $0xFFFFC800  }
0x81: {  	[spmem:s3] =	stream.indirect.scatter.add.f32 [tilespmem:s22], [sflag:$0x3], $0x80, s21, s18, $0xb8;
	[tilespmem:$0x1B200] =	vst v63  }
0x82: {  	_ =	swait.ge [sflag:s16], $0x3800  }
0x83: {  	[sflag:s16] =	ssyncset.done $0x0  }
0x84: {  	[sflag:s16] =	ssyncadd.s32 $0xFFFFC800  }
0x85: {  	_ =	swait.ge [sflag:s23], $0x3800  }
0x86: {  	s25 =	sadd.s32 $0x1, s25;
	[sflag:s23] =	ssyncset.done $0x0  }
0x87: {  	p0 =	sne.s32 s25, s11;
	[sflag:s23] =	ssyncadd.s32 $0xFFFFC800  }
.Ltmp1:
0x88: {  	[bflag:$0x0] =	sbarrier.arrive $0xFFFF;
	(pc) =	sbr.rel @p0 .LBB2_1-.Ltmp1, $4  }
0x89: {  	[hbm:s10], [sflag:s7] =	dma.local [spmem:s15], $0x2800  }
0x8a: {  	_ =	swait.ge [sflag:s16], $0x2800  }
0x8b: {  	[sflag:s16] =	ssyncset.done $0x0  }
0x8c: {  	[sflag:s16] =	ssyncadd.s32 $0xFFFFD800  }
0x8d: {  	_ =	sfence.sel $0x180000  }
0x8e: {  	[bflag:$0x0] =	sbarrier.arrive $0xFFFF  }
0x8f: {  	_ =	strace $0x90000053  }
0x90: {  	[bflag:$0x2] =	sbarrier.arrive $0xFFFF  }
0x91: {  	p0 =	sne.s32 s4, $0x0;
	s0 =	rddreg [dreg:$0x5]  }
0x92: {  	s0 =	sadd.s32 @!p0 $0x100000, s0  }
0x93: {  	[sflag:s0] =	ssyncadd.tile.s32 @!p0 $0x1;
	_ =	shalt  }
.Lfunc_end2:
_tile_overlayer_lowered:
.L_overlay_start_2:
0x94: {  	(tag) =	ssettag $0x2  }
0x95: {  	s0 =	rddreg [dreg:$0x0];
	s2 =	stileid.u32  }
0x96: {  	s1 =	rddreg [dreg:$0x1];
	p0 =	sne.s32 s2, $0x0  }
0x97: {  	s3 =	rddreg [dreg:$0x2];
	[bflag:$0x3] =	sbarrier.arrive $0xFFFF;
	s2 =	simm.s32 @!p0 $0x1C03  }
0x98: {  	[timem:s3], [sflag:s2] =	dma.local @!p0 [hbm:s0], s1  }
0x99: {  	s0 =	simm.s32 @!p0 $0x3  }
0x9a: {  	_ =	swait.ge @!p0 [sflag:s0], s1  }
0x9b: {  	s1 =	ssub.s32 @!p0 $0x0, s1;
	[sflag:s0] =	ssyncset.done @!p0 $0x0  }
0x9c: {  	[sflag:s0] =	ssyncadd.s32 @!p0 s1  }
0x9d: {  	[bflag:$0x3] =	sbarrier.arrive $0xFFFF  }
0x9e: {  	_ =	shalt  }

</sc_bundles>
